<compile_context>
chip_gen: v7x
topology: tpu7x:2x2x1
jax: 0.10.2.dev20260603
libtpu: 0.0.44.dev20260713+nightly
codegen_flags: <defaults>
</compile_context>

<pallas_src>
import functools

import jax
import jax.numpy as jnp
from jax import lax
from jax.experimental import pallas as pl
from jax.experimental.pallas import tpu as pltpu
from jax.experimental.pallas import tpu_sc as plsc

_NC = 2
_NS = 16
_NW = _NC * _NS

_TP = 56


@functools.cache
def _build(B, T, V, D, dtype):
    BPW = B // _NW

    mesh = plsc.VectorSubcoreMesh(
        core_axis_name="c", subcore_axis_name="s",
        num_cores=_NC, num_subcores=_NS)

    @functools.partial(
        pl.kernel,
        mesh=mesh,
        out_type=jax.ShapeDtypeStruct((B, T, D), dtype),
        compiler_params=pltpu.CompilerParams(use_tc_tiling_on_sc=False),
        scratch_types=[
            pltpu.VMEM((BPW * _TP,), jnp.int32),
            pltpu.VMEM((T, D), dtype),
            pltpu.VMEM((T, D), dtype),
            pltpu.SemaphoreType.DMA,
            pltpu.SemaphoreType.DMA,
            pltpu.SemaphoreType.DMA,
            pltpu.SemaphoreType.DMA,
        ],
    )
    def run(idx_hbm, tab_hbm, zrow_hbm, out_hbm,
            idxv, buf0, buf1, g0, g1, w0, w1):
        wid = lax.axis_index("s") * _NC + lax.axis_index("c")
        b0 = wid * BPW

        pltpu.sync_copy(idx_hbm.at[pl.ds(b0 * _TP, BPW * _TP)], idxv)
        pltpu.sync_copy(zrow_hbm, buf0.at[pl.ds(0, 1)])
        pltpu.sync_copy(zrow_hbm, buf1.at[pl.ds(0, 1)])

        bufs = (buf0, buf1)
        gsems = (g0, g1)
        wsems = (w0, w1)

        def gather(j, p):
            return pltpu.async_copy(
                tab_hbm.at[idxv.at[pl.ds(j * _TP, T - 1)]],
                bufs[p].at[pl.ds(1, T - 1)],
                gsems[p])

        gh = {0: gather(0, 0)}
        wh = {}
        for j in range(BPW):
            p = j & 1
            gh[j].wait()
            if j + 1 < BPW:
                if j >= 1:
                    wh[j - 1].wait()
                gh[j + 1] = gather(j + 1, 1 - p)
            wh[j] = pltpu.async_copy(bufs[p], out_hbm.at[b0 + j], wsems[p])
        wh[BPW - 2].wait()
        wh[BPW - 1].wait()

    return run


def kernel(idx, log_probs):
    B, T = idx.shape
    V, D = log_probs.shape
    assert B % _NW == 0, (B, _NW)
    assert T - 1 <= _TP
    idx_pad = jnp.zeros((B, _TP), jnp.int32)
    idx_pad = idx_pad.at[:, : T - 1].set(idx[:, : T - 1].astype(jnp.int32))
    zrow = jnp.zeros((1, D), log_probs.dtype)
    return _build(B, T, V, D, log_probs.dtype)(
        idx_pad.reshape(-1), log_probs, zrow)

# --- scband reference (transcript-rebuilt; emitter-appended) ---
"""Pipeline reference for scband-bigram-ref-16518444220989 (READ-ONLY COPY).

The authoritative reference and input builder live on the scoring server;
editing this copy changes nothing except your own understanding.
"""

import jax, jax.numpy as jnp
import numpy as np

V = 1000

def setup_inputs(seed: int = 0) -> dict:
    key = jax.random.key(seed)
    k1, k2 = jax.random.split(key)
    idx = jax.random.randint(k1, (1024, 50), 0, V)
    # Materialize the log-prob table buffer. In the torch module this is built from
    # bigram_counts + smoothing then row-normalized and logged; we emulate with
    # random nonnegative counts + smoothing=1.0 so the table is non-degenerate.
    counts = jax.random.uniform(k2, (V, V)) * 5.0
    probs = counts + 1.0
    probs = probs / probs.sum(axis=1, keepdims=True)
    log_probs = jnp.log(probs + 1e-10)
    return {"idx": idx, "log_probs": log_probs}

def reference(idx, log_probs):
    B, T = idx.shape
    Vv = log_probs.shape[0]
    # logits[:, 0, :] = 0; logits[:, t, :] = log_probs[idx[:, t-1], :] for t >= 1
    prev = idx[:, :-1]                       # [B, T-1]
    rest = jnp.take(log_probs, prev, axis=0) # [B, T-1, V] gather (embedding lookup)
    first = jnp.zeros((B, 1, Vv), dtype=log_probs.dtype)
    logits = jnp.concatenate([first, rest], axis=1)  # [B, T, V]
    return logits

if __name__ == "__main__":
    import jax
    _d = setup_inputs()
    print(jax.jit(kernel)(*tuple(_d.values())))

</pallas_src>

<mosaic_0001>
#map = affine_map<(d0, d1) -> (0)>
#map1 = affine_map<(d0, d1) -> (0, 0)>
#map2 = affine_map<(d0, d1) -> (0, 0, 0)>
module attributes {stable_mosaic.version = 14 : i64} {
  func.func @run(%arg0: i32, %arg1: i32, %arg2: memref<57344xi32, #tpu.memory_space<hbm>>, %arg3: memref<1000x1000xf32, #tpu.memory_space<hbm>>, %arg4: memref<1x1000xf32, #tpu.memory_space<hbm>>, %arg5: memref<1024x50x1000xf32, #tpu.memory_space<hbm>>, %arg6: memref<1792xi32, #tpu.memory_space<vmem>>, %arg7: memref<50x1000xf32, #tpu.memory_space<vmem>>, %arg8: memref<50x1000xf32, #tpu.memory_space<vmem>>, %arg9: memref<!tpu.dma_semaphore, #tpu.memory_space<semaphore_mem>>, %arg10: memref<!tpu.dma_semaphore, #tpu.memory_space<semaphore_mem>>, %arg11: memref<!tpu.dma_semaphore, #tpu.memory_space<semaphore_mem>>, %arg12: memref<!tpu.dma_semaphore, #tpu.memory_space<semaphore_mem>>) attributes {dimension_semantics = [#tpu.dimension_semantics<core_parallel>, #tpu.dimension_semantics<subcore_parallel>], iteration_bounds = array<i64: 2, 16>, scalar_prefetch = 0 : i64, scratch_operands = 7 : i64, tpu.core_type = #tpu.core_type<sc_vector_subcore>, window_params = [{transform_indices = #map}, {transform_indices = #map1}, {transform_indices = #map1}, {transform_indices = #map2}]} {
    %mul3A = arith.constant 2 : i32
    %mul3A_0 = arith.muli %arg1, %mul3A : i32
    %add3A = arith.addi %mul3A_0, %arg0 : i32
    %mul3A_1 = arith.constant 32 : i32
    %mul3A_2 = arith.muli %add3A, %mul3A_1 : i32
    %mul3A_3 = arith.constant 56 : i32
    %mul3A_4 = arith.muli %mul3A_2, %mul3A_3 : i32
    "tpu.region"() ({
      %run_scoped3A = tpu.sem_alloc : memref<!tpu.dma_semaphore, #tpu.memory_space<semaphore_mem>>
      %dma_start3A_1091 = tpu.memref_slice %arg2[%mul3A_4] : memref<57344xi32, #tpu.memory_space<hbm>> -> memref<1792xi32, #tpu.memory_space<hbm>>
      %dma_start3A_1092 = tpu.memref_slice %arg2[%mul3A_4] : memref<57344xi32, #tpu.memory_space<hbm>> -> memref<1792xi32, #tpu.memory_space<hbm>>
      tpu.enqueue_dma source(%dma_start3A_1092 : memref<1792xi32, #tpu.memory_space<hbm>>) target(%arg6 : memref<1792xi32, #tpu.memory_space<vmem>>) target_semaphore(%run_scoped3A : memref<!tpu.dma_semaphore, #tpu.memory_space<semaphore_mem>>)
      %dma_wait3A_1093 = tpu.memref_slice %arg2[%mul3A_4] : memref<57344xi32, #tpu.memory_space<hbm>> -> memref<1792xi32, #tpu.memory_space<hbm>>
      %dma_wait3A_1094 = tpu.memref_slice %arg2[%mul3A_4] : memref<57344xi32, #tpu.memory_space<hbm>> -> memref<1792xi32, #tpu.memory_space<hbm>>
      tpu.wait_dma2 semaphore(%run_scoped3A : memref<!tpu.dma_semaphore, #tpu.memory_space<semaphore_mem>>) src(%dma_wait3A_1094 : memref<1792xi32, #tpu.memory_space<hbm>>) dst(%arg6 : memref<1792xi32, #tpu.memory_space<vmem>>)
      tpu.yield
    }) : () -> ()
    "tpu.region"() ({
      %run_scoped3A = tpu.sem_alloc : memref<!tpu.dma_semaphore, #tpu.memory_space<semaphore_mem>>
      %dma_start3A_1091 = arith.constant 0 : i32
      %dma_start3A_1092 = arith.constant 0 : i32
      %dma_start3A_1093 = tpu.memref_slice %arg7[%dma_start3A_1091, %dma_start3A_1092] : memref<50x1000xf32, #tpu.memory_space<vmem>> -> memref<1x1000xf32, #tpu.memory_space<vmem>>
      %dma_start3A_1094 = arith.constant 0 : i32
      %dma_start3A_1095 = arith.constant 0 : i32
      %dma_start3A_1096 = tpu.memref_slice %arg7[%dma_start3A_1094, %dma_start3A_1095] : memref<50x1000xf32, #tpu.memory_space<vmem>> -> memref<1x1000xf32, #tpu.memory_space<vmem>>
      tpu.enqueue_dma source(%arg4 : memref<1x1000xf32, #tpu.memory_space<hbm>>) target(%dma_start3A_1096 : memref<1x1000xf32, #tpu.memory_space<vmem>>) target_semaphore(%run_scoped3A : memref<!tpu.dma_semaphore, #tpu.memory_space<semaphore_mem>>)
      %dma_wait3A_1097 = arith.constant 0 : i32
      %dma_wait3A_1098 = arith.constant 0 : i32
      %dma_wait3A_1099 = tpu.memref_slice %arg7[%dma_wait3A_1097, %dma_wait3A_1098] : memref<50x1000xf32, #tpu.memory_space<vmem>> -> memref<1x1000xf32, #tpu.memory_space<vmem>>
      %dma_wait3A_1100 = arith.constant 0 : i32
      %dma_wait3A_1101 = arith.constant 0 : i32
      %dma_wait3A_1102 = tpu.memref_slice %arg7[%dma_wait3A_1100, %dma_wait3A_1101] : memref<50x1000xf32, #tpu.memory_space<vmem>> -> memref<1x1000xf32, #tpu.memory_space<vmem>>
      tpu.wait_dma2 semaphore(%run_scoped3A : memref<!tpu.dma_semaphore, #tpu.memory_space<semaphore_mem>>) src(%arg4 : memref<1x1000xf32, #tpu.memory_space<hbm>>) dst(%dma_wait3A_1102 : memref<1x1000xf32, #tpu.memory_space<vmem>>)
      tpu.yield
    }) : () -> ()
    "tpu.region"() ({
      %run_scoped3A = tpu.sem_alloc : memref<!tpu.dma_semaphore, #tpu.memory_space<semaphore_mem>>
      %dma_start3A_1091 = arith.constant 0 : i32
      %dma_start3A_1092 = arith.constant 0 : i32
      %dma_start3A_1093 = tpu.memref_slice %arg8[%dma_start3A_1091, %dma_start3A_1092] : memref<50x1000xf32, #tpu.memory_space<vmem>> -> memref<1x1000xf32, #tpu.memory_space<vmem>>
      %dma_start3A_1094 = arith.constant 0 : i32
      %dma_start3A_1095 = arith.constant 0 : i32
      %dma_start3A_1096 = tpu.memref_slice %arg8[%dma_start3A_1094, %dma_start3A_1095] : memref<50x1000xf32, #tpu.memory_space<vmem>> -> memref<1x1000xf32, #tpu.memory_space<vmem>>
      tpu.enqueue_dma source(%arg4 : memref<1x1000xf32, #tpu.memory_space<hbm>>) target(%dma_start3A_1096 : memref<1x1000xf32, #tpu.memory_space<vmem>>) target_semaphore(%run_scoped3A : memref<!tpu.dma_semaphore, #tpu.memory_space<semaphore_mem>>)
      %dma_wait3A_1097 = arith.constant 0 : i32
      %dma_wait3A_1098 = arith.constant 0 : i32
      %dma_wait3A_1099 = tpu.memref_slice %arg8[%dma_wait3A_1097, %dma_wait3A_1098] : memref<50x1000xf32, #tpu.memory_space<vmem>> -> memref<1x1000xf32, #tpu.memory_space<vmem>>
      %dma_wait3A_1100 = arith.constant 0 : i32
      %dma_wait3A_1101 = arith.constant 0 : i32
      %dma_wait3A_1102 = tpu.memref_slice %arg8[%dma_wait3A_1100, %dma_wait3A_1101] : memref<50x1000xf32, #tpu.memory_space<vmem>> -> memref<1x1000xf32, #tpu.memory_space<vmem>>
      tpu.wait_dma2 semaphore(%run_scoped3A : memref<!tpu.dma_semaphore, #tpu.memory_space<semaphore_mem>>) src(%arg4 : memref<1x1000xf32, #tpu.memory_space<hbm>>) dst(%dma_wait3A_1102 : memref<1x1000xf32, #tpu.memory_space<vmem>>)
      tpu.yield
    }) : () -> ()
    %dma_start3A = arith.constant 1 : i32
    %dma_start3A_5 = arith.constant 0 : i32
    %dma_start3A_6 = tpu.memref_slice %arg7[%dma_start3A, %dma_start3A_5] : memref<50x1000xf32, #tpu.memory_space<vmem>> -> memref<49x1000xf32, #tpu.memory_space<vmem>>
    %dma_start3A_7 = arith.constant 0 : i32
    %dma_start3A_8 = tpu.memref_slice %arg6[%dma_start3A_7] : memref<1792xi32, #tpu.memory_space<vmem>> -> memref<49xi32, #tpu.memory_space<vmem>>
    %dma_start3A_9 = arith.constant 0 : i32
    %dma_start3A_10 = arith.constant 0 : i32
    %dma_start3A_11 = tpu.memref_slice %arg3[%dma_start3A_9, %dma_start3A_10] : memref<1000x1000xf32, #tpu.memory_space<hbm>> -> memref<1000x1000xf32, #tpu.memory_space<hbm>>
    tpu.enqueue_indirect_dma source(%dma_start3A_11 : memref<1000x1000xf32, #tpu.memory_space<hbm>>) target(%dma_start3A_6 : memref<49x1000xf32, #tpu.memory_space<vmem>>) offsets(%dma_start3A_8 : memref<49xi32, #tpu.memory_space<vmem>>) semaphore(%arg9 : memref<!tpu.dma_semaphore, #tpu.memory_space<semaphore_mem>>)
    %dma_wait3A = arith.constant 1 : i32
    %dma_wait3A_12 = arith.constant 0 : i32
    %dma_wait3A_13 = tpu.memref_slice %arg7[%dma_wait3A, %dma_wait3A_12] : memref<50x1000xf32, #tpu.memory_space<vmem>> -> memref<49x1000xf32, #tpu.memory_space<vmem>>
    %dma_wait3A_14 = arith.constant 0 : i32
    %dma_wait3A_15 = tpu.memref_slice %arg6[%dma_wait3A_14] : memref<1792xi32, #tpu.memory_space<vmem>> -> memref<49xi32, #tpu.memory_space<vmem>>
    %dma_wait3A_16 = arith.constant 0 : i32
    %dma_wait3A_17 = arith.constant 0 : i32
    %dma_wait3A_18 = tpu.memref_slice %arg3[%dma_wait3A_16, %dma_wait3A_17] : memref<1000x1000xf32, #tpu.memory_space<hbm>> -> memref<1000x1000xf32, #tpu.memory_space<hbm>>
    tpu.wait_indirect_dma semaphore(%arg9 : memref<!tpu.dma_semaphore, #tpu.memory_space<semaphore_mem>>) src(%dma_wait3A_18 : memref<1000x1000xf32, #tpu.memory_space<hbm>>) dst(%dma_wait3A_13 : memref<49x1000xf32, #tpu.memory_space<vmem>>)
    %dma_start3A_19 = arith.constant 1 : i32
    %dma_start3A_20 = arith.constant 0 : i32
    %dma_start3A_21 = tpu.memref_slice %arg8[%dma_start3A_19, %dma_start3A_20] : memref<50x1000xf32, #tpu.memory_space<vmem>> -> memref<49x1000xf32, #tpu.memory_space<vmem>>
    %dma_start3A_22 = arith.constant 56 : i32
    %dma_start3A_23 = tpu.memref_slice %arg6[%dma_start3A_22] : memref<1792xi32, #tpu.memory_space<vmem>> -> memref<49xi32, #tpu.memory_space<vmem>>
    %dma_start3A_24 = arith.constant 0 : i32
    %dma_start3A_25 = arith.constant 0 : i32
    %dma_start3A_26 = tpu.memref_slice %arg3[%dma_start3A_24, %dma_start3A_25] : memref<1000x1000xf32, #tpu.memory_space<hbm>> -> memref<1000x1000xf32, #tpu.memory_space<hbm>>
    tpu.enqueue_indirect_dma source(%dma_start3A_26 : memref<1000x1000xf32, #tpu.memory_space<hbm>>) target(%dma_start3A_21 : memref<49x1000xf32, #tpu.memory_space<vmem>>) offsets(%dma_start3A_23 : memref<49xi32, #tpu.memory_space<vmem>>) semaphore(%arg10 : memref<!tpu.dma_semaphore, #tpu.memory_space<semaphore_mem>>)
    %add3A_27 = arith.constant 0 : i32
    %add3A_28 = arith.addi %mul3A_2, %add3A_27 : i32
    %dma_start3A_29 = arith.constant 0 : i32
    %dma_start3A_30 = arith.constant 0 : i32
    %dma_start3A_31 = tpu.memref_slice %arg5[%add3A_28, %dma_start3A_29, %dma_start3A_30] : memref<1024x50x1000xf32, #tpu.memory_space<hbm>> -> memref<1x50x1000xf32, #tpu.memory_space<hbm>>
    %dma_start3A_32 = tpu.memref_squeeze %dma_start3A_31 : memref<1x50x1000xf32, #tpu.memory_space<hbm>> -> memref<50x1000xf32, #tpu.memory_space<hbm>>
    %dma_start3A_33 = arith.constant 0 : i32
    %dma_start3A_34 = arith.constant 0 : i32
    %dma_start3A_35 = tpu.memref_slice %arg5[%add3A_28, %dma_start3A_33, %dma_start3A_34] : memref<1024x50x1000xf32, #tpu.memory_space<hbm>> -> memref<1x50x1000xf32, #tpu.memory_space<hbm>>
    %dma_start3A_36 = tpu.memref_squeeze %dma_start3A_35 : memref<1x50x1000xf32, #tpu.memory_space<hbm>> -> memref<50x1000xf32, #tpu.memory_space<hbm>>
    tpu.enqueue_dma source(%arg7 : memref<50x1000xf32, #tpu.memory_space<vmem>>) target(%dma_start3A_36 : memref<50x1000xf32, #tpu.memory_space<hbm>>) target_semaphore(%arg11 : memref<!tpu.dma_semaphore, #tpu.memory_space<semaphore_mem>>)
    %dma_wait3A_37 = arith.constant 1 : i32
    %dma_wait3A_38 = arith.constant 0 : i32
    %dma_wait3A_39 = tpu.memref_slice %arg8[%dma_wait3A_37, %dma_wait3A_38] : memref<50x1000xf32, #tpu.memory_space<vmem>> -> memref<49x1000xf32, #tpu.memory_space<vmem>>
    %dma_wait3A_40 = arith.constant 56 : i32
    %dma_wait3A_41 = tpu.memref_slice %arg6[%dma_wait3A_40] : memref<1792xi32, #tpu.memory_space<vmem>> -> memref<49xi32, #tpu.memory_space<vmem>>
    %dma_wait3A_42 = arith.constant 0 : i32
    %dma_wait3A_43 = arith.constant 0 : i32
    %dma_wait3A_44 = tpu.memref_slice %arg3[%dma_wait3A_42, %dma_wait3A_43] : memref<1000x1000xf32, #tpu.memory_space<hbm>> -> memref<1000x1000xf32, #tpu.memory_space<hbm>>
    tpu.wait_indirect_dma semaphore(%arg10 : memref<!tpu.dma_semaphore, #tpu.memory_space<semaphore_mem>>) src(%dma_wait3A_44 : memref<1000x1000xf32, #tpu.memory_space<hbm>>) dst(%dma_wait3A_39 : memref<49x1000xf32, #tpu.memory_space<vmem>>)
    %dma_wait3A_45 = arith.constant 0 : i32
    %dma_wait3A_46 = arith.constant 0 : i32
    %dma_wait3A_47 = tpu.memref_slice %arg5[%add3A_28, %dma_wait3A_45, %dma_wait3A_46] : memref<1024x50x1000xf32, #tpu.memory_space<hbm>> -> memref<1x50x1000xf32, #tpu.memory_space<hbm>>
    %dma_wait3A_48 = tpu.memref_squeeze %dma_wait3A_47 : memref<1x50x1000xf32, #tpu.memory_space<hbm>> -> memref<50x1000xf32, #tpu.memory_space<hbm>>
    %dma_wait3A_49 = arith.constant 0 : i32
    %dma_wait3A_50 = arith.constant 0 : i32
    %dma_wait3A_51 = tpu.memref_slice %arg5[%add3A_28, %dma_wait3A_49, %dma_wait3A_50] : memref<1024x50x1000xf32, #tpu.memory_space<hbm>> -> memref<1x50x1000xf32, #tpu.memory_space<hbm>>
    %dma_wait3A_52 = tpu.memref_squeeze %dma_wait3A_51 : memref<1x50x1000xf32, #tpu.memory_space<hbm>> -> memref<50x1000xf32, #tpu.memory_space<hbm>>
    tpu.wait_dma2 semaphore(%arg11 : memref<!tpu.dma_semaphore, #tpu.memory_space<semaphore_mem>>) src(%arg7 : memref<50x1000xf32, #tpu.memory_space<vmem>>) dst(%dma_wait3A_52 : memref<50x1000xf32, #tpu.memory_space<hbm>>)
    %dma_start3A_53 = arith.constant 1 : i32
    %dma_start3A_54 = arith.constant 0 : i32
    %dma_start3A_55 = tpu.memref_slice %arg7[%dma_start3A_53, %dma_start3A_54] : memref<50x1000xf32, #tpu.memory_space<vmem>> -> memref<49x1000xf32, #tpu.memory_space<vmem>>
    %dma_start3A_56 = arith.constant 112 : i32
    %dma_start3A_57 = tpu.memref_slice %arg6[%dma_start3A_56] : memref<1792xi32, #tpu.memory_space<vmem>> -> memref<49xi32, #tpu.memory_space<vmem>>
    %dma_start3A_58 = arith.constant 0 : i32
    %dma_start3A_59 = arith.constant 0 : i32
    %dma_start3A_60 = tpu.memref_slice %arg3[%dma_start3A_58, %dma_start3A_59] : memref<1000x1000xf32, #tpu.memory_space<hbm>> -> memref<1000x1000xf32, #tpu.memory_space<hbm>>
    tpu.enqueue_indirect_dma source(%dma_start3A_60 : memref<1000x1000xf32, #tpu.memory_space<hbm>>) target(%dma_start3A_55 : memref<49x1000xf32, #tpu.memory_space<vmem>>) offsets(%dma_start3A_57 : memref<49xi32, #tpu.memory_space<vmem>>) semaphore(%arg9 : memref<!tpu.dma_semaphore, #tpu.memory_space<semaphore_mem>>)
    %add3A_61 = arith.constant 1 : i32
    %add3A_62 = arith.addi %mul3A_2, %add3A_61 : i32
    %dma_start3A_63 = arith.constant 0 : i32
    %dma_start3A_64 = arith.constant 0 : i32
    %dma_start3A_65 = tpu.memref_slice %arg5[%add3A_62, %dma_start3A_63, %dma_start3A_64] : memref<1024x50x1000xf32, #tpu.memory_space<hbm>> -> memref<1x50x1000xf32, #tpu.memory_space<hbm>>
    %dma_start3A_66 = tpu.memref_squeeze %dma_start3A_65 : memref<1x50x1000xf32, #tpu.memory_space<hbm>> -> memref<50x1000xf32, #tpu.memory_space<hbm>>
    %dma_start3A_67 = arith.constant 0 : i32
    %dma_start3A_68 = arith.constant 0 : i32
    %dma_start3A_69 = tpu.memref_slice %arg5[%add3A_62, %dma_start3A_67, %dma_start3A_68] : memref<1024x50x1000xf32, #tpu.memory_space<hbm>> -> memref<1x50x1000xf32, #tpu.memory_space<hbm>>
    %dma_start3A_70 = tpu.memref_squeeze %dma_start3A_69 : memref<1x50x1000xf32, #tpu.memory_space<hbm>> -> memref<50x1000xf32, #tpu.memory_space<hbm>>
    tpu.enqueue_dma source(%arg8 : memref<50x1000xf32, #tpu.memory_space<vmem>>) target(%dma_start3A_70 : memref<50x1000xf32, #tpu.memory_space<hbm>>) target_semaphore(%arg12 : memref<!tpu.dma_semaphore, #tpu.memory_space<semaphore_mem>>)
    %dma_wait3A_71 = arith.constant 1 : i32
    %dma_wait3A_72 = arith.constant 0 : i32
    %dma_wait3A_73 = tpu.memref_slice %arg7[%dma_wait3A_71, %dma_wait3A_72] : memref<50x1000xf32, #tpu.memory_space<vmem>> -> memref<49x1000xf32, #tpu.memory_space<vmem>>
    %dma_wait3A_74 = arith.constant 112 : i32
    %dma_wait3A_75 = tpu.memref_slice %arg6[%dma_wait3A_74] : memref<1792xi32, #tpu.memory_space<vmem>> -> memref<49xi32, #tpu.memory_space<vmem>>
    %dma_wait3A_76 = arith.constant 0 : i32
    %dma_wait3A_77 = arith.constant 0 : i32
    %dma_wait3A_78 = tpu.memref_slice %arg3[%dma_wait3A_76, %dma_wait3A_77] : memref<1000x1000xf32, #tpu.memory_space<hbm>> -> memref<1000x1000xf32, #tpu.memory_space<hbm>>
    tpu.wait_indirect_dma semaphore(%arg9 : memref<!tpu.dma_semaphore, #tpu.memory_space<semaphore_mem>>) src(%dma_wait3A_78 : memref<1000x1000xf32, #tpu.memory_space<hbm>>) dst(%dma_wait3A_73 : memref<49x1000xf32, #tpu.memory_space<vmem>>)
    %dma_wait3A_79 = arith.constant 0 : i32
    %dma_wait3A_80 = arith.constant 0 : i32
    %dma_wait3A_81 = tpu.memref_slice %arg5[%add3A_62, %dma_wait3A_79, %dma_wait3A_80] : memref<1024x50x1000xf32, #tpu.memory_space<hbm>> -> memref<1x50x1000xf32, #tpu.memory_space<hbm>>
    %dma_wait3A_82 = tpu.memref_squeeze %dma_wait3A_81 : memref<1x50x1000xf32, #tpu.memory_space<hbm>> -> memref<50x1000xf32, #tpu.memory_space<hbm>>
    %dma_wait3A_83 = arith.constant 0 : i32
    %dma_wait3A_84 = arith.constant 0 : i32
    %dma_wait3A_85 = tpu.memref_slice %arg5[%add3A_62, %dma_wait3A_83, %dma_wait3A_84] : memref<1024x50x1000xf32, #tpu.memory_space<hbm>> -> memref<1x50x1000xf32, #tpu.memory_space<hbm>>
    %dma_wait3A_86 = tpu.memref_squeeze %dma_wait3A_85 : memref<1x50x1000xf32, #tpu.memory_space<hbm>> -> memref<50x1000xf32, #tpu.memory_space<hbm>>
    tpu.wait_dma2 semaphore(%arg12 : memref<!tpu.dma_semaphore, #tpu.memory_space<semaphore_mem>>) src(%arg8 : memref<50x1000xf32, #tpu.memory_space<vmem>>) dst(%dma_wait3A_86 : memref<50x1000xf32, #tpu.memory_space<hbm>>)
    %dma_start3A_87 = arith.constant 1 : i32
    %dma_start3A_88 = arith.constant 0 : i32
    %dma_start3A_89 = tpu.memref_slice %arg8[%dma_start3A_87, %dma_start3A_88] : memref<50x1000xf32, #tpu.memory_space<vmem>> -> memref<49x1000xf32, #tpu.memory_space<vmem>>
    %dma_start3A_90 = arith.constant 168 : i32
    %dma_start3A_91 = tpu.memref_slice %arg6[%dma_start3A_90] : memref<1792xi32, #tpu.memory_space<vmem>> -> memref<49xi32, #tpu.memory_space<vmem>>
    %dma_start3A_92 = arith.constant 0 : i32
    %dma_start3A_93 = arith.constant 0 : i32
    %dma_start3A_94 = tpu.memref_slice %arg3[%dma_start3A_92, %dma_start3A_93] : memref<1000x1000xf32, #tpu.memory_space<hbm>> -> memref<1000x1000xf32, #tpu.memory_space<hbm>>
    tpu.enqueue_indirect_dma source(%dma_start3A_94 : memref<1000x1000xf32, #tpu.memory_space<hbm>>) target(%dma_start3A_89 : memref<49x1000xf32, #tpu.memory_space<vmem>>) offsets(%dma_start3A_91 : memref<49xi32, #tpu.memory_space<vmem>>) semaphore(%arg10 : memref<!tpu.dma_semaphore, #tpu.memory_space<semaphore_mem>>)
    %add3A_95 = arith.constant 2 : i32
    %add3A_96 = arith.addi %mul3A_2, %add3A_95 : i32
    %dma_start3A_97 = arith.constant 0 : i32
    %dma_start3A_98 = arith.constant 0 : i32
    %dma_start3A_99 = tpu.memref_slice %arg5[%add3A_96, %dma_start3A_97, %dma_start3A_98] : memref<1024x50x1000xf32, #tpu.memory_space<hbm>> -> memref<1x50x1000xf32, #tpu.memory_space<hbm>>
    %dma_start3A_100 = tpu.memref_squeeze %dma_start3A_99 : memref<1x50x1000xf32, #tpu.memory_space<hbm>> -> memref<50x1000xf32, #tpu.memory_space<hbm>>
    %dma_start3A_101 = arith.constant 0 : i32
    %dma_start3A_102 = arith.constant 0 : i32
    %dma_start3A_103 = tpu.memref_slice %arg5[%add3A_96, %dma_start3A_101, %dma_start3A_102] : memref<1024x50x1000xf32, #tpu.memory_space<hbm>> -> memref<1x50x1000xf32, #tpu.memory_space<hbm>>
    %dma_start3A_104 = tpu.memref_squeeze %dma_start3A_103 : memref<1x50x1000xf32, #tpu.memory_space<hbm>> -> memref<50x1000xf32, #tpu.memory_space<hbm>>
    tpu.enqueue_dma source(%arg7 : memref<50x1000xf32, #tpu.memory_space<vmem>>) target(%dma_start3A_104 : memref<50x1000xf32, #tpu.memory_space<hbm>>) target_semaphore(%arg11 : memref<!tpu.dma_semaphore, #tpu.memory_space<semaphore_mem>>)
    %dma_wait3A_105 = arith.constant 1 : i32
    %dma_wait3A_106 = arith.constant 0 : i32
    %dma_wait3A_107 = tpu.memref_slice %arg8[%dma_wait3A_105, %dma_wait3A_106] : memref<50x1000xf32, #tpu.memory_space<vmem>> -> memref<49x1000xf32, #tpu.memory_space<vmem>>
    %dma_wait3A_108 = arith.constant 168 : i32
    %dma_wait3A_109 = tpu.memref_slice %arg6[%dma_wait3A_108] : memref<1792xi32, #tpu.memory_space<vmem>> -> memref<49xi32, #tpu.memory_space<vmem>>
    %dma_wait3A_110 = arith.constant 0 : i32
    %dma_wait3A_111 = arith.constant 0 : i32
    %dma_wait3A_112 = tpu.memref_slice %arg3[%dma_wait3A_110, %dma_wait3A_111] : memref<1000x1000xf32, #tpu.memory_space<hbm>> -> memref<1000x1000xf32, #tpu.memory_space<hbm>>
    tpu.wait_indirect_dma semaphore(%arg10 : memref<!tpu.dma_semaphore, #tpu.memory_space<semaphore_mem>>) src(%dma_wait3A_112 : memref<1000x1000xf32, #tpu.memory_space<hbm>>) dst(%dma_wait3A_107 : memref<49x1000xf32, #tpu.memory_space<vmem>>)
    %dma_wait3A_113 = arith.constant 0 : i32
    %dma_wait3A_114 = arith.constant 0 : i32
    %dma_wait3A_115 = tpu.memref_slice %arg5[%add3A_96, %dma_wait3A_113, %dma_wait3A_114] : memref<1024x50x1000xf32, #tpu.memory_space<hbm>> -> memref<1x50x1000xf32, #tpu.memory_space<hbm>>
    %dma_wait3A_116 = tpu.memref_squeeze %dma_wait3A_115 : memref<1x50x1000xf32, #tpu.memory_space<hbm>> -> memref<50x1000xf32, #tpu.memory_space<hbm>>
    %dma_wait3A_117 = arith.constant 0 : i32
    %dma_wait3A_118 = arith.constant 0 : i32
    %dma_wait3A_119 = tpu.memref_slice %arg5[%add3A_96, %dma_wait3A_117, %dma_wait3A_118] : memref<1024x50x1000xf32, #tpu.memory_space<hbm>> -> memref<1x50x1000xf32, #tpu.memory_space<hbm>>
    %dma_wait3A_120 = tpu.memref_squeeze %dma_wait3A_119 : memref<1x50x1000xf32, #tpu.memory_space<hbm>> -> memref<50x1000xf32, #tpu.memory_space<hbm>>
    tpu.wait_dma2 semaphore(%arg11 : memref<!tpu.dma_semaphore, #tpu.memory_space<semaphore_mem>>) src(%arg7 : memref<50x1000xf32, #tpu.memory_space<vmem>>) dst(%dma_wait3A_120 : memref<50x1000xf32, #tpu.memory_space<hbm>>)
    %dma_start3A_121 = arith.constant 1 : i32
    %dma_start3A_122 = arith.constant 0 : i32
    %dma_start3A_123 = tpu.memref_slice %arg7[%dma_start3A_121, %dma_start3A_122] : memref<50x1000xf32, #tpu.memory_space<vmem>> -> memref<49x1000xf32, #tpu.memory_space<vmem>>
    %dma_start3A_124 = arith.constant 224 : i32
    %dma_start3A_125 = tpu.memref_slice %arg6[%dma_start3A_124] : memref<1792xi32, #tpu.memory_space<vmem>> -> memref<49xi32, #tpu.memory_space<vmem>>
    %dma_start3A_126 = arith.constant 0 : i32
    %dma_start3A_127 = arith.constant 0 : i32
    %dma_start3A_128 = tpu.memref_slice %arg3[%dma_start3A_126, %dma_start3A_127] : memref<1000x1000xf32, #tpu.memory_space<hbm>> -> memref<1000x1000xf32, #tpu.memory_space<hbm>>
    tpu.enqueue_indirect_dma source(%dma_start3A_128 : memref<1000x1000xf32, #tpu.memory_space<hbm>>) target(%dma_start3A_123 : memref<49x1000xf32, #tpu.memory_space<vmem>>) offsets(%dma_start3A_125 : memref<49xi32, #tpu.memory_space<vmem>>) semaphore(%arg9 : memref<!tpu.dma_semaphore, #tpu.memory_space<semaphore_mem>>)
    %add3A_129 = arith.constant 3 : i32
    %add3A_130 = arith.addi %mul3A_2, %add3A_129 : i32
    %dma_start3A_131 = arith.constant 0 : i32
    %dma_start3A_132 = arith.constant 0 : i32
    %dma_start3A_133 = tpu.memref_slice %arg5[%add3A_130, %dma_start3A_131, %dma_start3A_132] : memref<1024x50x1000xf32, #tpu.memory_space<hbm>> -> memref<1x50x1000xf32, #tpu.memory_space<hbm>>
    %dma_start3A_134 = tpu.memref_squeeze %dma_start3A_133 : memref<1x50x1000xf32, #tpu.memory_space<hbm>> -> memref<50x1000xf32, #tpu.memory_space<hbm>>
    %dma_start3A_135 = arith.constant 0 : i32
    %dma_start3A_136 = arith.constant 0 : i32
    %dma_start3A_137 = tpu.memref_slice %arg5[%add3A_130, %dma_start3A_135, %dma_start3A_136] : memref<1024x50x1000xf32, #tpu.memory_space<hbm>> -> memref<1x50x1000xf32, #tpu.memory_space<hbm>>
    %dma_start3A_138 = tpu.memref_squeeze %dma_start3A_137 : memref<1x50x1000xf32, #tpu.memory_space<hbm>> -> memref<50x1000xf32, #tpu.memory_space<hbm>>
    tpu.enqueue_dma source(%arg8 : memref<50x1000xf32, #tpu.memory_space<vmem>>) target(%dma_start3A_138 : memref<50x1000xf32, #tpu.memory_space<hbm>>) target_semaphore(%arg12 : memref<!tpu.dma_semaphore, #tpu.memory_space<semaphore_mem>>)
    %dma_wait3A_139 = arith.constant 1 : i32
    %dma_wait3A_140 = arith.constant 0 : i32
    %dma_wait3A_141 = tpu.memref_slice %arg7[%dma_wait3A_139, %dma_wait3A_140] : memref<50x1000xf32, #tpu.memory_space<vmem>> -> memref<49x1000xf32, #tpu.memory_space<vmem>>
    %dma_wait3A_142 = arith.constant 224 : i32
    %dma_wait3A_143 = tpu.memref_slice %arg6[%dma_wait3A_142] : memref<1792xi32, #tpu.memory_space<vmem>> -> memref<49xi32, #tpu.memory_space<vmem>>
    %dma_wait3A_144 = arith.constant 0 : i32
    %dma_wait3A_145 = arith.constant 0 : i32
    %dma_wait3A_146 = tpu.memref_slice %arg3[%dma_wait3A_144, %dma_wait3A_145] : memref<1000x1000xf32, #tpu.memory_space<hbm>> -> memref<1000x1000xf32, #tpu.memory_space<hbm>>
    tpu.wait_indirect_dma semaphore(%arg9 : memref<!tpu.dma_semaphore, #tpu.memory_space<semaphore_mem>>) src(%dma_wait3A_146 : memref<1000x1000xf32, #tpu.memory_space<hbm>>) dst(%dma_wait3A_141 : memref<49x1000xf32, #tpu.memory_space<vmem>>)
    %dma_wait3A_147 = arith.constant 0 : i32
    %dma_wait3A_148 = arith.constant 0 : i32
    %dma_wait3A_149 = tpu.memref_slice %arg5[%add3A_130, %dma_wait3A_147, %dma_wait3A_148] : memref<1024x50x1000xf32, #tpu.memory_space<hbm>> -> memref<1x50x1000xf32, #tpu.memory_space<hbm>>
    %dma_wait3A_150 = tpu.memref_squeeze %dma_wait3A_149 : memref<1x50x1000xf32, #tpu.memory_space<hbm>> -> memref<50x1000xf32, #tpu.memory_space<hbm>>
    %dma_wait3A_151 = arith.constant 0 : i32
    %dma_wait3A_152 = arith.constant 0 : i32
    %dma_wait3A_153 = tpu.memref_slice %arg5[%add3A_130, %dma_wait3A_151, %dma_wait3A_152] : memref<1024x50x1000xf32, #tpu.memory_space<hbm>> -> memref<1x50x1000xf32, #tpu.memory_space<hbm>>
    %dma_wait3A_154 = tpu.memref_squeeze %dma_wait3A_153 : memref<1x50x1000xf32, #tpu.memory_space<hbm>> -> memref<50x1000xf32, #tpu.memory_space<hbm>>
    tpu.wait_dma2 semaphore(%arg12 : memref<!tpu.dma_semaphore, #tpu.memory_space<semaphore_mem>>) src(%arg8 : memref<50x1000xf32, #tpu.memory_space<vmem>>) dst(%dma_wait3A_154 : memref<50x1000xf32, #tpu.memory_space<hbm>>)
    %dma_start3A_155 = arith.constant 1 : i32
    %dma_start3A_156 = arith.constant 0 : i32
    %dma_start3A_157 = tpu.memref_slice %arg8[%dma_start3A_155, %dma_start3A_156] : memref<50x1000xf32, #tpu.memory_space<vmem>> -> memref<49x1000xf32, #tpu.memory_space<vmem>>
    %dma_start3A_158 = arith.constant 280 : i32
    %dma_start3A_159 = tpu.memref_slice %arg6[%dma_start3A_158] : memref<1792xi32, #tpu.memory_space<vmem>> -> memref<49xi32, #tpu.memory_space<vmem>>
    %dma_start3A_160 = arith.constant 0 : i32
    %dma_start3A_161 = arith.constant 0 : i32
    %dma_start3A_162 = tpu.memref_slice %arg3[%dma_start3A_160, %dma_start3A_161] : memref<1000x1000xf32, #tpu.memory_space<hbm>> -> memref<1000x1000xf32, #tpu.memory_space<hbm>>
    tpu.enqueue_indirect_dma source(%dma_start3A_162 : memref<1000x1000xf32, #tpu.memory_space<hbm>>) target(%dma_start3A_157 : memref<49x1000xf32, #tpu.memory_space<vmem>>) offsets(%dma_start3A_159 : memref<49xi32, #tpu.memory_space<vmem>>) semaphore(%arg10 : memref<!tpu.dma_semaphore, #tpu.memory_space<semaphore_mem>>)
    %add3A_163 = arith.constant 4 : i32
    %add3A_164 = arith.addi %mul3A_2, %add3A_163 : i32
    %dma_start3A_165 = arith.constant 0 : i32
    %dma_start3A_166 = arith.constant 0 : i32
    %dma_start3A_167 = tpu.memref_slice %arg5[%add3A_164, %dma_start3A_165, %dma_start3A_166] : memref<1024x50x1000xf32, #tpu.memory_space<hbm>> -> memref<1x50x1000xf32, #tpu.memory_space<hbm>>
    %dma_start3A_168 = tpu.memref_squeeze %dma_start3A_167 : memref<1x50x1000xf32, #tpu.memory_space<hbm>> -> memref<50x1000xf32, #tpu.memory_space<hbm>>
    %dma_start3A_169 = arith.constant 0 : i32
    %dma_start3A_170 = arith.constant 0 : i32
    %dma_start3A_171 = tpu.memref_slice %arg5[%add3A_164, %dma_start3A_169, %dma_start3A_170] : memref<1024x50x1000xf32, #tpu.memory_space<hbm>> -> memref<1x50x1000xf32, #tpu.memory_space<hbm>>
    %dma_start3A_172 = tpu.memref_squeeze %dma_start3A_171 : memref<1x50x1000xf32, #tpu.memory_space<hbm>> -> memref<50x1000xf32, #tpu.memory_space<hbm>>
    tpu.enqueue_dma source(%arg7 : memref<50x1000xf32, #tpu.memory_space<vmem>>) target(%dma_start3A_172 : memref<50x1000xf32, #tpu.memory_space<hbm>>) target_semaphore(%arg11 : memref<!tpu.dma_semaphore, #tpu.memory_space<semaphore_mem>>)
    %dma_wait3A_173 = arith.constant 1 : i32
    %dma_wait3A_174 = arith.constant 0 : i32
    %dma_wait3A_175 = tpu.memref_slice %arg8[%dma_wait3A_173, %dma_wait3A_174] : memref<50x1000xf32, #tpu.memory_space<vmem>> -> memref<49x1000xf32, #tpu.memory_space<vmem>>
    %dma_wait3A_176 = arith.constant 280 : i32
    %dma_wait3A_177 = tpu.memref_slice %arg6[%dma_wait3A_176] : memref<1792xi32, #tpu.memory_space<vmem>> -> memref<49xi32, #tpu.memory_space<vmem>>
    %dma_wait3A_178 = arith.constant 0 : i32
    %dma_wait3A_179 = arith.constant 0 : i32
    %dma_wait3A_180 = tpu.memref_slice %arg3[%dma_wait3A_178, %dma_wait3A_179] : memref<1000x1000xf32, #tpu.memory_space<hbm>> -> memref<1000x1000xf32, #tpu.memory_space<hbm>>
    tpu.wait_indirect_dma semaphore(%arg10 : memref<!tpu.dma_semaphore, #tpu.memory_space<semaphore_mem>>) src(%dma_wait3A_180 : memref<1000x1000xf32, #tpu.memory_space<hbm>>) dst(%dma_wait3A_175 : memref<49x1000xf32, #tpu.memory_space<vmem>>)
    %dma_wait3A_181 = arith.constant 0 : i32
    %dma_wait3A_182 = arith.constant 0 : i32
    %dma_wait3A_183 = tpu.memref_slice %arg5[%add3A_164, %dma_wait3A_181, %dma_wait3A_182] : memref<1024x50x1000xf32, #tpu.memory_space<hbm>> -> memref<1x50x1000xf32, #tpu.memory_space<hbm>>
    %dma_wait3A_184 = tpu.memref_squeeze %dma_wait3A_183 : memref<1x50x1000xf32, #tpu.memory_space<hbm>> -> memref<50x1000xf32, #tpu.memory_space<hbm>>
    %dma_wait3A_185 = arith.constant 0 : i32
    %dma_wait3A_186 = arith.constant 0 : i32
    %dma_wait3A_187 = tpu.memref_slice %arg5[%add3A_164, %dma_wait3A_185, %dma_wait3A_186] : memref<1024x50x1000xf32, #tpu.memory_space<hbm>> -> memref<1x50x1000xf32, #tpu.memory_space<hbm>>
    %dma_wait3A_188 = tpu.memref_squeeze %dma_wait3A_187 : memref<1x50x1000xf32, #tpu.memory_space<hbm>> -> memref<50x1000xf32, #tpu.memory_space<hbm>>
    tpu.wait_dma2 semaphore(%arg11 : memref<!tpu.dma_semaphore, #tpu.memory_space<semaphore_mem>>) src(%arg7 : memref<50x1000xf32, #tpu.memory_space<vmem>>) dst(%dma_wait3A_188 : memref<50x1000xf32, #tpu.memory_space<hbm>>)
    %dma_start3A_189 = arith.constant 1 : i32
    %dma_start3A_190 = arith.constant 0 : i32
    %dma_start3A_191 = tpu.memref_slice %arg7[%dma_start3A_189, %dma_start3A_190] : memref<50x1000xf32, #tpu.memory_space<vmem>> -> memref<49x1000xf32, #tpu.memory_space<vmem>>
    %dma_start3A_192 = arith.constant 336 : i32
    %dma_start3A_193 = tpu.memref_slice %arg6[%dma_start3A_192] : memref<1792xi32, #tpu.memory_space<vmem>> -> memref<49xi32, #tpu.memory_space<vmem>>
    %dma_start3A_194 = arith.constant 0 : i32
    %dma_start3A_195 = arith.constant 0 : i32
    %dma_start3A_196 = tpu.memref_slice %arg3[%dma_start3A_194, %dma_start3A_195] : memref<1000x1000xf32, #tpu.memory_space<hbm>> -> memref<1000x1000xf32, #tpu.memory_space<hbm>>
    tpu.enqueue_indirect_dma source(%dma_start3A_196 : memref<1000x1000xf32, #tpu.memory_space<hbm>>) target(%dma_start3A_191 : memref<49x1000xf32, #tpu.memory_space<vmem>>) offsets(%dma_start3A_193 : memref<49xi32, #tpu.memory_space<vmem>>) semaphore(%arg9 : memref<!tpu.dma_semaphore, #tpu.memory_space<semaphore_mem>>)
    %add3A_197 = arith.constant 5 : i32
    %add3A_198 = arith.addi %mul3A_2, %add3A_197 : i32
    %dma_start3A_199 = arith.constant 0 : i32
    %dma_start3A_200 = arith.constant 0 : i32
    %dma_start3A_201 = tpu.memref_slice %arg5[%add3A_198, %dma_start3A_199, %dma_start3A_200] : memref<1024x50x1000xf32, #tpu.memory_space<hbm>> -> memref<1x50x1000xf32, #tpu.memory_space<hbm>>
    %dma_start3A_202 = tpu.memref_squeeze %dma_start3A_201 : memref<1x50x1000xf32, #tpu.memory_space<hbm>> -> memref<50x1000xf32, #tpu.memory_space<hbm>>
    %dma_start3A_203 = arith.constant 0 : i32
    %dma_start3A_204 = arith.constant 0 : i32
    %dma_start3A_205 = tpu.memref_slice %arg5[%add3A_198, %dma_start3A_203, %dma_start3A_204] : memref<1024x50x1000xf32, #tpu.memory_space<hbm>> -> memref<1x50x1000xf32, #tpu.memory_space<hbm>>
    %dma_start3A_206 = tpu.memref_squeeze %dma_start3A_205 : memref<1x50x1000xf32, #tpu.memory_space<hbm>> -> memref<50x1000xf32, #tpu.memory_space<hbm>>
    tpu.enqueue_dma source(%arg8 : memref<50x1000xf32, #tpu.memory_space<vmem>>) target(%dma_start3A_206 : memref<50x1000xf32, #tpu.memory_space<hbm>>) target_semaphore(%arg12 : memref<!tpu.dma_semaphore, #tpu.memory_space<semaphore_mem>>)
    %dma_wait3A_207 = arith.constant 1 : i32
    %dma_wait3A_208 = arith.constant 0 : i32
    %dma_wait3A_209 = tpu.memref_slice %arg7[%dma_wait3A_207, %dma_wait3A_208] : memref<50x1000xf32, #tpu.memory_space<vmem>> -> memref<49x1000xf32, #tpu.memory_space<vmem>>
    %dma_wait3A_210 = arith.constant 336 : i32
    %dma_wait3A_211 = tpu.memref_slice %arg6[%dma_wait3A_210] : memref<1792xi32, #tpu.memory_space<vmem>> -> memref<49xi32, #tpu.memory_space<vmem>>
    %dma_wait3A_212 = arith.constant 0 : i32
    %dma_wait3A_213 = arith.constant 0 : i32
    %dma_wait3A_214 = tpu.memref_slice %arg3[%dma_wait3A_212, %dma_wait3A_213] : memref<1000x1000xf32, #tpu.memory_space<hbm>> -> memref<1000x1000xf32, #tpu.memory_space<hbm>>
    tpu.wait_indirect_dma semaphore(%arg9 : memref<!tpu.dma_semaphore, #tpu.memory_space<semaphore_mem>>) src(%dma_wait3A_214 : memref<1000x1000xf32, #tpu.memory_space<hbm>>) dst(%dma_wait3A_209 : memref<49x1000xf32, #tpu.memory_space<vmem>>)
    %dma_wait3A_215 = arith.constant 0 : i32
    %dma_wait3A_216 = arith.constant 0 : i32
    %dma_wait3A_217 = tpu.memref_slice %arg5[%add3A_198, %dma_wait3A_215, %dma_wait3A_216] : memref<1024x50x1000xf32, #tpu.memory_space<hbm>> -> memref<1x50x1000xf32, #tpu.memory_space<hbm>>
    %dma_wait3A_218 = tpu.memref_squeeze %dma_wait3A_217 : memref<1x50x1000xf32, #tpu.memory_space<hbm>> -> memref<50x1000xf32, #tpu.memory_space<hbm>>
    %dma_wait3A_219 = arith.constant 0 : i32
    %dma_wait3A_220 = arith.constant 0 : i32
    %dma_wait3A_221 = tpu.memref_slice %arg5[%add3A_198, %dma_wait3A_219, %dma_wait3A_220] : memref<1024x50x1000xf32, #tpu.memory_space<hbm>> -> memref<1x50x1000xf32, #tpu.memory_space<hbm>>
    %dma_wait3A_222 = tpu.memref_squeeze %dma_wait3A_221 : memref<1x50x1000xf32, #tpu.memory_space<hbm>> -> memref<50x1000xf32, #tpu.memory_space<hbm>>
    tpu.wait_dma2 semaphore(%arg12 : memref<!tpu.dma_semaphore, #tpu.memory_space<semaphore_mem>>) src(%arg8 : memref<50x1000xf32, #tpu.memory_space<vmem>>) dst(%dma_wait3A_222 : memref<50x1000xf32, #tpu.memory_space<hbm>>)
    %dma_start3A_223 = arith.constant 1 : i32
    %dma_start3A_224 = arith.constant 0 : i32
    %dma_start3A_225 = tpu.memref_slice %arg8[%dma_start3A_223, %dma_start3A_224] : memref<50x1000xf32, #tpu.memory_space<vmem>> -> memref<49x1000xf32, #tpu.memory_space<vmem>>
    %dma_start3A_226 = arith.constant 392 : i32
    %dma_start3A_227 = tpu.memref_slice %arg6[%dma_start3A_226] : memref<1792xi32, #tpu.memory_space<vmem>> -> memref<49xi32, #tpu.memory_space<vmem>>
    %dma_start3A_228 = arith.constant 0 : i32
    %dma_start3A_229 = arith.constant 0 : i32
    %dma_start3A_230 = tpu.memref_slice %arg3[%dma_start3A_228, %dma_start3A_229] : memref<1000x1000xf32, #tpu.memory_space<hbm>> -> memref<1000x1000xf32, #tpu.memory_space<hbm>>
    tpu.enqueue_indirect_dma source(%dma_start3A_230 : memref<1000x1000xf32, #tpu.memory_space<hbm>>) target(%dma_start3A_225 : memref<49x1000xf32, #tpu.memory_space<vmem>>) offsets(%dma_start3A_227 : memref<49xi32, #tpu.memory_space<vmem>>) semaphore(%arg10 : memref<!tpu.dma_semaphore, #tpu.memory_space<semaphore_mem>>)
    %add3A_231 = arith.constant 6 : i32
    %add3A_232 = arith.addi %mul3A_2, %add3A_231 : i32
    %dma_start3A_233 = arith.constant 0 : i32
    %dma_start3A_234 = arith.constant 0 : i32
    %dma_start3A_235 = tpu.memref_slice %arg5[%add3A_232, %dma_start3A_233, %dma_start3A_234] : memref<1024x50x1000xf32, #tpu.memory_space<hbm>> -> memref<1x50x1000xf32, #tpu.memory_space<hbm>>
    %dma_start3A_236 = tpu.memref_squeeze %dma_start3A_235 : memref<1x50x1000xf32, #tpu.memory_space<hbm>> -> memref<50x1000xf32, #tpu.memory_space<hbm>>
    %dma_start3A_237 = arith.constant 0 : i32
    %dma_start3A_238 = arith.constant 0 : i32
    %dma_start3A_239 = tpu.memref_slice %arg5[%add3A_232, %dma_start3A_237, %dma_start3A_238] : memref<1024x50x1000xf32, #tpu.memory_space<hbm>> -> memref<1x50x1000xf32, #tpu.memory_space<hbm>>
    %dma_start3A_240 = tpu.memref_squeeze %dma_start3A_239 : memref<1x50x1000xf32, #tpu.memory_space<hbm>> -> memref<50x1000xf32, #tpu.memory_space<hbm>>
    tpu.enqueue_dma source(%arg7 : memref<50x1000xf32, #tpu.memory_space<vmem>>) target(%dma_start3A_240 : memref<50x1000xf32, #tpu.memory_space<hbm>>) target_semaphore(%arg11 : memref<!tpu.dma_semaphore, #tpu.memory_space<semaphore_mem>>)
    %dma_wait3A_241 = arith.constant 1 : i32
    %dma_wait3A_242 = arith.constant 0 : i32
    %dma_wait3A_243 = tpu.memref_slice %arg8[%dma_wait3A_241, %dma_wait3A_242] : memref<50x1000xf32, #tpu.memory_space<vmem>> -> memref<49x1000xf32, #tpu.memory_space<vmem>>
    %dma_wait3A_244 = arith.constant 392 : i32
    %dma_wait3A_245 = tpu.memref_slice %arg6[%dma_wait3A_244] : memref<1792xi32, #tpu.memory_space<vmem>> -> memref<49xi32, #tpu.memory_space<vmem>>
    %dma_wait3A_246 = arith.constant 0 : i32
    %dma_wait3A_247 = arith.constant 0 : i32
    %dma_wait3A_248 = tpu.memref_slice %arg3[%dma_wait3A_246, %dma_wait3A_247] : memref<1000x1000xf32, #tpu.memory_space<hbm>> -> memref<1000x1000xf32, #tpu.memory_space<hbm>>
    tpu.wait_indirect_dma semaphore(%arg10 : memref<!tpu.dma_semaphore, #tpu.memory_space<semaphore_mem>>) src(%dma_wait3A_248 : memref<1000x1000xf32, #tpu.memory_space<hbm>>) dst(%dma_wait3A_243 : memref<49x1000xf32, #tpu.memory_space<vmem>>)
    %dma_wait3A_249 = arith.constant 0 : i32
    %dma_wait3A_250 = arith.constant 0 : i32
    %dma_wait3A_251 = tpu.memref_slice %arg5[%add3A_232, %dma_wait3A_249, %dma_wait3A_250] : memref<1024x50x1000xf32, #tpu.memory_space<hbm>> -> memref<1x50x1000xf32, #tpu.memory_space<hbm>>
    %dma_wait3A_252 = tpu.memref_squeeze %dma_wait3A_251 : memref<1x50x1000xf32, #tpu.memory_space<hbm>> -> memref<50x1000xf32, #tpu.memory_space<hbm>>
    %dma_wait3A_253 = arith.constant 0 : i32
    %dma_wait3A_254 = arith.constant 0 : i32
    %dma_wait3A_255 = tpu.memref_slice %arg5[%add3A_232, %dma_wait3A_253, %dma_wait3A_254] : memref<1024x50x1000xf32, #tpu.memory_space<hbm>> -> memref<1x50x1000xf32, #tpu.memory_space<hbm>>
    %dma_wait3A_256 = tpu.memref_squeeze %dma_wait3A_255 : memref<1x50x1000xf32, #tpu.memory_space<hbm>> -> memref<50x1000xf32, #tpu.memory_space<hbm>>
    tpu.wait_dma2 semaphore(%arg11 : memref<!tpu.dma_semaphore, #tpu.memory_space<semaphore_mem>>) src(%arg7 : memref<50x1000xf32, #tpu.memory_space<vmem>>) dst(%dma_wait3A_256 : memref<50x1000xf32, #tpu.memory_space<hbm>>)
    %dma_start3A_257 = arith.constant 1 : i32
    %dma_start3A_258 = arith.constant 0 : i32
    %dma_start3A_259 = tpu.memref_slice %arg7[%dma_start3A_257, %dma_start3A_258] : memref<50x1000xf32, #tpu.memory_space<vmem>> -> memref<49x1000xf32, #tpu.memory_space<vmem>>
    %dma_start3A_260 = arith.constant 448 : i32
    %dma_start3A_261 = tpu.memref_slice %arg6[%dma_start3A_260] : memref<1792xi32, #tpu.memory_space<vmem>> -> memref<49xi32, #tpu.memory_space<vmem>>
    %dma_start3A_262 = arith.constant 0 : i32
    %dma_start3A_263 = arith.constant 0 : i32
    %dma_start3A_264 = tpu.memref_slice %arg3[%dma_start3A_262, %dma_start3A_263] : memref<1000x1000xf32, #tpu.memory_space<hbm>> -> memref<1000x1000xf32, #tpu.memory_space<hbm>>
    tpu.enqueue_indirect_dma source(%dma_start3A_264 : memref<1000x1000xf32, #tpu.memory_space<hbm>>) target(%dma_start3A_259 : memref<49x1000xf32, #tpu.memory_space<vmem>>) offsets(%dma_start3A_261 : memref<49xi32, #tpu.memory_space<vmem>>) semaphore(%arg9 : memref<!tpu.dma_semaphore, #tpu.memory_space<semaphore_mem>>)
    %add3A_265 = arith.constant 7 : i32
    %add3A_266 = arith.addi %mul3A_2, %add3A_265 : i32
    %dma_start3A_267 = arith.constant 0 : i32
    %dma_start3A_268 = arith.constant 0 : i32
    %dma_start3A_269 = tpu.memref_slice %arg5[%add3A_266, %dma_start3A_267, %dma_start3A_268] : memref<1024x50x1000xf32, #tpu.memory_space<hbm>> -> memref<1x50x1000xf32, #tpu.memory_space<hbm>>
    %dma_start3A_270 = tpu.memref_squeeze %dma_start3A_269 : memref<1x50x1000xf32, #tpu.memory_space<hbm>> -> memref<50x1000xf32, #tpu.memory_space<hbm>>
    %dma_start3A_271 = arith.constant 0 : i32
    %dma_start3A_272 = arith.constant 0 : i32
    %dma_start3A_273 = tpu.memref_slice %arg5[%add3A_266, %dma_start3A_271, %dma_start3A_272] : memref<1024x50x1000xf32, #tpu.memory_space<hbm>> -> memref<1x50x1000xf32, #tpu.memory_space<hbm>>
    %dma_start3A_274 = tpu.memref_squeeze %dma_start3A_273 : memref<1x50x1000xf32, #tpu.memory_space<hbm>> -> memref<50x1000xf32, #tpu.memory_space<hbm>>
    tpu.enqueue_dma source(%arg8 : memref<50x1000xf32, #tpu.memory_space<vmem>>) target(%dma_start3A_274 : memref<50x1000xf32, #tpu.memory_space<hbm>>) target_semaphore(%arg12 : memref<!tpu.dma_semaphore, #tpu.memory_space<semaphore_mem>>)
    %dma_wait3A_275 = arith.constant 1 : i32
    %dma_wait3A_276 = arith.constant 0 : i32
    %dma_wait3A_277 = tpu.memref_slice %arg7[%dma_wait3A_275, %dma_wait3A_276] : memref<50x1000xf32, #tpu.memory_space<vmem>> -> memref<49x1000xf32, #tpu.memory_space<vmem>>
    %dma_wait3A_278 = arith.constant 448 : i32
    %dma_wait3A_279 = tpu.memref_slice %arg6[%dma_wait3A_278] : memref<1792xi32, #tpu.memory_space<vmem>> -> memref<49xi32, #tpu.memory_space<vmem>>
    %dma_wait3A_280 = arith.constant 0 : i32
    %dma_wait3A_281 = arith.constant 0 : i32
    %dma_wait3A_282 = tpu.memref_slice %arg3[%dma_wait3A_280, %dma_wait3A_281] : memref<1000x1000xf32, #tpu.memory_space<hbm>> -> memref<1000x1000xf32, #tpu.memory_space<hbm>>
    tpu.wait_indirect_dma semaphore(%arg9 : memref<!tpu.dma_semaphore, #tpu.memory_space<semaphore_mem>>) src(%dma_wait3A_282 : memref<1000x1000xf32, #tpu.memory_space<hbm>>) dst(%dma_wait3A_277 : memref<49x1000xf32, #tpu.memory_space<vmem>>)
    %dma_wait3A_283 = arith.constant 0 : i32
    %dma_wait3A_284 = arith.constant 0 : i32
    %dma_wait3A_285 = tpu.memref_slice %arg5[%add3A_266, %dma_wait3A_283, %dma_wait3A_284] : memref<1024x50x1000xf32, #tpu.memory_space<hbm>> -> memref<1x50x1000xf32, #tpu.memory_space<hbm>>
    %dma_wait3A_286 = tpu.memref_squeeze %dma_wait3A_285 : memref<1x50x1000xf32, #tpu.memory_space<hbm>> -> memref<50x1000xf32, #tpu.memory_space<hbm>>
    %dma_wait3A_287 = arith.constant 0 : i32
    %dma_wait3A_288 = arith.constant 0 : i32
    %dma_wait3A_289 = tpu.memref_slice %arg5[%add3A_266, %dma_wait3A_287, %dma_wait3A_288] : memref<1024x50x1000xf32, #tpu.memory_space<hbm>> -> memref<1x50x1000xf32, #tpu.memory_space<hbm>>
    %dma_wait3A_290 = tpu.memref_squeeze %dma_wait3A_289 : memref<1x50x1000xf32, #tpu.memory_space<hbm>> -> memref<50x1000xf32, #tpu.memory_space<hbm>>
    tpu.wait_dma2 semaphore(%arg12 : memref<!tpu.dma_semaphore, #tpu.memory_space<semaphore_mem>>) src(%arg8 : memref<50x1000xf32, #tpu.memory_space<vmem>>) dst(%dma_wait3A_290 : memref<50x1000xf32, #tpu.memory_space<hbm>>)
    %dma_start3A_291 = arith.constant 1 : i32
    %dma_start3A_292 = arith.constant 0 : i32
    %dma_start3A_293 = tpu.memref_slice %arg8[%dma_start3A_291, %dma_start3A_292] : memref<50x1000xf32, #tpu.memory_space<vmem>> -> memref<49x1000xf32, #tpu.memory_space<vmem>>
    %dma_start3A_294 = arith.constant 504 : i32
    %dma_start3A_295 = tpu.memref_slice %arg6[%dma_start3A_294] : memref<1792xi32, #tpu.memory_space<vmem>> -> memref<49xi32, #tpu.memory_space<vmem>>
    %dma_start3A_296 = arith.constant 0 : i32
    %dma_start3A_297 = arith.constant 0 : i32
    %dma_start3A_298 = tpu.memref_slice %arg3[%dma_start3A_296, %dma_start3A_297] : memref<1000x1000xf32, #tpu.memory_space<hbm>> -> memref<1000x1000xf32, #tpu.memory_space<hbm>>
    tpu.enqueue_indirect_dma source(%dma_start3A_298 : memref<1000x1000xf32, #tpu.memory_space<hbm>>) target(%dma_start3A_293 : memref<49x1000xf32, #tpu.memory_space<vmem>>) offsets(%dma_start3A_295 : memref<49xi32, #tpu.memory_space<vmem>>) semaphore(%arg10 : memref<!tpu.dma_semaphore, #tpu.memory_space<semaphore_mem>>)
    %add3A_299 = arith.constant 8 : i32
    %add3A_300 = arith.addi %mul3A_2, %add3A_299 : i32
    %dma_start3A_301 = arith.constant 0 : i32
    %dma_start3A_302 = arith.constant 0 : i32
    %dma_start3A_303 = tpu.memref_slice %arg5[%add3A_300, %dma_start3A_301, %dma_start3A_302] : memref<1024x50x1000xf32, #tpu.memory_space<hbm>> -> memref<1x50x1000xf32, #tpu.memory_space<hbm>>
    %dma_start3A_304 = tpu.memref_squeeze %dma_start3A_303 : memref<1x50x1000xf32, #tpu.memory_space<hbm>> -> memref<50x1000xf32, #tpu.memory_space<hbm>>
    %dma_start3A_305 = arith.constant 0 : i32
    %dma_start3A_306 = arith.constant 0 : i32
    %dma_start3A_307 = tpu.memref_slice %arg5[%add3A_300, %dma_start3A_305, %dma_start3A_306] : memref<1024x50x1000xf32, #tpu.memory_space<hbm>> -> memref<1x50x1000xf32, #tpu.memory_space<hbm>>
    %dma_start3A_308 = tpu.memref_squeeze %dma_start3A_307 : memref<1x50x1000xf32, #tpu.memory_space<hbm>> -> memref<50x1000xf32, #tpu.memory_space<hbm>>
    tpu.enqueue_dma source(%arg7 : memref<50x1000xf32, #tpu.memory_space<vmem>>) target(%dma_start3A_308 : memref<50x1000xf32, #tpu.memory_space<hbm>>) target_semaphore(%arg11 : memref<!tpu.dma_semaphore, #tpu.memory_space<semaphore_mem>>)
    %dma_wait3A_309 = arith.constant 1 : i32
    %dma_wait3A_310 = arith.constant 0 : i32
    %dma_wait3A_311 = tpu.memref_slice %arg8[%dma_wait3A_309, %dma_wait3A_310] : memref<50x1000xf32, #tpu.memory_space<vmem>> -> memref<49x1000xf32, #tpu.memory_space<vmem>>
    %dma_wait3A_312 = arith.constant 504 : i32
    %dma_wait3A_313 = tpu.memref_slice %arg6[%dma_wait3A_312] : memref<1792xi32, #tpu.memory_space<vmem>> -> memref<49xi32, #tpu.memory_space<vmem>>
    %dma_wait3A_314 = arith.constant 0 : i32
    %dma_wait3A_315 = arith.constant 0 : i32
    %dma_wait3A_316 = tpu.memref_slice %arg3[%dma_wait3A_314, %dma_wait3A_315] : memref<1000x1000xf32, #tpu.memory_space<hbm>> -> memref<1000x1000xf32, #tpu.memory_space<hbm>>
    tpu.wait_indirect_dma semaphore(%arg10 : memref<!tpu.dma_semaphore, #tpu.memory_space<semaphore_mem>>) src(%dma_wait3A_316 : memref<1000x1000xf32, #tpu.memory_space<hbm>>) dst(%dma_wait3A_311 : memref<49x1000xf32, #tpu.memory_space<vmem>>)
    %dma_wait3A_317 = arith.constant 0 : i32
    %dma_wait3A_318 = arith.constant 0 : i32
    %dma_wait3A_319 = tpu.memref_slice %arg5[%add3A_300, %dma_wait3A_317, %dma_wait3A_318] : memref<1024x50x1000xf32, #tpu.memory_space<hbm>> -> memref<1x50x1000xf32, #tpu.memory_space<hbm>>
    %dma_wait3A_320 = tpu.memref_squeeze %dma_wait3A_319 : memref<1x50x1000xf32, #tpu.memory_space<hbm>> -> memref<50x1000xf32, #tpu.memory_space<hbm>>
    %dma_wait3A_321 = arith.constant 0 : i32
    %dma_wait3A_322 = arith.constant 0 : i32
    %dma_wait3A_323 = tpu.memref_slice %arg5[%add3A_300, %dma_wait3A_321, %dma_wait3A_322] : memref<1024x50x1000xf32, #tpu.memory_space<hbm>> -> memref<1x50x1000xf32, #tpu.memory_space<hbm>>
    %dma_wait3A_324 = tpu.memref_squeeze %dma_wait3A_323 : memref<1x50x1000xf32, #tpu.memory_space<hbm>> -> memref<50x1000xf32, #tpu.memory_space<hbm>>
    tpu.wait_dma2 semaphore(%arg11 : memref<!tpu.dma_semaphore, #tpu.memory_space<semaphore_mem>>) src(%arg7 : memref<50x1000xf32, #tpu.memory_space<vmem>>) dst(%dma_wait3A_324 : memref<50x1000xf32, #tpu.memory_space<hbm>>)
    %dma_start3A_325 = arith.constant 1 : i32
    %dma_start3A_326 = arith.constant 0 : i32
    %dma_start3A_327 = tpu.memref_slice %arg7[%dma_start3A_325, %dma_start3A_326] : memref<50x1000xf32, #tpu.memory_space<vmem>> -> memref<49x1000xf32, #tpu.memory_space<vmem>>
    %dma_start3A_328 = arith.constant 560 : i32
    %dma_start3A_329 = tpu.memref_slice %arg6[%dma_start3A_328] : memref<1792xi32, #tpu.memory_space<vmem>> -> memref<49xi32, #tpu.memory_space<vmem>>
    %dma_start3A_330 = arith.constant 0 : i32
    %dma_start3A_331 = arith.constant 0 : i32
    %dma_start3A_332 = tpu.memref_slice %arg3[%dma_start3A_330, %dma_start3A_331] : memref<1000x1000xf32, #tpu.memory_space<hbm>> -> memref<1000x1000xf32, #tpu.memory_space<hbm>>
    tpu.enqueue_indirect_dma source(%dma_start3A_332 : memref<1000x1000xf32, #tpu.memory_space<hbm>>) target(%dma_start3A_327 : memref<49x1000xf32, #tpu.memory_space<vmem>>) offsets(%dma_start3A_329 : memref<49xi32, #tpu.memory_space<vmem>>) semaphore(%arg9 : memref<!tpu.dma_semaphore, #tpu.memory_space<semaphore_mem>>)
    %add3A_333 = arith.constant 9 : i32
    %add3A_334 = arith.addi %mul3A_2, %add3A_333 : i32
    %dma_start3A_335 = arith.constant 0 : i32
    %dma_start3A_336 = arith.constant 0 : i32
    %dma_start3A_337 = tpu.memref_slice %arg5[%add3A_334, %dma_start3A_335, %dma_start3A_336] : memref<1024x50x1000xf32, #tpu.memory_space<hbm>> -> memref<1x50x1000xf32, #tpu.memory_space<hbm>>
    %dma_start3A_338 = tpu.memref_squeeze %dma_start3A_337 : memref<1x50x1000xf32, #tpu.memory_space<hbm>> -> memref<50x1000xf32, #tpu.memory_space<hbm>>
    %dma_start3A_339 = arith.constant 0 : i32
    %dma_start3A_340 = arith.constant 0 : i32
    %dma_start3A_341 = tpu.memref_slice %arg5[%add3A_334, %dma_start3A_339, %dma_start3A_340] : memref<1024x50x1000xf32, #tpu.memory_space<hbm>> -> memref<1x50x1000xf32, #tpu.memory_space<hbm>>
    %dma_start3A_342 = tpu.memref_squeeze %dma_start3A_341 : memref<1x50x1000xf32, #tpu.memory_space<hbm>> -> memref<50x1000xf32, #tpu.memory_space<hbm>>
    tpu.enqueue_dma source(%arg8 : memref<50x1000xf32, #tpu.memory_space<vmem>>) target(%dma_start3A_342 : memref<50x1000xf32, #tpu.memory_space<hbm>>) target_semaphore(%arg12 : memref<!tpu.dma_semaphore, #tpu.memory_space<semaphore_mem>>)
    %dma_wait3A_343 = arith.constant 1 : i32
    %dma_wait3A_344 = arith.constant 0 : i32
    %dma_wait3A_345 = tpu.memref_slice %arg7[%dma_wait3A_343, %dma_wait3A_344] : memref<50x1000xf32, #tpu.memory_space<vmem>> -> memref<49x1000xf32, #tpu.memory_space<vmem>>
    %dma_wait3A_346 = arith.constant 560 : i32
    %dma_wait3A_347 = tpu.memref_slice %arg6[%dma_wait3A_346] : memref<1792xi32, #tpu.memory_space<vmem>> -> memref<49xi32, #tpu.memory_space<vmem>>
    %dma_wait3A_348 = arith.constant 0 : i32
    %dma_wait3A_349 = arith.constant 0 : i32
    %dma_wait3A_350 = tpu.memref_slice %arg3[%dma_wait3A_348, %dma_wait3A_349] : memref<1000x1000xf32, #tpu.memory_space<hbm>> -> memref<1000x1000xf32, #tpu.memory_space<hbm>>
    tpu.wait_indirect_dma semaphore(%arg9 : memref<!tpu.dma_semaphore, #tpu.memory_space<semaphore_mem>>) src(%dma_wait3A_350 : memref<1000x1000xf32, #tpu.memory_space<hbm>>) dst(%dma_wait3A_345 : memref<49x1000xf32, #tpu.memory_space<vmem>>)
    %dma_wait3A_351 = arith.constant 0 : i32
    %dma_wait3A_352 = arith.constant 0 : i32
    %dma_wait3A_353 = tpu.memref_slice %arg5[%add3A_334, %dma_wait3A_351, %dma_wait3A_352] : memref<1024x50x1000xf32, #tpu.memory_space<hbm>> -> memref<1x50x1000xf32, #tpu.memory_space<hbm>>
    %dma_wait3A_354 = tpu.memref_squeeze %dma_wait3A_353 : memref<1x50x1000xf32, #tpu.memory_space<hbm>> -> memref<50x1000xf32, #tpu.memory_space<hbm>>
    %dma_wait3A_355 = arith.constant 0 : i32
    %dma_wait3A_356 = arith.constant 0 : i32
    %dma_wait3A_357 = tpu.memref_slice %arg5[%add3A_334, %dma_wait3A_355, %dma_wait3A_356] : memref<1024x50x1000xf32, #tpu.memory_space<hbm>> -> memref<1x50x1000xf32, #tpu.memory_space<hbm>>
    %dma_wait3A_358 = tpu.memref_squeeze %dma_wait3A_357 : memref<1x50x1000xf32, #tpu.memory_space<hbm>> -> memref<50x1000xf32, #tpu.memory_space<hbm>>
    tpu.wait_dma2 semaphore(%arg12 : memref<!tpu.dma_semaphore, #tpu.memory_space<semaphore_mem>>) src(%arg8 : memref<50x1000xf32, #tpu.memory_space<vmem>>) dst(%dma_wait3A_358 : memref<50x1000xf32, #tpu.memory_space<hbm>>)
    %dma_start3A_359 = arith.constant 1 : i32
    %dma_start3A_360 = arith.constant 0 : i32
    %dma_start3A_361 = tpu.memref_slice %arg8[%dma_start3A_359, %dma_start3A_360] : memref<50x1000xf32, #tpu.memory_space<vmem>> -> memref<49x1000xf32, #tpu.memory_space<vmem>>
    %dma_start3A_362 = arith.constant 616 : i32
    %dma_start3A_363 = tpu.memref_slice %arg6[%dma_start3A_362] : memref<1792xi32, #tpu.memory_space<vmem>> -> memref<49xi32, #tpu.memory_space<vmem>>
    %dma_start3A_364 = arith.constant 0 : i32
    %dma_start3A_365 = arith.constant 0 : i32
    %dma_start3A_366 = tpu.memref_slice %arg3[%dma_start3A_364, %dma_start3A_365] : memref<1000x1000xf32, #tpu.memory_space<hbm>> -> memref<1000x1000xf32, #tpu.memory_space<hbm>>
    tpu.enqueue_indirect_dma source(%dma_start3A_366 : memref<1000x1000xf32, #tpu.memory_space<hbm>>) target(%dma_start3A_361 : memref<49x1000xf32, #tpu.memory_space<vmem>>) offsets(%dma_start3A_363 : memref<49xi32, #tpu.memory_space<vmem>>) semaphore(%arg10 : memref<!tpu.dma_semaphore, #tpu.memory_space<semaphore_mem>>)
    %add3A_367 = arith.constant 10 : i32
    %add3A_368 = arith.addi %mul3A_2, %add3A_367 : i32
    %dma_start3A_369 = arith.constant 0 : i32
    %dma_start3A_370 = arith.constant 0 : i32
    %dma_start3A_371 = tpu.memref_slice %arg5[%add3A_368, %dma_start3A_369, %dma_start3A_370] : memref<1024x50x1000xf32, #tpu.memory_space<hbm>> -> memref<1x50x1000xf32, #tpu.memory_space<hbm>>
    %dma_start3A_372 = tpu.memref_squeeze %dma_start3A_371 : memref<1x50x1000xf32, #tpu.memory_space<hbm>> -> memref<50x1000xf32, #tpu.memory_space<hbm>>
    %dma_start3A_373 = arith.constant 0 : i32
    %dma_start3A_374 = arith.constant 0 : i32
    %dma_start3A_375 = tpu.memref_slice %arg5[%add3A_368, %dma_start3A_373, %dma_start3A_374] : memref<1024x50x1000xf32, #tpu.memory_space<hbm>> -> memref<1x50x1000xf32, #tpu.memory_space<hbm>>
    %dma_start3A_376 = tpu.memref_squeeze %dma_start3A_375 : memref<1x50x1000xf32, #tpu.memory_space<hbm>> -> memref<50x1000xf32, #tpu.memory_space<hbm>>
    tpu.enqueue_dma source(%arg7 : memref<50x1000xf32, #tpu.memory_space<vmem>>) target(%dma_start3A_376 : memref<50x1000xf32, #tpu.memory_space<hbm>>) target_semaphore(%arg11 : memref<!tpu.dma_semaphore, #tpu.memory_space<semaphore_mem>>)
    %dma_wait3A_377 = arith.constant 1 : i32
    %dma_wait3A_378 = arith.constant 0 : i32
    %dma_wait3A_379 = tpu.memref_slice %arg8[%dma_wait3A_377, %dma_wait3A_378] : memref<50x1000xf32, #tpu.memory_space<vmem>> -> memref<49x1000xf32, #tpu.memory_space<vmem>>
    %dma_wait3A_380 = arith.constant 616 : i32
    %dma_wait3A_381 = tpu.memref_slice %arg6[%dma_wait3A_380] : memref<1792xi32, #tpu.memory_space<vmem>> -> memref<49xi32, #tpu.memory_space<vmem>>
    %dma_wait3A_382 = arith.constant 0 : i32
    %dma_wait3A_383 = arith.constant 0 : i32
    %dma_wait3A_384 = tpu.memref_slice %arg3[%dma_wait3A_382, %dma_wait3A_383] : memref<1000x1000xf32, #tpu.memory_space<hbm>> -> memref<1000x1000xf32, #tpu.memory_space<hbm>>
    tpu.wait_indirect_dma semaphore(%arg10 : memref<!tpu.dma_semaphore, #tpu.memory_space<semaphore_mem>>) src(%dma_wait3A_384 : memref<1000x1000xf32, #tpu.memory_space<hbm>>) dst(%dma_wait3A_379 : memref<49x1000xf32, #tpu.memory_space<vmem>>)
    %dma_wait3A_385 = arith.constant 0 : i32
    %dma_wait3A_386 = arith.constant 0 : i32
    %dma_wait3A_387 = tpu.memref_slice %arg5[%add3A_368, %dma_wait3A_385, %dma_wait3A_386] : memref<1024x50x1000xf32, #tpu.memory_space<hbm>> -> memref<1x50x1000xf32, #tpu.memory_space<hbm>>
    %dma_wait3A_388 = tpu.memref_squeeze %dma_wait3A_387 : memref<1x50x1000xf32, #tpu.memory_space<hbm>> -> memref<50x1000xf32, #tpu.memory_space<hbm>>
    %dma_wait3A_389 = arith.constant 0 : i32
    %dma_wait3A_390 = arith.constant 0 : i32
    %dma_wait3A_391 = tpu.memref_slice %arg5[%add3A_368, %dma_wait3A_389, %dma_wait3A_390] : memref<1024x50x1000xf32, #tpu.memory_space<hbm>> -> memref<1x50x1000xf32, #tpu.memory_space<hbm>>
    %dma_wait3A_392 = tpu.memref_squeeze %dma_wait3A_391 : memref<1x50x1000xf32, #tpu.memory_space<hbm>> -> memref<50x1000xf32, #tpu.memory_space<hbm>>
    tpu.wait_dma2 semaphore(%arg11 : memref<!tpu.dma_semaphore, #tpu.memory_space<semaphore_mem>>) src(%arg7 : memref<50x1000xf32, #tpu.memory_space<vmem>>) dst(%dma_wait3A_392 : memref<50x1000xf32, #tpu.memory_space<hbm>>)
    %dma_start3A_393 = arith.constant 1 : i32
    %dma_start3A_394 = arith.constant 0 : i32
    %dma_start3A_395 = tpu.memref_slice %arg7[%dma_start3A_393, %dma_start3A_394] : memref<50x1000xf32, #tpu.memory_space<vmem>> -> memref<49x1000xf32, #tpu.memory_space<vmem>>
    %dma_start3A_396 = arith.constant 672 : i32
    %dma_start3A_397 = tpu.memref_slice %arg6[%dma_start3A_396] : memref<1792xi32, #tpu.memory_space<vmem>> -> memref<49xi32, #tpu.memory_space<vmem>>
    %dma_start3A_398 = arith.constant 0 : i32
    %dma_start3A_399 = arith.constant 0 : i32
    %dma_start3A_400 = tpu.memref_slice %arg3[%dma_start3A_398, %dma_start3A_399] : memref<1000x1000xf32, #tpu.memory_space<hbm>> -> memref<1000x1000xf32, #tpu.memory_space<hbm>>
    tpu.enqueue_indirect_dma source(%dma_start3A_400 : memref<1000x1000xf32, #tpu.memory_space<hbm>>) target(%dma_start3A_395 : memref<49x1000xf32, #tpu.memory_space<vmem>>) offsets(%dma_start3A_397 : memref<49xi32, #tpu.memory_space<vmem>>) semaphore(%arg9 : memref<!tpu.dma_semaphore, #tpu.memory_space<semaphore_mem>>)
    %add3A_401 = arith.constant 11 : i32
    %add3A_402 = arith.addi %mul3A_2, %add3A_401 : i32
    %dma_start3A_403 = arith.constant 0 : i32
    %dma_start3A_404 = arith.constant 0 : i32
    %dma_start3A_405 = tpu.memref_slice %arg5[%add3A_402, %dma_start3A_403, %dma_start3A_404] : memref<1024x50x1000xf32, #tpu.memory_space<hbm>> -> memref<1x50x1000xf32, #tpu.memory_space<hbm>>
    %dma_start3A_406 = tpu.memref_squeeze %dma_start3A_405 : memref<1x50x1000xf32, #tpu.memory_space<hbm>> -> memref<50x1000xf32, #tpu.memory_space<hbm>>
    %dma_start3A_407 = arith.constant 0 : i32
    %dma_start3A_408 = arith.constant 0 : i32
    %dma_start3A_409 = tpu.memref_slice %arg5[%add3A_402, %dma_start3A_407, %dma_start3A_408] : memref<1024x50x1000xf32, #tpu.memory_space<hbm>> -> memref<1x50x1000xf32, #tpu.memory_space<hbm>>
    %dma_start3A_410 = tpu.memref_squeeze %dma_start3A_409 : memref<1x50x1000xf32, #tpu.memory_space<hbm>> -> memref<50x1000xf32, #tpu.memory_space<hbm>>
    tpu.enqueue_dma source(%arg8 : memref<50x1000xf32, #tpu.memory_space<vmem>>) target(%dma_start3A_410 : memref<50x1000xf32, #tpu.memory_space<hbm>>) target_semaphore(%arg12 : memref<!tpu.dma_semaphore, #tpu.memory_space<semaphore_mem>>)
    %dma_wait3A_411 = arith.constant 1 : i32
    %dma_wait3A_412 = arith.constant 0 : i32
    %dma_wait3A_413 = tpu.memref_slice %arg7[%dma_wait3A_411, %dma_wait3A_412] : memref<50x1000xf32, #tpu.memory_space<vmem>> -> memref<49x1000xf32, #tpu.memory_space<vmem>>
    %dma_wait3A_414 = arith.constant 672 : i32
    %dma_wait3A_415 = tpu.memref_slice %arg6[%dma_wait3A_414] : memref<1792xi32, #tpu.memory_space<vmem>> -> memref<49xi32, #tpu.memory_space<vmem>>
    %dma_wait3A_416 = arith.constant 0 : i32
    %dma_wait3A_417 = arith.constant 0 : i32
    %dma_wait3A_418 = tpu.memref_slice %arg3[%dma_wait3A_416, %dma_wait3A_417] : memref<1000x1000xf32, #tpu.memory_space<hbm>> -> memref<1000x1000xf32, #tpu.memory_space<hbm>>
    tpu.wait_indirect_dma semaphore(%arg9 : memref<!tpu.dma_semaphore, #tpu.memory_space<semaphore_mem>>) src(%dma_wait3A_418 : memref<1000x1000xf32, #tpu.memory_space<hbm>>) dst(%dma_wait3A_413 : memref<49x1000xf32, #tpu.memory_space<vmem>>)
    %dma_wait3A_419 = arith.constant 0 : i32
    %dma_wait3A_420 = arith.constant 0 : i32
    %dma_wait3A_421 = tpu.memref_slice %arg5[%add3A_402, %dma_wait3A_419, %dma_wait3A_420] : memref<1024x50x1000xf32, #tpu.memory_space<hbm>> -> memref<1x50x1000xf32, #tpu.memory_space<hbm>>
    %dma_wait3A_422 = tpu.memref_squeeze %dma_wait3A_421 : memref<1x50x1000xf32, #tpu.memory_space<hbm>> -> memref<50x1000xf32, #tpu.memory_space<hbm>>
    %dma_wait3A_423 = arith.constant 0 : i32
    %dma_wait3A_424 = arith.constant 0 : i32
    %dma_wait3A_425 = tpu.memref_slice %arg5[%add3A_402, %dma_wait3A_423, %dma_wait3A_424] : memref<1024x50x1000xf32, #tpu.memory_space<hbm>> -> memref<1x50x1000xf32, #tpu.memory_space<hbm>>
    %dma_wait3A_426 = tpu.memref_squeeze %dma_wait3A_425 : memref<1x50x1000xf32, #tpu.memory_space<hbm>> -> memref<50x1000xf32, #tpu.memory_space<hbm>>
    tpu.wait_dma2 semaphore(%arg12 : memref<!tpu.dma_semaphore, #tpu.memory_space<semaphore_mem>>) src(%arg8 : memref<50x1000xf32, #tpu.memory_space<vmem>>) dst(%dma_wait3A_426 : memref<50x1000xf32, #tpu.memory_space<hbm>>)
    %dma_start3A_427 = arith.constant 1 : i32
    %dma_start3A_428 = arith.constant 0 : i32
    %dma_start3A_429 = tpu.memref_slice %arg8[%dma_start3A_427, %dma_start3A_428] : memref<50x1000xf32, #tpu.memory_space<vmem>> -> memref<49x1000xf32, #tpu.memory_space<vmem>>
    %dma_start3A_430 = arith.constant 728 : i32
    %dma_start3A_431 = tpu.memref_slice %arg6[%dma_start3A_430] : memref<1792xi32, #tpu.memory_space<vmem>> -> memref<49xi32, #tpu.memory_space<vmem>>
    %dma_start3A_432 = arith.constant 0 : i32
    %dma_start3A_433 = arith.constant 0 : i32
    %dma_start3A_434 = tpu.memref_slice %arg3[%dma_start3A_432, %dma_start3A_433] : memref<1000x1000xf32, #tpu.memory_space<hbm>> -> memref<1000x1000xf32, #tpu.memory_space<hbm>>
    tpu.enqueue_indirect_dma source(%dma_start3A_434 : memref<1000x1000xf32, #tpu.memory_space<hbm>>) target(%dma_start3A_429 : memref<49x1000xf32, #tpu.memory_space<vmem>>) offsets(%dma_start3A_431 : memref<49xi32, #tpu.memory_space<vmem>>) semaphore(%arg10 : memref<!tpu.dma_semaphore, #tpu.memory_space<semaphore_mem>>)
    %add3A_435 = arith.constant 12 : i32
    %add3A_436 = arith.addi %mul3A_2, %add3A_435 : i32
    %dma_start3A_437 = arith.constant 0 : i32
    %dma_start3A_438 = arith.constant 0 : i32
    %dma_start3A_439 = tpu.memref_slice %arg5[%add3A_436, %dma_start3A_437, %dma_start3A_438] : memref<1024x50x1000xf32, #tpu.memory_space<hbm>> -> memref<1x50x1000xf32, #tpu.memory_space<hbm>>
    %dma_start3A_440 = tpu.memref_squeeze %dma_start3A_439 : memref<1x50x1000xf32, #tpu.memory_space<hbm>> -> memref<50x1000xf32, #tpu.memory_space<hbm>>
    %dma_start3A_441 = arith.constant 0 : i32
    %dma_start3A_442 = arith.constant 0 : i32
    %dma_start3A_443 = tpu.memref_slice %arg5[%add3A_436, %dma_start3A_441, %dma_start3A_442] : memref<1024x50x1000xf32, #tpu.memory_space<hbm>> -> memref<1x50x1000xf32, #tpu.memory_space<hbm>>
    %dma_start3A_444 = tpu.memref_squeeze %dma_start3A_443 : memref<1x50x1000xf32, #tpu.memory_space<hbm>> -> memref<50x1000xf32, #tpu.memory_space<hbm>>
    tpu.enqueue_dma source(%arg7 : memref<50x1000xf32, #tpu.memory_space<vmem>>) target(%dma_start3A_444 : memref<50x1000xf32, #tpu.memory_space<hbm>>) target_semaphore(%arg11 : memref<!tpu.dma_semaphore, #tpu.memory_space<semaphore_mem>>)
    %dma_wait3A_445 = arith.constant 1 : i32
    %dma_wait3A_446 = arith.constant 0 : i32
    %dma_wait3A_447 = tpu.memref_slice %arg8[%dma_wait3A_445, %dma_wait3A_446] : memref<50x1000xf32, #tpu.memory_space<vmem>> -> memref<49x1000xf32, #tpu.memory_space<vmem>>
    %dma_wait3A_448 = arith.constant 728 : i32
    %dma_wait3A_449 = tpu.memref_slice %arg6[%dma_wait3A_448] : memref<1792xi32, #tpu.memory_space<vmem>> -> memref<49xi32, #tpu.memory_space<vmem>>
    %dma_wait3A_450 = arith.constant 0 : i32
    %dma_wait3A_451 = arith.constant 0 : i32
    %dma_wait3A_452 = tpu.memref_slice %arg3[%dma_wait3A_450, %dma_wait3A_451] : memref<1000x1000xf32, #tpu.memory_space<hbm>> -> memref<1000x1000xf32, #tpu.memory_space<hbm>>
    tpu.wait_indirect_dma semaphore(%arg10 : memref<!tpu.dma_semaphore, #tpu.memory_space<semaphore_mem>>) src(%dma_wait3A_452 : memref<1000x1000xf32, #tpu.memory_space<hbm>>) dst(%dma_wait3A_447 : memref<49x1000xf32, #tpu.memory_space<vmem>>)
    %dma_wait3A_453 = arith.constant 0 : i32
    %dma_wait3A_454 = arith.constant 0 : i32
    %dma_wait3A_455 = tpu.memref_slice %arg5[%add3A_436, %dma_wait3A_453, %dma_wait3A_454] : memref<1024x50x1000xf32, #tpu.memory_space<hbm>> -> memref<1x50x1000xf32, #tpu.memory_space<hbm>>
    %dma_wait3A_456 = tpu.memref_squeeze %dma_wait3A_455 : memref<1x50x1000xf32, #tpu.memory_space<hbm>> -> memref<50x1000xf32, #tpu.memory_space<hbm>>
    %dma_wait3A_457 = arith.constant 0 : i32
    %dma_wait3A_458 = arith.constant 0 : i32
    %dma_wait3A_459 = tpu.memref_slice %arg5[%add3A_436, %dma_wait3A_457, %dma_wait3A_458] : memref<1024x50x1000xf32, #tpu.memory_space<hbm>> -> memref<1x50x1000xf32, #tpu.memory_space<hbm>>
    %dma_wait3A_460 = tpu.memref_squeeze %dma_wait3A_459 : memref<1x50x1000xf32, #tpu.memory_space<hbm>> -> memref<50x1000xf32, #tpu.memory_space<hbm>>
    tpu.wait_dma2 semaphore(%arg11 : memref<!tpu.dma_semaphore, #tpu.memory_space<semaphore_mem>>) src(%arg7 : memref<50x1000xf32, #tpu.memory_space<vmem>>) dst(%dma_wait3A_460 : memref<50x1000xf32, #tpu.memory_space<hbm>>)
    %dma_start3A_461 = arith.constant 1 : i32
    %dma_start3A_462 = arith.constant 0 : i32
    %dma_start3A_463 = tpu.memref_slice %arg7[%dma_start3A_461, %dma_start3A_462] : memref<50x1000xf32, #tpu.memory_space<vmem>> -> memref<49x1000xf32, #tpu.memory_space<vmem>>
    %dma_start3A_464 = arith.constant 784 : i32
    %dma_start3A_465 = tpu.memref_slice %arg6[%dma_start3A_464] : memref<1792xi32, #tpu.memory_space<vmem>> -> memref<49xi32, #tpu.memory_space<vmem>>
    %dma_start3A_466 = arith.constant 0 : i32
    %dma_start3A_467 = arith.constant 0 : i32
    %dma_start3A_468 = tpu.memref_slice %arg3[%dma_start3A_466, %dma_start3A_467] : memref<1000x1000xf32, #tpu.memory_space<hbm>> -> memref<1000x1000xf32, #tpu.memory_space<hbm>>
    tpu.enqueue_indirect_dma source(%dma_start3A_468 : memref<1000x1000xf32, #tpu.memory_space<hbm>>) target(%dma_start3A_463 : memref<49x1000xf32, #tpu.memory_space<vmem>>) offsets(%dma_start3A_465 : memref<49xi32, #tpu.memory_space<vmem>>) semaphore(%arg9 : memref<!tpu.dma_semaphore, #tpu.memory_space<semaphore_mem>>)
    %add3A_469 = arith.constant 13 : i32
    %add3A_470 = arith.addi %mul3A_2, %add3A_469 : i32
    %dma_start3A_471 = arith.constant 0 : i32
    %dma_start3A_472 = arith.constant 0 : i32
    %dma_start3A_473 = tpu.memref_slice %arg5[%add3A_470, %dma_start3A_471, %dma_start3A_472] : memref<1024x50x1000xf32, #tpu.memory_space<hbm>> -> memref<1x50x1000xf32, #tpu.memory_space<hbm>>
    %dma_start3A_474 = tpu.memref_squeeze %dma_start3A_473 : memref<1x50x1000xf32, #tpu.memory_space<hbm>> -> memref<50x1000xf32, #tpu.memory_space<hbm>>
    %dma_start3A_475 = arith.constant 0 : i32
    %dma_start3A_476 = arith.constant 0 : i32
    %dma_start3A_477 = tpu.memref_slice %arg5[%add3A_470, %dma_start3A_475, %dma_start3A_476] : memref<1024x50x1000xf32, #tpu.memory_space<hbm>> -> memref<1x50x1000xf32, #tpu.memory_space<hbm>>
    %dma_start3A_478 = tpu.memref_squeeze %dma_start3A_477 : memref<1x50x1000xf32, #tpu.memory_space<hbm>> -> memref<50x1000xf32, #tpu.memory_space<hbm>>
    tpu.enqueue_dma source(%arg8 : memref<50x1000xf32, #tpu.memory_space<vmem>>) target(%dma_start3A_478 : memref<50x1000xf32, #tpu.memory_space<hbm>>) target_semaphore(%arg12 : memref<!tpu.dma_semaphore, #tpu.memory_space<semaphore_mem>>)
    %dma_wait3A_479 = arith.constant 1 : i32
    %dma_wait3A_480 = arith.constant 0 : i32
    %dma_wait3A_481 = tpu.memref_slice %arg7[%dma_wait3A_479, %dma_wait3A_480] : memref<50x1000xf32, #tpu.memory_space<vmem>> -> memref<49x1000xf32, #tpu.memory_space<vmem>>
    %dma_wait3A_482 = arith.constant 784 : i32
    %dma_wait3A_483 = tpu.memref_slice %arg6[%dma_wait3A_482] : memref<1792xi32, #tpu.memory_space<vmem>> -> memref<49xi32, #tpu.memory_space<vmem>>
    %dma_wait3A_484 = arith.constant 0 : i32
    %dma_wait3A_485 = arith.constant 0 : i32
    %dma_wait3A_486 = tpu.memref_slice %arg3[%dma_wait3A_484, %dma_wait3A_485] : memref<1000x1000xf32, #tpu.memory_space<hbm>> -> memref<1000x1000xf32, #tpu.memory_space<hbm>>
    tpu.wait_indirect_dma semaphore(%arg9 : memref<!tpu.dma_semaphore, #tpu.memory_space<semaphore_mem>>) src(%dma_wait3A_486 : memref<1000x1000xf32, #tpu.memory_space<hbm>>) dst(%dma_wait3A_481 : memref<49x1000xf32, #tpu.memory_space<vmem>>)
    %dma_wait3A_487 = arith.constant 0 : i32
    %dma_wait3A_488 = arith.constant 0 : i32
    %dma_wait3A_489 = tpu.memref_slice %arg5[%add3A_470, %dma_wait3A_487, %dma_wait3A_488] : memref<1024x50x1000xf32, #tpu.memory_space<hbm>> -> memref<1x50x1000xf32, #tpu.memory_space<hbm>>
    %dma_wait3A_490 = tpu.memref_squeeze %dma_wait3A_489 : memref<1x50x1000xf32, #tpu.memory_space<hbm>> -> memref<50x1000xf32, #tpu.memory_space<hbm>>
    %dma_wait3A_491 = arith.constant 0 : i32
    %dma_wait3A_492 = arith.constant 0 : i32
    %dma_wait3A_493 = tpu.memref_slice %arg5[%add3A_470, %dma_wait3A_491, %dma_wait3A_492] : memref<1024x50x1000xf32, #tpu.memory_space<hbm>> -> memref<1x50x1000xf32, #tpu.memory_space<hbm>>
    %dma_wait3A_494 = tpu.memref_squeeze %dma_wait3A_493 : memref<1x50x1000xf32, #tpu.memory_space<hbm>> -> memref<50x1000xf32, #tpu.memory_space<hbm>>
    tpu.wait_dma2 semaphore(%arg12 : memref<!tpu.dma_semaphore, #tpu.memory_space<semaphore_mem>>) src(%arg8 : memref<50x1000xf32, #tpu.memory_space<vmem>>) dst(%dma_wait3A_494 : memref<50x1000xf32, #tpu.memory_space<hbm>>)
    %dma_start3A_495 = arith.constant 1 : i32
    %dma_start3A_496 = arith.constant 0 : i32
    %dma_start3A_497 = tpu.memref_slice %arg8[%dma_start3A_495, %dma_start3A_496] : memref<50x1000xf32, #tpu.memory_space<vmem>> -> memref<49x1000xf32, #tpu.memory_space<vmem>>
    %dma_start3A_498 = arith.constant 840 : i32
    %dma_start3A_499 = tpu.memref_slice %arg6[%dma_start3A_498] : memref<1792xi32, #tpu.memory_space<vmem>> -> memref<49xi32, #tpu.memory_space<vmem>>
    %dma_start3A_500 = arith.constant 0 : i32
    %dma_start3A_501 = arith.constant 0 : i32
    %dma_start3A_502 = tpu.memref_slice %arg3[%dma_start3A_500, %dma_start3A_501] : memref<1000x1000xf32, #tpu.memory_space<hbm>> -> memref<1000x1000xf32, #tpu.memory_space<hbm>>
    tpu.enqueue_indirect_dma source(%dma_start3A_502 : memref<1000x1000xf32, #tpu.memory_space<hbm>>) target(%dma_start3A_497 : memref<49x1000xf32, #tpu.memory_space<vmem>>) offsets(%dma_start3A_499 : memref<49xi32, #tpu.memory_space<vmem>>) semaphore(%arg10 : memref<!tpu.dma_semaphore, #tpu.memory_space<semaphore_mem>>)
    %add3A_503 = arith.constant 14 : i32
    %add3A_504 = arith.addi %mul3A_2, %add3A_503 : i32
    %dma_start3A_505 = arith.constant 0 : i32
    %dma_start3A_506 = arith.constant 0 : i32
    %dma_start3A_507 = tpu.memref_slice %arg5[%add3A_504, %dma_start3A_505, %dma_start3A_506] : memref<1024x50x1000xf32, #tpu.memory_space<hbm>> -> memref<1x50x1000xf32, #tpu.memory_space<hbm>>
    %dma_start3A_508 = tpu.memref_squeeze %dma_start3A_507 : memref<1x50x1000xf32, #tpu.memory_space<hbm>> -> memref<50x1000xf32, #tpu.memory_space<hbm>>
    %dma_start3A_509 = arith.constant 0 : i32
    %dma_start3A_510 = arith.constant 0 : i32
    %dma_start3A_511 = tpu.memref_slice %arg5[%add3A_504, %dma_start3A_509, %dma_start3A_510] : memref<1024x50x1000xf32, #tpu.memory_space<hbm>> -> memref<1x50x1000xf32, #tpu.memory_space<hbm>>
    %dma_start3A_512 = tpu.memref_squeeze %dma_start3A_511 : memref<1x50x1000xf32, #tpu.memory_space<hbm>> -> memref<50x1000xf32, #tpu.memory_space<hbm>>
    tpu.enqueue_dma source(%arg7 : memref<50x1000xf32, #tpu.memory_space<vmem>>) target(%dma_start3A_512 : memref<50x1000xf32, #tpu.memory_space<hbm>>) target_semaphore(%arg11 : memref<!tpu.dma_semaphore, #tpu.memory_space<semaphore_mem>>)
    %dma_wait3A_513 = arith.constant 1 : i32
    %dma_wait3A_514 = arith.constant 0 : i32
    %dma_wait3A_515 = tpu.memref_slice %arg8[%dma_wait3A_513, %dma_wait3A_514] : memref<50x1000xf32, #tpu.memory_space<vmem>> -> memref<49x1000xf32, #tpu.memory_space<vmem>>
    %dma_wait3A_516 = arith.constant 840 : i32
    %dma_wait3A_517 = tpu.memref_slice %arg6[%dma_wait3A_516] : memref<1792xi32, #tpu.memory_space<vmem>> -> memref<49xi32, #tpu.memory_space<vmem>>
    %dma_wait3A_518 = arith.constant 0 : i32
    %dma_wait3A_519 = arith.constant 0 : i32
    %dma_wait3A_520 = tpu.memref_slice %arg3[%dma_wait3A_518, %dma_wait3A_519] : memref<1000x1000xf32, #tpu.memory_space<hbm>> -> memref<1000x1000xf32, #tpu.memory_space<hbm>>
    tpu.wait_indirect_dma semaphore(%arg10 : memref<!tpu.dma_semaphore, #tpu.memory_space<semaphore_mem>>) src(%dma_wait3A_520 : memref<1000x1000xf32, #tpu.memory_space<hbm>>) dst(%dma_wait3A_515 : memref<49x1000xf32, #tpu.memory_space<vmem>>)
    %dma_wait3A_521 = arith.constant 0 : i32
    %dma_wait3A_522 = arith.constant 0 : i32
    %dma_wait3A_523 = tpu.memref_slice %arg5[%add3A_504, %dma_wait3A_521, %dma_wait3A_522] : memref<1024x50x1000xf32, #tpu.memory_space<hbm>> -> memref<1x50x1000xf32, #tpu.memory_space<hbm>>
    %dma_wait3A_524 = tpu.memref_squeeze %dma_wait3A_523 : memref<1x50x1000xf32, #tpu.memory_space<hbm>> -> memref<50x1000xf32, #tpu.memory_space<hbm>>
    %dma_wait3A_525 = arith.constant 0 : i32
    %dma_wait3A_526 = arith.constant 0 : i32
    %dma_wait3A_527 = tpu.memref_slice %arg5[%add3A_504, %dma_wait3A_525, %dma_wait3A_526] : memref<1024x50x1000xf32, #tpu.memory_space<hbm>> -> memref<1x50x1000xf32, #tpu.memory_space<hbm>>
    %dma_wait3A_528 = tpu.memref_squeeze %dma_wait3A_527 : memref<1x50x1000xf32, #tpu.memory_space<hbm>> -> memref<50x1000xf32, #tpu.memory_space<hbm>>
    tpu.wait_dma2 semaphore(%arg11 : memref<!tpu.dma_semaphore, #tpu.memory_space<semaphore_mem>>) src(%arg7 : memref<50x1000xf32, #tpu.memory_space<vmem>>) dst(%dma_wait3A_528 : memref<50x1000xf32, #tpu.memory_space<hbm>>)
    %dma_start3A_529 = arith.constant 1 : i32
    %dma_start3A_530 = arith.constant 0 : i32
    %dma_start3A_531 = tpu.memref_slice %arg7[%dma_start3A_529, %dma_start3A_530] : memref<50x1000xf32, #tpu.memory_space<vmem>> -> memref<49x1000xf32, #tpu.memory_space<vmem>>
    %dma_start3A_532 = arith.constant 896 : i32
    %dma_start3A_533 = tpu.memref_slice %arg6[%dma_start3A_532] : memref<1792xi32, #tpu.memory_space<vmem>> -> memref<49xi32, #tpu.memory_space<vmem>>
    %dma_start3A_534 = arith.constant 0 : i32
    %dma_start3A_535 = arith.constant 0 : i32
    %dma_start3A_536 = tpu.memref_slice %arg3[%dma_start3A_534, %dma_start3A_535] : memref<1000x1000xf32, #tpu.memory_space<hbm>> -> memref<1000x1000xf32, #tpu.memory_space<hbm>>
    tpu.enqueue_indirect_dma source(%dma_start3A_536 : memref<1000x1000xf32, #tpu.memory_space<hbm>>) target(%dma_start3A_531 : memref<49x1000xf32, #tpu.memory_space<vmem>>) offsets(%dma_start3A_533 : memref<49xi32, #tpu.memory_space<vmem>>) semaphore(%arg9 : memref<!tpu.dma_semaphore, #tpu.memory_space<semaphore_mem>>)
    %add3A_537 = arith.constant 15 : i32
    %add3A_538 = arith.addi %mul3A_2, %add3A_537 : i32
    %dma_start3A_539 = arith.constant 0 : i32
    %dma_start3A_540 = arith.constant 0 : i32
    %dma_start3A_541 = tpu.memref_slice %arg5[%add3A_538, %dma_start3A_539, %dma_start3A_540] : memref<1024x50x1000xf32, #tpu.memory_space<hbm>> -> memref<1x50x1000xf32, #tpu.memory_space<hbm>>
    %dma_start3A_542 = tpu.memref_squeeze %dma_start3A_541 : memref<1x50x1000xf32, #tpu.memory_space<hbm>> -> memref<50x1000xf32, #tpu.memory_space<hbm>>
    %dma_start3A_543 = arith.constant 0 : i32
    %dma_start3A_544 = arith.constant 0 : i32
    %dma_start3A_545 = tpu.memref_slice %arg5[%add3A_538, %dma_start3A_543, %dma_start3A_544] : memref<1024x50x1000xf32, #tpu.memory_space<hbm>> -> memref<1x50x1000xf32, #tpu.memory_space<hbm>>
    %dma_start3A_546 = tpu.memref_squeeze %dma_start3A_545 : memref<1x50x1000xf32, #tpu.memory_space<hbm>> -> memref<50x1000xf32, #tpu.memory_space<hbm>>
    tpu.enqueue_dma source(%arg8 : memref<50x1000xf32, #tpu.memory_space<vmem>>) target(%dma_start3A_546 : memref<50x1000xf32, #tpu.memory_space<hbm>>) target_semaphore(%arg12 : memref<!tpu.dma_semaphore, #tpu.memory_space<semaphore_mem>>)
    %dma_wait3A_547 = arith.constant 1 : i32
    %dma_wait3A_548 = arith.constant 0 : i32
    %dma_wait3A_549 = tpu.memref_slice %arg7[%dma_wait3A_547, %dma_wait3A_548] : memref<50x1000xf32, #tpu.memory_space<vmem>> -> memref<49x1000xf32, #tpu.memory_space<vmem>>
    %dma_wait3A_550 = arith.constant 896 : i32
    %dma_wait3A_551 = tpu.memref_slice %arg6[%dma_wait3A_550] : memref<1792xi32, #tpu.memory_space<vmem>> -> memref<49xi32, #tpu.memory_space<vmem>>
    %dma_wait3A_552 = arith.constant 0 : i32
    %dma_wait3A_553 = arith.constant 0 : i32
    %dma_wait3A_554 = tpu.memref_slice %arg3[%dma_wait3A_552, %dma_wait3A_553] : memref<1000x1000xf32, #tpu.memory_space<hbm>> -> memref<1000x1000xf32, #tpu.memory_space<hbm>>
    tpu.wait_indirect_dma semaphore(%arg9 : memref<!tpu.dma_semaphore, #tpu.memory_space<semaphore_mem>>) src(%dma_wait3A_554 : memref<1000x1000xf32, #tpu.memory_space<hbm>>) dst(%dma_wait3A_549 : memref<49x1000xf32, #tpu.memory_space<vmem>>)
    %dma_wait3A_555 = arith.constant 0 : i32
    %dma_wait3A_556 = arith.constant 0 : i32
    %dma_wait3A_557 = tpu.memref_slice %arg5[%add3A_538, %dma_wait3A_555, %dma_wait3A_556] : memref<1024x50x1000xf32, #tpu.memory_space<hbm>> -> memref<1x50x1000xf32, #tpu.memory_space<hbm>>
    %dma_wait3A_558 = tpu.memref_squeeze %dma_wait3A_557 : memref<1x50x1000xf32, #tpu.memory_space<hbm>> -> memref<50x1000xf32, #tpu.memory_space<hbm>>
    %dma_wait3A_559 = arith.constant 0 : i32
    %dma_wait3A_560 = arith.constant 0 : i32
    %dma_wait3A_561 = tpu.memref_slice %arg5[%add3A_538, %dma_wait3A_559, %dma_wait3A_560] : memref<1024x50x1000xf32, #tpu.memory_space<hbm>> -> memref<1x50x1000xf32, #tpu.memory_space<hbm>>
    %dma_wait3A_562 = tpu.memref_squeeze %dma_wait3A_561 : memref<1x50x1000xf32, #tpu.memory_space<hbm>> -> memref<50x1000xf32, #tpu.memory_space<hbm>>
    tpu.wait_dma2 semaphore(%arg12 : memref<!tpu.dma_semaphore, #tpu.memory_space<semaphore_mem>>) src(%arg8 : memref<50x1000xf32, #tpu.memory_space<vmem>>) dst(%dma_wait3A_562 : memref<50x1000xf32, #tpu.memory_space<hbm>>)
    %dma_start3A_563 = arith.constant 1 : i32
    %dma_start3A_564 = arith.constant 0 : i32
    %dma_start3A_565 = tpu.memref_slice %arg8[%dma_start3A_563, %dma_start3A_564] : memref<50x1000xf32, #tpu.memory_space<vmem>> -> memref<49x1000xf32, #tpu.memory_space<vmem>>
    %dma_start3A_566 = arith.constant 952 : i32
    %dma_start3A_567 = tpu.memref_slice %arg6[%dma_start3A_566] : memref<1792xi32, #tpu.memory_space<vmem>> -> memref<49xi32, #tpu.memory_space<vmem>>
    %dma_start3A_568 = arith.constant 0 : i32
    %dma_start3A_569 = arith.constant 0 : i32
    %dma_start3A_570 = tpu.memref_slice %arg3[%dma_start3A_568, %dma_start3A_569] : memref<1000x1000xf32, #tpu.memory_space<hbm>> -> memref<1000x1000xf32, #tpu.memory_space<hbm>>
    tpu.enqueue_indirect_dma source(%dma_start3A_570 : memref<1000x1000xf32, #tpu.memory_space<hbm>>) target(%dma_start3A_565 : memref<49x1000xf32, #tpu.memory_space<vmem>>) offsets(%dma_start3A_567 : memref<49xi32, #tpu.memory_space<vmem>>) semaphore(%arg10 : memref<!tpu.dma_semaphore, #tpu.memory_space<semaphore_mem>>)
    %add3A_571 = arith.constant 16 : i32
    %add3A_572 = arith.addi %mul3A_2, %add3A_571 : i32
    %dma_start3A_573 = arith.constant 0 : i32
    %dma_start3A_574 = arith.constant 0 : i32
    %dma_start3A_575 = tpu.memref_slice %arg5[%add3A_572, %dma_start3A_573, %dma_start3A_574] : memref<1024x50x1000xf32, #tpu.memory_space<hbm>> -> memref<1x50x1000xf32, #tpu.memory_space<hbm>>
    %dma_start3A_576 = tpu.memref_squeeze %dma_start3A_575 : memref<1x50x1000xf32, #tpu.memory_space<hbm>> -> memref<50x1000xf32, #tpu.memory_space<hbm>>
    %dma_start3A_577 = arith.constant 0 : i32
    %dma_start3A_578 = arith.constant 0 : i32
    %dma_start3A_579 = tpu.memref_slice %arg5[%add3A_572, %dma_start3A_577, %dma_start3A_578] : memref<1024x50x1000xf32, #tpu.memory_space<hbm>> -> memref<1x50x1000xf32, #tpu.memory_space<hbm>>
    %dma_start3A_580 = tpu.memref_squeeze %dma_start3A_579 : memref<1x50x1000xf32, #tpu.memory_space<hbm>> -> memref<50x1000xf32, #tpu.memory_space<hbm>>
    tpu.enqueue_dma source(%arg7 : memref<50x1000xf32, #tpu.memory_space<vmem>>) target(%dma_start3A_580 : memref<50x1000xf32, #tpu.memory_space<hbm>>) target_semaphore(%arg11 : memref<!tpu.dma_semaphore, #tpu.memory_space<semaphore_mem>>)
    %dma_wait3A_581 = arith.constant 1 : i32
    %dma_wait3A_582 = arith.constant 0 : i32
    %dma_wait3A_583 = tpu.memref_slice %arg8[%dma_wait3A_581, %dma_wait3A_582] : memref<50x1000xf32, #tpu.memory_space<vmem>> -> memref<49x1000xf32, #tpu.memory_space<vmem>>
    %dma_wait3A_584 = arith.constant 952 : i32
    %dma_wait3A_585 = tpu.memref_slice %arg6[%dma_wait3A_584] : memref<1792xi32, #tpu.memory_space<vmem>> -> memref<49xi32, #tpu.memory_space<vmem>>
    %dma_wait3A_586 = arith.constant 0 : i32
    %dma_wait3A_587 = arith.constant 0 : i32
    %dma_wait3A_588 = tpu.memref_slice %arg3[%dma_wait3A_586, %dma_wait3A_587] : memref<1000x1000xf32, #tpu.memory_space<hbm>> -> memref<1000x1000xf32, #tpu.memory_space<hbm>>
    tpu.wait_indirect_dma semaphore(%arg10 : memref<!tpu.dma_semaphore, #tpu.memory_space<semaphore_mem>>) src(%dma_wait3A_588 : memref<1000x1000xf32, #tpu.memory_space<hbm>>) dst(%dma_wait3A_583 : memref<49x1000xf32, #tpu.memory_space<vmem>>)
    %dma_wait3A_589 = arith.constant 0 : i32
    %dma_wait3A_590 = arith.constant 0 : i32
    %dma_wait3A_591 = tpu.memref_slice %arg5[%add3A_572, %dma_wait3A_589, %dma_wait3A_590] : memref<1024x50x1000xf32, #tpu.memory_space<hbm>> -> memref<1x50x1000xf32, #tpu.memory_space<hbm>>
    %dma_wait3A_592 = tpu.memref_squeeze %dma_wait3A_591 : memref<1x50x1000xf32, #tpu.memory_space<hbm>> -> memref<50x1000xf32, #tpu.memory_space<hbm>>
    %dma_wait3A_593 = arith.constant 0 : i32
    %dma_wait3A_594 = arith.constant 0 : i32
    %dma_wait3A_595 = tpu.memref_slice %arg5[%add3A_572, %dma_wait3A_593, %dma_wait3A_594] : memref<1024x50x1000xf32, #tpu.memory_space<hbm>> -> memref<1x50x1000xf32, #tpu.memory_space<hbm>>
    %dma_wait3A_596 = tpu.memref_squeeze %dma_wait3A_595 : memref<1x50x1000xf32, #tpu.memory_space<hbm>> -> memref<50x1000xf32, #tpu.memory_space<hbm>>
    tpu.wait_dma2 semaphore(%arg11 : memref<!tpu.dma_semaphore, #tpu.memory_space<semaphore_mem>>) src(%arg7 : memref<50x1000xf32, #tpu.memory_space<vmem>>) dst(%dma_wait3A_596 : memref<50x1000xf32, #tpu.memory_space<hbm>>)
    %dma_start3A_597 = arith.constant 1 : i32
    %dma_start3A_598 = arith.constant 0 : i32
    %dma_start3A_599 = tpu.memref_slice %arg7[%dma_start3A_597, %dma_start3A_598] : memref<50x1000xf32, #tpu.memory_space<vmem>> -> memref<49x1000xf32, #tpu.memory_space<vmem>>
    %dma_start3A_600 = arith.constant 1008 : i32
    %dma_start3A_601 = tpu.memref_slice %arg6[%dma_start3A_600] : memref<1792xi32, #tpu.memory_space<vmem>> -> memref<49xi32, #tpu.memory_space<vmem>>
    %dma_start3A_602 = arith.constant 0 : i32
    %dma_start3A_603 = arith.constant 0 : i32
    %dma_start3A_604 = tpu.memref_slice %arg3[%dma_start3A_602, %dma_start3A_603] : memref<1000x1000xf32, #tpu.memory_space<hbm>> -> memref<1000x1000xf32, #tpu.memory_space<hbm>>
    tpu.enqueue_indirect_dma source(%dma_start3A_604 : memref<1000x1000xf32, #tpu.memory_space<hbm>>) target(%dma_start3A_599 : memref<49x1000xf32, #tpu.memory_space<vmem>>) offsets(%dma_start3A_601 : memref<49xi32, #tpu.memory_space<vmem>>) semaphore(%arg9 : memref<!tpu.dma_semaphore, #tpu.memory_space<semaphore_mem>>)
    %add3A_605 = arith.constant 17 : i32
    %add3A_606 = arith.addi %mul3A_2, %add3A_605 : i32
    %dma_start3A_607 = arith.constant 0 : i32
    %dma_start3A_608 = arith.constant 0 : i32
    %dma_start3A_609 = tpu.memref_slice %arg5[%add3A_606, %dma_start3A_607, %dma_start3A_608] : memref<1024x50x1000xf32, #tpu.memory_space<hbm>> -> memref<1x50x1000xf32, #tpu.memory_space<hbm>>
    %dma_start3A_610 = tpu.memref_squeeze %dma_start3A_609 : memref<1x50x1000xf32, #tpu.memory_space<hbm>> -> memref<50x1000xf32, #tpu.memory_space<hbm>>
    %dma_start3A_611 = arith.constant 0 : i32
    %dma_start3A_612 = arith.constant 0 : i32
    %dma_start3A_613 = tpu.memref_slice %arg5[%add3A_606, %dma_start3A_611, %dma_start3A_612] : memref<1024x50x1000xf32, #tpu.memory_space<hbm>> -> memref<1x50x1000xf32, #tpu.memory_space<hbm>>
    %dma_start3A_614 = tpu.memref_squeeze %dma_start3A_613 : memref<1x50x1000xf32, #tpu.memory_space<hbm>> -> memref<50x1000xf32, #tpu.memory_space<hbm>>
    tpu.enqueue_dma source(%arg8 : memref<50x1000xf32, #tpu.memory_space<vmem>>) target(%dma_start3A_614 : memref<50x1000xf32, #tpu.memory_space<hbm>>) target_semaphore(%arg12 : memref<!tpu.dma_semaphore, #tpu.memory_space<semaphore_mem>>)
    %dma_wait3A_615 = arith.constant 1 : i32
    %dma_wait3A_616 = arith.constant 0 : i32
    %dma_wait3A_617 = tpu.memref_slice %arg7[%dma_wait3A_615, %dma_wait3A_616] : memref<50x1000xf32, #tpu.memory_space<vmem>> -> memref<49x1000xf32, #tpu.memory_space<vmem>>
    %dma_wait3A_618 = arith.constant 1008 : i32
    %dma_wait3A_619 = tpu.memref_slice %arg6[%dma_wait3A_618] : memref<1792xi32, #tpu.memory_space<vmem>> -> memref<49xi32, #tpu.memory_space<vmem>>
    %dma_wait3A_620 = arith.constant 0 : i32
    %dma_wait3A_621 = arith.constant 0 : i32
    %dma_wait3A_622 = tpu.memref_slice %arg3[%dma_wait3A_620, %dma_wait3A_621] : memref<1000x1000xf32, #tpu.memory_space<hbm>> -> memref<1000x1000xf32, #tpu.memory_space<hbm>>
    tpu.wait_indirect_dma semaphore(%arg9 : memref<!tpu.dma_semaphore, #tpu.memory_space<semaphore_mem>>) src(%dma_wait3A_622 : memref<1000x1000xf32, #tpu.memory_space<hbm>>) dst(%dma_wait3A_617 : memref<49x1000xf32, #tpu.memory_space<vmem>>)
    %dma_wait3A_623 = arith.constant 0 : i32
    %dma_wait3A_624 = arith.constant 0 : i32
    %dma_wait3A_625 = tpu.memref_slice %arg5[%add3A_606, %dma_wait3A_623, %dma_wait3A_624] : memref<1024x50x1000xf32, #tpu.memory_space<hbm>> -> memref<1x50x1000xf32, #tpu.memory_space<hbm>>
    %dma_wait3A_626 = tpu.memref_squeeze %dma_wait3A_625 : memref<1x50x1000xf32, #tpu.memory_space<hbm>> -> memref<50x1000xf32, #tpu.memory_space<hbm>>
    %dma_wait3A_627 = arith.constant 0 : i32
    %dma_wait3A_628 = arith.constant 0 : i32
    %dma_wait3A_629 = tpu.memref_slice %arg5[%add3A_606, %dma_wait3A_627, %dma_wait3A_628] : memref<1024x50x1000xf32, #tpu.memory_space<hbm>> -> memref<1x50x1000xf32, #tpu.memory_space<hbm>>
    %dma_wait3A_630 = tpu.memref_squeeze %dma_wait3A_629 : memref<1x50x1000xf32, #tpu.memory_space<hbm>> -> memref<50x1000xf32, #tpu.memory_space<hbm>>
    tpu.wait_dma2 semaphore(%arg12 : memref<!tpu.dma_semaphore, #tpu.memory_space<semaphore_mem>>) src(%arg8 : memref<50x1000xf32, #tpu.memory_space<vmem>>) dst(%dma_wait3A_630 : memref<50x1000xf32, #tpu.memory_space<hbm>>)
    %dma_start3A_631 = arith.constant 1 : i32
    %dma_start3A_632 = arith.constant 0 : i32
    %dma_start3A_633 = tpu.memref_slice %arg8[%dma_start3A_631, %dma_start3A_632] : memref<50x1000xf32, #tpu.memory_space<vmem>> -> memref<49x1000xf32, #tpu.memory_space<vmem>>
    %dma_start3A_634 = arith.constant 1064 : i32
    %dma_start3A_635 = tpu.memref_slice %arg6[%dma_start3A_634] : memref<1792xi32, #tpu.memory_space<vmem>> -> memref<49xi32, #tpu.memory_space<vmem>>
    %dma_start3A_636 = arith.constant 0 : i32
    %dma_start3A_637 = arith.constant 0 : i32
    %dma_start3A_638 = tpu.memref_slice %arg3[%dma_start3A_636, %dma_start3A_637] : memref<1000x1000xf32, #tpu.memory_space<hbm>> -> memref<1000x1000xf32, #tpu.memory_space<hbm>>
    tpu.enqueue_indirect_dma source(%dma_start3A_638 : memref<1000x1000xf32, #tpu.memory_space<hbm>>) target(%dma_start3A_633 : memref<49x1000xf32, #tpu.memory_space<vmem>>) offsets(%dma_start3A_635 : memref<49xi32, #tpu.memory_space<vmem>>) semaphore(%arg10 : memref<!tpu.dma_semaphore, #tpu.memory_space<semaphore_mem>>)
    %add3A_639 = arith.constant 18 : i32
    %add3A_640 = arith.addi %mul3A_2, %add3A_639 : i32
    %dma_start3A_641 = arith.constant 0 : i32
    %dma_start3A_642 = arith.constant 0 : i32
    %dma_start3A_643 = tpu.memref_slice %arg5[%add3A_640, %dma_start3A_641, %dma_start3A_642] : memref<1024x50x1000xf32, #tpu.memory_space<hbm>> -> memref<1x50x1000xf32, #tpu.memory_space<hbm>>
    %dma_start3A_644 = tpu.memref_squeeze %dma_start3A_643 : memref<1x50x1000xf32, #tpu.memory_space<hbm>> -> memref<50x1000xf32, #tpu.memory_space<hbm>>
    %dma_start3A_645 = arith.constant 0 : i32
    %dma_start3A_646 = arith.constant 0 : i32
    %dma_start3A_647 = tpu.memref_slice %arg5[%add3A_640, %dma_start3A_645, %dma_start3A_646] : memref<1024x50x1000xf32, #tpu.memory_space<hbm>> -> memref<1x50x1000xf32, #tpu.memory_space<hbm>>
    %dma_start3A_648 = tpu.memref_squeeze %dma_start3A_647 : memref<1x50x1000xf32, #tpu.memory_space<hbm>> -> memref<50x1000xf32, #tpu.memory_space<hbm>>
    tpu.enqueue_dma source(%arg7 : memref<50x1000xf32, #tpu.memory_space<vmem>>) target(%dma_start3A_648 : memref<50x1000xf32, #tpu.memory_space<hbm>>) target_semaphore(%arg11 : memref<!tpu.dma_semaphore, #tpu.memory_space<semaphore_mem>>)
    %dma_wait3A_649 = arith.constant 1 : i32
    %dma_wait3A_650 = arith.constant 0 : i32
    %dma_wait3A_651 = tpu.memref_slice %arg8[%dma_wait3A_649, %dma_wait3A_650] : memref<50x1000xf32, #tpu.memory_space<vmem>> -> memref<49x1000xf32, #tpu.memory_space<vmem>>
    %dma_wait3A_652 = arith.constant 1064 : i32
    %dma_wait3A_653 = tpu.memref_slice %arg6[%dma_wait3A_652] : memref<1792xi32, #tpu.memory_space<vmem>> -> memref<49xi32, #tpu.memory_space<vmem>>
    %dma_wait3A_654 = arith.constant 0 : i32
    %dma_wait3A_655 = arith.constant 0 : i32
    %dma_wait3A_656 = tpu.memref_slice %arg3[%dma_wait3A_654, %dma_wait3A_655] : memref<1000x1000xf32, #tpu.memory_space<hbm>> -> memref<1000x1000xf32, #tpu.memory_space<hbm>>
    tpu.wait_indirect_dma semaphore(%arg10 : memref<!tpu.dma_semaphore, #tpu.memory_space<semaphore_mem>>) src(%dma_wait3A_656 : memref<1000x1000xf32, #tpu.memory_space<hbm>>) dst(%dma_wait3A_651 : memref<49x1000xf32, #tpu.memory_space<vmem>>)
    %dma_wait3A_657 = arith.constant 0 : i32
    %dma_wait3A_658 = arith.constant 0 : i32
    %dma_wait3A_659 = tpu.memref_slice %arg5[%add3A_640, %dma_wait3A_657, %dma_wait3A_658] : memref<1024x50x1000xf32, #tpu.memory_space<hbm>> -> memref<1x50x1000xf32, #tpu.memory_space<hbm>>
    %dma_wait3A_660 = tpu.memref_squeeze %dma_wait3A_659 : memref<1x50x1000xf32, #tpu.memory_space<hbm>> -> memref<50x1000xf32, #tpu.memory_space<hbm>>
    %dma_wait3A_661 = arith.constant 0 : i32
    %dma_wait3A_662 = arith.constant 0 : i32
    %dma_wait3A_663 = tpu.memref_slice %arg5[%add3A_640, %dma_wait3A_661, %dma_wait3A_662] : memref<1024x50x1000xf32, #tpu.memory_space<hbm>> -> memref<1x50x1000xf32, #tpu.memory_space<hbm>>
    %dma_wait3A_664 = tpu.memref_squeeze %dma_wait3A_663 : memref<1x50x1000xf32, #tpu.memory_space<hbm>> -> memref<50x1000xf32, #tpu.memory_space<hbm>>
    tpu.wait_dma2 semaphore(%arg11 : memref<!tpu.dma_semaphore, #tpu.memory_space<semaphore_mem>>) src(%arg7 : memref<50x1000xf32, #tpu.memory_space<vmem>>) dst(%dma_wait3A_664 : memref<50x1000xf32, #tpu.memory_space<hbm>>)
    %dma_start3A_665 = arith.constant 1 : i32
    %dma_start3A_666 = arith.constant 0 : i32
    %dma_start3A_667 = tpu.memref_slice %arg7[%dma_start3A_665, %dma_start3A_666] : memref<50x1000xf32, #tpu.memory_space<vmem>> -> memref<49x1000xf32, #tpu.memory_space<vmem>>
    %dma_start3A_668 = arith.constant 1120 : i32
    %dma_start3A_669 = tpu.memref_slice %arg6[%dma_start3A_668] : memref<1792xi32, #tpu.memory_space<vmem>> -> memref<49xi32, #tpu.memory_space<vmem>>
    %dma_start3A_670 = arith.constant 0 : i32
    %dma_start3A_671 = arith.constant 0 : i32
    %dma_start3A_672 = tpu.memref_slice %arg3[%dma_start3A_670, %dma_start3A_671] : memref<1000x1000xf32, #tpu.memory_space<hbm>> -> memref<1000x1000xf32, #tpu.memory_space<hbm>>
    tpu.enqueue_indirect_dma source(%dma_start3A_672 : memref<1000x1000xf32, #tpu.memory_space<hbm>>) target(%dma_start3A_667 : memref<49x1000xf32, #tpu.memory_space<vmem>>) offsets(%dma_start3A_669 : memref<49xi32, #tpu.memory_space<vmem>>) semaphore(%arg9 : memref<!tpu.dma_semaphore, #tpu.memory_space<semaphore_mem>>)
    %add3A_673 = arith.constant 19 : i32
    %add3A_674 = arith.addi %mul3A_2, %add3A_673 : i32
    %dma_start3A_675 = arith.constant 0 : i32
    %dma_start3A_676 = arith.constant 0 : i32
    %dma_start3A_677 = tpu.memref_slice %arg5[%add3A_674, %dma_start3A_675, %dma_start3A_676] : memref<1024x50x1000xf32, #tpu.memory_space<hbm>> -> memref<1x50x1000xf32, #tpu.memory_space<hbm>>
    %dma_start3A_678 = tpu.memref_squeeze %dma_start3A_677 : memref<1x50x1000xf32, #tpu.memory_space<hbm>> -> memref<50x1000xf32, #tpu.memory_space<hbm>>
    %dma_start3A_679 = arith.constant 0 : i32
    %dma_start3A_680 = arith.constant 0 : i32
    %dma_start3A_681 = tpu.memref_slice %arg5[%add3A_674, %dma_start3A_679, %dma_start3A_680] : memref<1024x50x1000xf32, #tpu.memory_space<hbm>> -> memref<1x50x1000xf32, #tpu.memory_space<hbm>>
    %dma_start3A_682 = tpu.memref_squeeze %dma_start3A_681 : memref<1x50x1000xf32, #tpu.memory_space<hbm>> -> memref<50x1000xf32, #tpu.memory_space<hbm>>
    tpu.enqueue_dma source(%arg8 : memref<50x1000xf32, #tpu.memory_space<vmem>>) target(%dma_start3A_682 : memref<50x1000xf32, #tpu.memory_space<hbm>>) target_semaphore(%arg12 : memref<!tpu.dma_semaphore, #tpu.memory_space<semaphore_mem>>)
    %dma_wait3A_683 = arith.constant 1 : i32
    %dma_wait3A_684 = arith.constant 0 : i32
    %dma_wait3A_685 = tpu.memref_slice %arg7[%dma_wait3A_683, %dma_wait3A_684] : memref<50x1000xf32, #tpu.memory_space<vmem>> -> memref<49x1000xf32, #tpu.memory_space<vmem>>
    %dma_wait3A_686 = arith.constant 1120 : i32
    %dma_wait3A_687 = tpu.memref_slice %arg6[%dma_wait3A_686] : memref<1792xi32, #tpu.memory_space<vmem>> -> memref<49xi32, #tpu.memory_space<vmem>>
    %dma_wait3A_688 = arith.constant 0 : i32
    %dma_wait3A_689 = arith.constant 0 : i32
    %dma_wait3A_690 = tpu.memref_slice %arg3[%dma_wait3A_688, %dma_wait3A_689] : memref<1000x1000xf32, #tpu.memory_space<hbm>> -> memref<1000x1000xf32, #tpu.memory_space<hbm>>
    tpu.wait_indirect_dma semaphore(%arg9 : memref<!tpu.dma_semaphore, #tpu.memory_space<semaphore_mem>>) src(%dma_wait3A_690 : memref<1000x1000xf32, #tpu.memory_space<hbm>>) dst(%dma_wait3A_685 : memref<49x1000xf32, #tpu.memory_space<vmem>>)
    %dma_wait3A_691 = arith.constant 0 : i32
    %dma_wait3A_692 = arith.constant 0 : i32
    %dma_wait3A_693 = tpu.memref_slice %arg5[%add3A_674, %dma_wait3A_691, %dma_wait3A_692] : memref<1024x50x1000xf32, #tpu.memory_space<hbm>> -> memref<1x50x1000xf32, #tpu.memory_space<hbm>>
    %dma_wait3A_694 = tpu.memref_squeeze %dma_wait3A_693 : memref<1x50x1000xf32, #tpu.memory_space<hbm>> -> memref<50x1000xf32, #tpu.memory_space<hbm>>
    %dma_wait3A_695 = arith.constant 0 : i32
    %dma_wait3A_696 = arith.constant 0 : i32
    %dma_wait3A_697 = tpu.memref_slice %arg5[%add3A_674, %dma_wait3A_695, %dma_wait3A_696] : memref<1024x50x1000xf32, #tpu.memory_space<hbm>> -> memref<1x50x1000xf32, #tpu.memory_space<hbm>>
    %dma_wait3A_698 = tpu.memref_squeeze %dma_wait3A_697 : memref<1x50x1000xf32, #tpu.memory_space<hbm>> -> memref<50x1000xf32, #tpu.memory_space<hbm>>
    tpu.wait_dma2 semaphore(%arg12 : memref<!tpu.dma_semaphore, #tpu.memory_space<semaphore_mem>>) src(%arg8 : memref<50x1000xf32, #tpu.memory_space<vmem>>) dst(%dma_wait3A_698 : memref<50x1000xf32, #tpu.memory_space<hbm>>)
    %dma_start3A_699 = arith.constant 1 : i32
    %dma_start3A_700 = arith.constant 0 : i32
    %dma_start3A_701 = tpu.memref_slice %arg8[%dma_start3A_699, %dma_start3A_700] : memref<50x1000xf32, #tpu.memory_space<vmem>> -> memref<49x1000xf32, #tpu.memory_space<vmem>>
    %dma_start3A_702 = arith.constant 1176 : i32
    %dma_start3A_703 = tpu.memref_slice %arg6[%dma_start3A_702] : memref<1792xi32, #tpu.memory_space<vmem>> -> memref<49xi32, #tpu.memory_space<vmem>>
    %dma_start3A_704 = arith.constant 0 : i32
    %dma_start3A_705 = arith.constant 0 : i32
    %dma_start3A_706 = tpu.memref_slice %arg3[%dma_start3A_704, %dma_start3A_705] : memref<1000x1000xf32, #tpu.memory_space<hbm>> -> memref<1000x1000xf32, #tpu.memory_space<hbm>>
    tpu.enqueue_indirect_dma source(%dma_start3A_706 : memref<1000x1000xf32, #tpu.memory_space<hbm>>) target(%dma_start3A_701 : memref<49x1000xf32, #tpu.memory_space<vmem>>) offsets(%dma_start3A_703 : memref<49xi32, #tpu.memory_space<vmem>>) semaphore(%arg10 : memref<!tpu.dma_semaphore, #tpu.memory_space<semaphore_mem>>)
    %add3A_707 = arith.constant 20 : i32
    %add3A_708 = arith.addi %mul3A_2, %add3A_707 : i32
    %dma_start3A_709 = arith.constant 0 : i32
    %dma_start3A_710 = arith.constant 0 : i32
    %dma_start3A_711 = tpu.memref_slice %arg5[%add3A_708, %dma_start3A_709, %dma_start3A_710] : memref<1024x50x1000xf32, #tpu.memory_space<hbm>> -> memref<1x50x1000xf32, #tpu.memory_space<hbm>>
    %dma_start3A_712 = tpu.memref_squeeze %dma_start3A_711 : memref<1x50x1000xf32, #tpu.memory_space<hbm>> -> memref<50x1000xf32, #tpu.memory_space<hbm>>
    %dma_start3A_713 = arith.constant 0 : i32
    %dma_start3A_714 = arith.constant 0 : i32
    %dma_start3A_715 = tpu.memref_slice %arg5[%add3A_708, %dma_start3A_713, %dma_start3A_714] : memref<1024x50x1000xf32, #tpu.memory_space<hbm>> -> memref<1x50x1000xf32, #tpu.memory_space<hbm>>
    %dma_start3A_716 = tpu.memref_squeeze %dma_start3A_715 : memref<1x50x1000xf32, #tpu.memory_space<hbm>> -> memref<50x1000xf32, #tpu.memory_space<hbm>>
    tpu.enqueue_dma source(%arg7 : memref<50x1000xf32, #tpu.memory_space<vmem>>) target(%dma_start3A_716 : memref<50x1000xf32, #tpu.memory_space<hbm>>) target_semaphore(%arg11 : memref<!tpu.dma_semaphore, #tpu.memory_space<semaphore_mem>>)
    %dma_wait3A_717 = arith.constant 1 : i32
    %dma_wait3A_718 = arith.constant 0 : i32
    %dma_wait3A_719 = tpu.memref_slice %arg8[%dma_wait3A_717, %dma_wait3A_718] : memref<50x1000xf32, #tpu.memory_space<vmem>> -> memref<49x1000xf32, #tpu.memory_space<vmem>>
    %dma_wait3A_720 = arith.constant 1176 : i32
    %dma_wait3A_721 = tpu.memref_slice %arg6[%dma_wait3A_720] : memref<1792xi32, #tpu.memory_space<vmem>> -> memref<49xi32, #tpu.memory_space<vmem>>
    %dma_wait3A_722 = arith.constant 0 : i32
    %dma_wait3A_723 = arith.constant 0 : i32
    %dma_wait3A_724 = tpu.memref_slice %arg3[%dma_wait3A_722, %dma_wait3A_723] : memref<1000x1000xf32, #tpu.memory_space<hbm>> -> memref<1000x1000xf32, #tpu.memory_space<hbm>>
    tpu.wait_indirect_dma semaphore(%arg10 : memref<!tpu.dma_semaphore, #tpu.memory_space<semaphore_mem>>) src(%dma_wait3A_724 : memref<1000x1000xf32, #tpu.memory_space<hbm>>) dst(%dma_wait3A_719 : memref<49x1000xf32, #tpu.memory_space<vmem>>)
    %dma_wait3A_725 = arith.constant 0 : i32
    %dma_wait3A_726 = arith.constant 0 : i32
    %dma_wait3A_727 = tpu.memref_slice %arg5[%add3A_708, %dma_wait3A_725, %dma_wait3A_726] : memref<1024x50x1000xf32, #tpu.memory_space<hbm>> -> memref<1x50x1000xf32, #tpu.memory_space<hbm>>
    %dma_wait3A_728 = tpu.memref_squeeze %dma_wait3A_727 : memref<1x50x1000xf32, #tpu.memory_space<hbm>> -> memref<50x1000xf32, #tpu.memory_space<hbm>>
    %dma_wait3A_729 = arith.constant 0 : i32
    %dma_wait3A_730 = arith.constant 0 : i32
    %dma_wait3A_731 = tpu.memref_slice %arg5[%add3A_708, %dma_wait3A_729, %dma_wait3A_730] : memref<1024x50x1000xf32, #tpu.memory_space<hbm>> -> memref<1x50x1000xf32, #tpu.memory_space<hbm>>
    %dma_wait3A_732 = tpu.memref_squeeze %dma_wait3A_731 : memref<1x50x1000xf32, #tpu.memory_space<hbm>> -> memref<50x1000xf32, #tpu.memory_space<hbm>>
    tpu.wait_dma2 semaphore(%arg11 : memref<!tpu.dma_semaphore, #tpu.memory_space<semaphore_mem>>) src(%arg7 : memref<50x1000xf32, #tpu.memory_space<vmem>>) dst(%dma_wait3A_732 : memref<50x1000xf32, #tpu.memory_space<hbm>>)
    %dma_start3A_733 = arith.constant 1 : i32
    %dma_start3A_734 = arith.constant 0 : i32
    %dma_start3A_735 = tpu.memref_slice %arg7[%dma_start3A_733, %dma_start3A_734] : memref<50x1000xf32, #tpu.memory_space<vmem>> -> memref<49x1000xf32, #tpu.memory_space<vmem>>
    %dma_start3A_736 = arith.constant 1232 : i32
    %dma_start3A_737 = tpu.memref_slice %arg6[%dma_start3A_736] : memref<1792xi32, #tpu.memory_space<vmem>> -> memref<49xi32, #tpu.memory_space<vmem>>
    %dma_start3A_738 = arith.constant 0 : i32
    %dma_start3A_739 = arith.constant 0 : i32
    %dma_start3A_740 = tpu.memref_slice %arg3[%dma_start3A_738, %dma_start3A_739] : memref<1000x1000xf32, #tpu.memory_space<hbm>> -> memref<1000x1000xf32, #tpu.memory_space<hbm>>
    tpu.enqueue_indirect_dma source(%dma_start3A_740 : memref<1000x1000xf32, #tpu.memory_space<hbm>>) target(%dma_start3A_735 : memref<49x1000xf32, #tpu.memory_space<vmem>>) offsets(%dma_start3A_737 : memref<49xi32, #tpu.memory_space<vmem>>) semaphore(%arg9 : memref<!tpu.dma_semaphore, #tpu.memory_space<semaphore_mem>>)
    %add3A_741 = arith.constant 21 : i32
    %add3A_742 = arith.addi %mul3A_2, %add3A_741 : i32
    %dma_start3A_743 = arith.constant 0 : i32
    %dma_start3A_744 = arith.constant 0 : i32
    %dma_start3A_745 = tpu.memref_slice %arg5[%add3A_742, %dma_start3A_743, %dma_start3A_744] : memref<1024x50x1000xf32, #tpu.memory_space<hbm>> -> memref<1x50x1000xf32, #tpu.memory_space<hbm>>
    %dma_start3A_746 = tpu.memref_squeeze %dma_start3A_745 : memref<1x50x1000xf32, #tpu.memory_space<hbm>> -> memref<50x1000xf32, #tpu.memory_space<hbm>>
    %dma_start3A_747 = arith.constant 0 : i32
    %dma_start3A_748 = arith.constant 0 : i32
    %dma_start3A_749 = tpu.memref_slice %arg5[%add3A_742, %dma_start3A_747, %dma_start3A_748] : memref<1024x50x1000xf32, #tpu.memory_space<hbm>> -> memref<1x50x1000xf32, #tpu.memory_space<hbm>>
    %dma_start3A_750 = tpu.memref_squeeze %dma_start3A_749 : memref<1x50x1000xf32, #tpu.memory_space<hbm>> -> memref<50x1000xf32, #tpu.memory_space<hbm>>
    tpu.enqueue_dma source(%arg8 : memref<50x1000xf32, #tpu.memory_space<vmem>>) target(%dma_start3A_750 : memref<50x1000xf32, #tpu.memory_space<hbm>>) target_semaphore(%arg12 : memref<!tpu.dma_semaphore, #tpu.memory_space<semaphore_mem>>)
    %dma_wait3A_751 = arith.constant 1 : i32
    %dma_wait3A_752 = arith.constant 0 : i32
    %dma_wait3A_753 = tpu.memref_slice %arg7[%dma_wait3A_751, %dma_wait3A_752] : memref<50x1000xf32, #tpu.memory_space<vmem>> -> memref<49x1000xf32, #tpu.memory_space<vmem>>
    %dma_wait3A_754 = arith.constant 1232 : i32
    %dma_wait3A_755 = tpu.memref_slice %arg6[%dma_wait3A_754] : memref<1792xi32, #tpu.memory_space<vmem>> -> memref<49xi32, #tpu.memory_space<vmem>>
    %dma_wait3A_756 = arith.constant 0 : i32
    %dma_wait3A_757 = arith.constant 0 : i32
    %dma_wait3A_758 = tpu.memref_slice %arg3[%dma_wait3A_756, %dma_wait3A_757] : memref<1000x1000xf32, #tpu.memory_space<hbm>> -> memref<1000x1000xf32, #tpu.memory_space<hbm>>
    tpu.wait_indirect_dma semaphore(%arg9 : memref<!tpu.dma_semaphore, #tpu.memory_space<semaphore_mem>>) src(%dma_wait3A_758 : memref<1000x1000xf32, #tpu.memory_space<hbm>>) dst(%dma_wait3A_753 : memref<49x1000xf32, #tpu.memory_space<vmem>>)
    %dma_wait3A_759 = arith.constant 0 : i32
    %dma_wait3A_760 = arith.constant 0 : i32
    %dma_wait3A_761 = tpu.memref_slice %arg5[%add3A_742, %dma_wait3A_759, %dma_wait3A_760] : memref<1024x50x1000xf32, #tpu.memory_space<hbm>> -> memref<1x50x1000xf32, #tpu.memory_space<hbm>>
    %dma_wait3A_762 = tpu.memref_squeeze %dma_wait3A_761 : memref<1x50x1000xf32, #tpu.memory_space<hbm>> -> memref<50x1000xf32, #tpu.memory_space<hbm>>
    %dma_wait3A_763 = arith.constant 0 : i32
    %dma_wait3A_764 = arith.constant 0 : i32
    %dma_wait3A_765 = tpu.memref_slice %arg5[%add3A_742, %dma_wait3A_763, %dma_wait3A_764] : memref<1024x50x1000xf32, #tpu.memory_space<hbm>> -> memref<1x50x1000xf32, #tpu.memory_space<hbm>>
    %dma_wait3A_766 = tpu.memref_squeeze %dma_wait3A_765 : memref<1x50x1000xf32, #tpu.memory_space<hbm>> -> memref<50x1000xf32, #tpu.memory_space<hbm>>
    tpu.wait_dma2 semaphore(%arg12 : memref<!tpu.dma_semaphore, #tpu.memory_space<semaphore_mem>>) src(%arg8 : memref<50x1000xf32, #tpu.memory_space<vmem>>) dst(%dma_wait3A_766 : memref<50x1000xf32, #tpu.memory_space<hbm>>)
    %dma_start3A_767 = arith.constant 1 : i32
    %dma_start3A_768 = arith.constant 0 : i32
    %dma_start3A_769 = tpu.memref_slice %arg8[%dma_start3A_767, %dma_start3A_768] : memref<50x1000xf32, #tpu.memory_space<vmem>> -> memref<49x1000xf32, #tpu.memory_space<vmem>>
    %dma_start3A_770 = arith.constant 1288 : i32
    %dma_start3A_771 = tpu.memref_slice %arg6[%dma_start3A_770] : memref<1792xi32, #tpu.memory_space<vmem>> -> memref<49xi32, #tpu.memory_space<vmem>>
    %dma_start3A_772 = arith.constant 0 : i32
    %dma_start3A_773 = arith.constant 0 : i32
    %dma_start3A_774 = tpu.memref_slice %arg3[%dma_start3A_772, %dma_start3A_773] : memref<1000x1000xf32, #tpu.memory_space<hbm>> -> memref<1000x1000xf32, #tpu.memory_space<hbm>>
    tpu.enqueue_indirect_dma source(%dma_start3A_774 : memref<1000x1000xf32, #tpu.memory_space<hbm>>) target(%dma_start3A_769 : memref<49x1000xf32, #tpu.memory_space<vmem>>) offsets(%dma_start3A_771 : memref<49xi32, #tpu.memory_space<vmem>>) semaphore(%arg10 : memref<!tpu.dma_semaphore, #tpu.memory_space<semaphore_mem>>)
    %add3A_775 = arith.constant 22 : i32
    %add3A_776 = arith.addi %mul3A_2, %add3A_775 : i32
    %dma_start3A_777 = arith.constant 0 : i32
    %dma_start3A_778 = arith.constant 0 : i32
    %dma_start3A_779 = tpu.memref_slice %arg5[%add3A_776, %dma_start3A_777, %dma_start3A_778] : memref<1024x50x1000xf32, #tpu.memory_space<hbm>> -> memref<1x50x1000xf32, #tpu.memory_space<hbm>>
    %dma_start3A_780 = tpu.memref_squeeze %dma_start3A_779 : memref<1x50x1000xf32, #tpu.memory_space<hbm>> -> memref<50x1000xf32, #tpu.memory_space<hbm>>
    %dma_start3A_781 = arith.constant 0 : i32
    %dma_start3A_782 = arith.constant 0 : i32
    %dma_start3A_783 = tpu.memref_slice %arg5[%add3A_776, %dma_start3A_781, %dma_start3A_782] : memref<1024x50x1000xf32, #tpu.memory_space<hbm>> -> memref<1x50x1000xf32, #tpu.memory_space<hbm>>
    %dma_start3A_784 = tpu.memref_squeeze %dma_start3A_783 : memref<1x50x1000xf32, #tpu.memory_space<hbm>> -> memref<50x1000xf32, #tpu.memory_space<hbm>>
    tpu.enqueue_dma source(%arg7 : memref<50x1000xf32, #tpu.memory_space<vmem>>) target(%dma_start3A_784 : memref<50x1000xf32, #tpu.memory_space<hbm>>) target_semaphore(%arg11 : memref<!tpu.dma_semaphore, #tpu.memory_space<semaphore_mem>>)
    %dma_wait3A_785 = arith.constant 1 : i32
    %dma_wait3A_786 = arith.constant 0 : i32
    %dma_wait3A_787 = tpu.memref_slice %arg8[%dma_wait3A_785, %dma_wait3A_786] : memref<50x1000xf32, #tpu.memory_space<vmem>> -> memref<49x1000xf32, #tpu.memory_space<vmem>>
    %dma_wait3A_788 = arith.constant 1288 : i32
    %dma_wait3A_789 = tpu.memref_slice %arg6[%dma_wait3A_788] : memref<1792xi32, #tpu.memory_space<vmem>> -> memref<49xi32, #tpu.memory_space<vmem>>
    %dma_wait3A_790 = arith.constant 0 : i32
    %dma_wait3A_791 = arith.constant 0 : i32
    %dma_wait3A_792 = tpu.memref_slice %arg3[%dma_wait3A_790, %dma_wait3A_791] : memref<1000x1000xf32, #tpu.memory_space<hbm>> -> memref<1000x1000xf32, #tpu.memory_space<hbm>>
    tpu.wait_indirect_dma semaphore(%arg10 : memref<!tpu.dma_semaphore, #tpu.memory_space<semaphore_mem>>) src(%dma_wait3A_792 : memref<1000x1000xf32, #tpu.memory_space<hbm>>) dst(%dma_wait3A_787 : memref<49x1000xf32, #tpu.memory_space<vmem>>)
    %dma_wait3A_793 = arith.constant 0 : i32
    %dma_wait3A_794 = arith.constant 0 : i32
    %dma_wait3A_795 = tpu.memref_slice %arg5[%add3A_776, %dma_wait3A_793, %dma_wait3A_794] : memref<1024x50x1000xf32, #tpu.memory_space<hbm>> -> memref<1x50x1000xf32, #tpu.memory_space<hbm>>
    %dma_wait3A_796 = tpu.memref_squeeze %dma_wait3A_795 : memref<1x50x1000xf32, #tpu.memory_space<hbm>> -> memref<50x1000xf32, #tpu.memory_space<hbm>>
    %dma_wait3A_797 = arith.constant 0 : i32
    %dma_wait3A_798 = arith.constant 0 : i32
    %dma_wait3A_799 = tpu.memref_slice %arg5[%add3A_776, %dma_wait3A_797, %dma_wait3A_798] : memref<1024x50x1000xf32, #tpu.memory_space<hbm>> -> memref<1x50x1000xf32, #tpu.memory_space<hbm>>
    %dma_wait3A_800 = tpu.memref_squeeze %dma_wait3A_799 : memref<1x50x1000xf32, #tpu.memory_space<hbm>> -> memref<50x1000xf32, #tpu.memory_space<hbm>>
    tpu.wait_dma2 semaphore(%arg11 : memref<!tpu.dma_semaphore, #tpu.memory_space<semaphore_mem>>) src(%arg7 : memref<50x1000xf32, #tpu.memory_space<vmem>>) dst(%dma_wait3A_800 : memref<50x1000xf32, #tpu.memory_space<hbm>>)
    %dma_start3A_801 = arith.constant 1 : i32
    %dma_start3A_802 = arith.constant 0 : i32
    %dma_start3A_803 = tpu.memref_slice %arg7[%dma_start3A_801, %dma_start3A_802] : memref<50x1000xf32, #tpu.memory_space<vmem>> -> memref<49x1000xf32, #tpu.memory_space<vmem>>
    %dma_start3A_804 = arith.constant 1344 : i32
    %dma_start3A_805 = tpu.memref_slice %arg6[%dma_start3A_804] : memref<1792xi32, #tpu.memory_space<vmem>> -> memref<49xi32, #tpu.memory_space<vmem>>
    %dma_start3A_806 = arith.constant 0 : i32
    %dma_start3A_807 = arith.constant 0 : i32
    %dma_start3A_808 = tpu.memref_slice %arg3[%dma_start3A_806, %dma_start3A_807] : memref<1000x1000xf32, #tpu.memory_space<hbm>> -> memref<1000x1000xf32, #tpu.memory_space<hbm>>
    tpu.enqueue_indirect_dma source(%dma_start3A_808 : memref<1000x1000xf32, #tpu.memory_space<hbm>>) target(%dma_start3A_803 : memref<49x1000xf32, #tpu.memory_space<vmem>>) offsets(%dma_start3A_805 : memref<49xi32, #tpu.memory_space<vmem>>) semaphore(%arg9 : memref<!tpu.dma_semaphore, #tpu.memory_space<semaphore_mem>>)
    %add3A_809 = arith.constant 23 : i32
    %add3A_810 = arith.addi %mul3A_2, %add3A_809 : i32
    %dma_start3A_811 = arith.constant 0 : i32
    %dma_start3A_812 = arith.constant 0 : i32
    %dma_start3A_813 = tpu.memref_slice %arg5[%add3A_810, %dma_start3A_811, %dma_start3A_812] : memref<1024x50x1000xf32, #tpu.memory_space<hbm>> -> memref<1x50x1000xf32, #tpu.memory_space<hbm>>
    %dma_start3A_814 = tpu.memref_squeeze %dma_start3A_813 : memref<1x50x1000xf32, #tpu.memory_space<hbm>> -> memref<50x1000xf32, #tpu.memory_space<hbm>>
    %dma_start3A_815 = arith.constant 0 : i32
    %dma_start3A_816 = arith.constant 0 : i32
    %dma_start3A_817 = tpu.memref_slice %arg5[%add3A_810, %dma_start3A_815, %dma_start3A_816] : memref<1024x50x1000xf32, #tpu.memory_space<hbm>> -> memref<1x50x1000xf32, #tpu.memory_space<hbm>>
    %dma_start3A_818 = tpu.memref_squeeze %dma_start3A_817 : memref<1x50x1000xf32, #tpu.memory_space<hbm>> -> memref<50x1000xf32, #tpu.memory_space<hbm>>
    tpu.enqueue_dma source(%arg8 : memref<50x1000xf32, #tpu.memory_space<vmem>>) target(%dma_start3A_818 : memref<50x1000xf32, #tpu.memory_space<hbm>>) target_semaphore(%arg12 : memref<!tpu.dma_semaphore, #tpu.memory_space<semaphore_mem>>)
    %dma_wait3A_819 = arith.constant 1 : i32
    %dma_wait3A_820 = arith.constant 0 : i32
    %dma_wait3A_821 = tpu.memref_slice %arg7[%dma_wait3A_819, %dma_wait3A_820] : memref<50x1000xf32, #tpu.memory_space<vmem>> -> memref<49x1000xf32, #tpu.memory_space<vmem>>
    %dma_wait3A_822 = arith.constant 1344 : i32
    %dma_wait3A_823 = tpu.memref_slice %arg6[%dma_wait3A_822] : memref<1792xi32, #tpu.memory_space<vmem>> -> memref<49xi32, #tpu.memory_space<vmem>>
    %dma_wait3A_824 = arith.constant 0 : i32
    %dma_wait3A_825 = arith.constant 0 : i32
    %dma_wait3A_826 = tpu.memref_slice %arg3[%dma_wait3A_824, %dma_wait3A_825] : memref<1000x1000xf32, #tpu.memory_space<hbm>> -> memref<1000x1000xf32, #tpu.memory_space<hbm>>
    tpu.wait_indirect_dma semaphore(%arg9 : memref<!tpu.dma_semaphore, #tpu.memory_space<semaphore_mem>>) src(%dma_wait3A_826 : memref<1000x1000xf32, #tpu.memory_space<hbm>>) dst(%dma_wait3A_821 : memref<49x1000xf32, #tpu.memory_space<vmem>>)
    %dma_wait3A_827 = arith.constant 0 : i32
    %dma_wait3A_828 = arith.constant 0 : i32
    %dma_wait3A_829 = tpu.memref_slice %arg5[%add3A_810, %dma_wait3A_827, %dma_wait3A_828] : memref<1024x50x1000xf32, #tpu.memory_space<hbm>> -> memref<1x50x1000xf32, #tpu.memory_space<hbm>>
    %dma_wait3A_830 = tpu.memref_squeeze %dma_wait3A_829 : memref<1x50x1000xf32, #tpu.memory_space<hbm>> -> memref<50x1000xf32, #tpu.memory_space<hbm>>
    %dma_wait3A_831 = arith.constant 0 : i32
    %dma_wait3A_832 = arith.constant 0 : i32
    %dma_wait3A_833 = tpu.memref_slice %arg5[%add3A_810, %dma_wait3A_831, %dma_wait3A_832] : memref<1024x50x1000xf32, #tpu.memory_space<hbm>> -> memref<1x50x1000xf32, #tpu.memory_space<hbm>>
    %dma_wait3A_834 = tpu.memref_squeeze %dma_wait3A_833 : memref<1x50x1000xf32, #tpu.memory_space<hbm>> -> memref<50x1000xf32, #tpu.memory_space<hbm>>
    tpu.wait_dma2 semaphore(%arg12 : memref<!tpu.dma_semaphore, #tpu.memory_space<semaphore_mem>>) src(%arg8 : memref<50x1000xf32, #tpu.memory_space<vmem>>) dst(%dma_wait3A_834 : memref<50x1000xf32, #tpu.memory_space<hbm>>)
    %dma_start3A_835 = arith.constant 1 : i32
    %dma_start3A_836 = arith.constant 0 : i32
    %dma_start3A_837 = tpu.memref_slice %arg8[%dma_start3A_835, %dma_start3A_836] : memref<50x1000xf32, #tpu.memory_space<vmem>> -> memref<49x1000xf32, #tpu.memory_space<vmem>>
    %dma_start3A_838 = arith.constant 1400 : i32
    %dma_start3A_839 = tpu.memref_slice %arg6[%dma_start3A_838] : memref<1792xi32, #tpu.memory_space<vmem>> -> memref<49xi32, #tpu.memory_space<vmem>>
    %dma_start3A_840 = arith.constant 0 : i32
    %dma_start3A_841 = arith.constant 0 : i32
    %dma_start3A_842 = tpu.memref_slice %arg3[%dma_start3A_840, %dma_start3A_841] : memref<1000x1000xf32, #tpu.memory_space<hbm>> -> memref<1000x1000xf32, #tpu.memory_space<hbm>>
    tpu.enqueue_indirect_dma source(%dma_start3A_842 : memref<1000x1000xf32, #tpu.memory_space<hbm>>) target(%dma_start3A_837 : memref<49x1000xf32, #tpu.memory_space<vmem>>) offsets(%dma_start3A_839 : memref<49xi32, #tpu.memory_space<vmem>>) semaphore(%arg10 : memref<!tpu.dma_semaphore, #tpu.memory_space<semaphore_mem>>)
    %add3A_843 = arith.constant 24 : i32
    %add3A_844 = arith.addi %mul3A_2, %add3A_843 : i32
    %dma_start3A_845 = arith.constant 0 : i32
    %dma_start3A_846 = arith.constant 0 : i32
    %dma_start3A_847 = tpu.memref_slice %arg5[%add3A_844, %dma_start3A_845, %dma_start3A_846] : memref<1024x50x1000xf32, #tpu.memory_space<hbm>> -> memref<1x50x1000xf32, #tpu.memory_space<hbm>>
    %dma_start3A_848 = tpu.memref_squeeze %dma_start3A_847 : memref<1x50x1000xf32, #tpu.memory_space<hbm>> -> memref<50x1000xf32, #tpu.memory_space<hbm>>
    %dma_start3A_849 = arith.constant 0 : i32
    %dma_start3A_850 = arith.constant 0 : i32
    %dma_start3A_851 = tpu.memref_slice %arg5[%add3A_844, %dma_start3A_849, %dma_start3A_850] : memref<1024x50x1000xf32, #tpu.memory_space<hbm>> -> memref<1x50x1000xf32, #tpu.memory_space<hbm>>
    %dma_start3A_852 = tpu.memref_squeeze %dma_start3A_851 : memref<1x50x1000xf32, #tpu.memory_space<hbm>> -> memref<50x1000xf32, #tpu.memory_space<hbm>>
    tpu.enqueue_dma source(%arg7 : memref<50x1000xf32, #tpu.memory_space<vmem>>) target(%dma_start3A_852 : memref<50x1000xf32, #tpu.memory_space<hbm>>) target_semaphore(%arg11 : memref<!tpu.dma_semaphore, #tpu.memory_space<semaphore_mem>>)
    %dma_wait3A_853 = arith.constant 1 : i32
    %dma_wait3A_854 = arith.constant 0 : i32
    %dma_wait3A_855 = tpu.memref_slice %arg8[%dma_wait3A_853, %dma_wait3A_854] : memref<50x1000xf32, #tpu.memory_space<vmem>> -> memref<49x1000xf32, #tpu.memory_space<vmem>>
    %dma_wait3A_856 = arith.constant 1400 : i32
    %dma_wait3A_857 = tpu.memref_slice %arg6[%dma_wait3A_856] : memref<1792xi32, #tpu.memory_space<vmem>> -> memref<49xi32, #tpu.memory_space<vmem>>
    %dma_wait3A_858 = arith.constant 0 : i32
    %dma_wait3A_859 = arith.constant 0 : i32
    %dma_wait3A_860 = tpu.memref_slice %arg3[%dma_wait3A_858, %dma_wait3A_859] : memref<1000x1000xf32, #tpu.memory_space<hbm>> -> memref<1000x1000xf32, #tpu.memory_space<hbm>>
    tpu.wait_indirect_dma semaphore(%arg10 : memref<!tpu.dma_semaphore, #tpu.memory_space<semaphore_mem>>) src(%dma_wait3A_860 : memref<1000x1000xf32, #tpu.memory_space<hbm>>) dst(%dma_wait3A_855 : memref<49x1000xf32, #tpu.memory_space<vmem>>)
    %dma_wait3A_861 = arith.constant 0 : i32
    %dma_wait3A_862 = arith.constant 0 : i32
    %dma_wait3A_863 = tpu.memref_slice %arg5[%add3A_844, %dma_wait3A_861, %dma_wait3A_862] : memref<1024x50x1000xf32, #tpu.memory_space<hbm>> -> memref<1x50x1000xf32, #tpu.memory_space<hbm>>
    %dma_wait3A_864 = tpu.memref_squeeze %dma_wait3A_863 : memref<1x50x1000xf32, #tpu.memory_space<hbm>> -> memref<50x1000xf32, #tpu.memory_space<hbm>>
    %dma_wait3A_865 = arith.constant 0 : i32
    %dma_wait3A_866 = arith.constant 0 : i32
    %dma_wait3A_867 = tpu.memref_slice %arg5[%add3A_844, %dma_wait3A_865, %dma_wait3A_866] : memref<1024x50x1000xf32, #tpu.memory_space<hbm>> -> memref<1x50x1000xf32, #tpu.memory_space<hbm>>
    %dma_wait3A_868 = tpu.memref_squeeze %dma_wait3A_867 : memref<1x50x1000xf32, #tpu.memory_space<hbm>> -> memref<50x1000xf32, #tpu.memory_space<hbm>>
    tpu.wait_dma2 semaphore(%arg11 : memref<!tpu.dma_semaphore, #tpu.memory_space<semaphore_mem>>) src(%arg7 : memref<50x1000xf32, #tpu.memory_space<vmem>>) dst(%dma_wait3A_868 : memref<50x1000xf32, #tpu.memory_space<hbm>>)
    %dma_start3A_869 = arith.constant 1 : i32
    %dma_start3A_870 = arith.constant 0 : i32
    %dma_start3A_871 = tpu.memref_slice %arg7[%dma_start3A_869, %dma_start3A_870] : memref<50x1000xf32, #tpu.memory_space<vmem>> -> memref<49x1000xf32, #tpu.memory_space<vmem>>
    %dma_start3A_872 = arith.constant 1456 : i32
    %dma_start3A_873 = tpu.memref_slice %arg6[%dma_start3A_872] : memref<1792xi32, #tpu.memory_space<vmem>> -> memref<49xi32, #tpu.memory_space<vmem>>
    %dma_start3A_874 = arith.constant 0 : i32
    %dma_start3A_875 = arith.constant 0 : i32
    %dma_start3A_876 = tpu.memref_slice %arg3[%dma_start3A_874, %dma_start3A_875] : memref<1000x1000xf32, #tpu.memory_space<hbm>> -> memref<1000x1000xf32, #tpu.memory_space<hbm>>
    tpu.enqueue_indirect_dma source(%dma_start3A_876 : memref<1000x1000xf32, #tpu.memory_space<hbm>>) target(%dma_start3A_871 : memref<49x1000xf32, #tpu.memory_space<vmem>>) offsets(%dma_start3A_873 : memref<49xi32, #tpu.memory_space<vmem>>) semaphore(%arg9 : memref<!tpu.dma_semaphore, #tpu.memory_space<semaphore_mem>>)
    %add3A_877 = arith.constant 25 : i32
    %add3A_878 = arith.addi %mul3A_2, %add3A_877 : i32
    %dma_start3A_879 = arith.constant 0 : i32
    %dma_start3A_880 = arith.constant 0 : i32
    %dma_start3A_881 = tpu.memref_slice %arg5[%add3A_878, %dma_start3A_879, %dma_start3A_880] : memref<1024x50x1000xf32, #tpu.memory_space<hbm>> -> memref<1x50x1000xf32, #tpu.memory_space<hbm>>
    %dma_start3A_882 = tpu.memref_squeeze %dma_start3A_881 : memref<1x50x1000xf32, #tpu.memory_space<hbm>> -> memref<50x1000xf32, #tpu.memory_space<hbm>>
    %dma_start3A_883 = arith.constant 0 : i32
    %dma_start3A_884 = arith.constant 0 : i32
    %dma_start3A_885 = tpu.memref_slice %arg5[%add3A_878, %dma_start3A_883, %dma_start3A_884] : memref<1024x50x1000xf32, #tpu.memory_space<hbm>> -> memref<1x50x1000xf32, #tpu.memory_space<hbm>>
    %dma_start3A_886 = tpu.memref_squeeze %dma_start3A_885 : memref<1x50x1000xf32, #tpu.memory_space<hbm>> -> memref<50x1000xf32, #tpu.memory_space<hbm>>
    tpu.enqueue_dma source(%arg8 : memref<50x1000xf32, #tpu.memory_space<vmem>>) target(%dma_start3A_886 : memref<50x1000xf32, #tpu.memory_space<hbm>>) target_semaphore(%arg12 : memref<!tpu.dma_semaphore, #tpu.memory_space<semaphore_mem>>)
    %dma_wait3A_887 = arith.constant 1 : i32
    %dma_wait3A_888 = arith.constant 0 : i32
    %dma_wait3A_889 = tpu.memref_slice %arg7[%dma_wait3A_887, %dma_wait3A_888] : memref<50x1000xf32, #tpu.memory_space<vmem>> -> memref<49x1000xf32, #tpu.memory_space<vmem>>
    %dma_wait3A_890 = arith.constant 1456 : i32
    %dma_wait3A_891 = tpu.memref_slice %arg6[%dma_wait3A_890] : memref<1792xi32, #tpu.memory_space<vmem>> -> memref<49xi32, #tpu.memory_space<vmem>>
    %dma_wait3A_892 = arith.constant 0 : i32
    %dma_wait3A_893 = arith.constant 0 : i32
    %dma_wait3A_894 = tpu.memref_slice %arg3[%dma_wait3A_892, %dma_wait3A_893] : memref<1000x1000xf32, #tpu.memory_space<hbm>> -> memref<1000x1000xf32, #tpu.memory_space<hbm>>
    tpu.wait_indirect_dma semaphore(%arg9 : memref<!tpu.dma_semaphore, #tpu.memory_space<semaphore_mem>>) src(%dma_wait3A_894 : memref<1000x1000xf32, #tpu.memory_space<hbm>>) dst(%dma_wait3A_889 : memref<49x1000xf32, #tpu.memory_space<vmem>>)
    %dma_wait3A_895 = arith.constant 0 : i32
    %dma_wait3A_896 = arith.constant 0 : i32
    %dma_wait3A_897 = tpu.memref_slice %arg5[%add3A_878, %dma_wait3A_895, %dma_wait3A_896] : memref<1024x50x1000xf32, #tpu.memory_space<hbm>> -> memref<1x50x1000xf32, #tpu.memory_space<hbm>>
    %dma_wait3A_898 = tpu.memref_squeeze %dma_wait3A_897 : memref<1x50x1000xf32, #tpu.memory_space<hbm>> -> memref<50x1000xf32, #tpu.memory_space<hbm>>
    %dma_wait3A_899 = arith.constant 0 : i32
    %dma_wait3A_900 = arith.constant 0 : i32
    %dma_wait3A_901 = tpu.memref_slice %arg5[%add3A_878, %dma_wait3A_899, %dma_wait3A_900] : memref<1024x50x1000xf32, #tpu.memory_space<hbm>> -> memref<1x50x1000xf32, #tpu.memory_space<hbm>>
    %dma_wait3A_902 = tpu.memref_squeeze %dma_wait3A_901 : memref<1x50x1000xf32, #tpu.memory_space<hbm>> -> memref<50x1000xf32, #tpu.memory_space<hbm>>
    tpu.wait_dma2 semaphore(%arg12 : memref<!tpu.dma_semaphore, #tpu.memory_space<semaphore_mem>>) src(%arg8 : memref<50x1000xf32, #tpu.memory_space<vmem>>) dst(%dma_wait3A_902 : memref<50x1000xf32, #tpu.memory_space<hbm>>)
    %dma_start3A_903 = arith.constant 1 : i32
    %dma_start3A_904 = arith.constant 0 : i32
    %dma_start3A_905 = tpu.memref_slice %arg8[%dma_start3A_903, %dma_start3A_904] : memref<50x1000xf32, #tpu.memory_space<vmem>> -> memref<49x1000xf32, #tpu.memory_space<vmem>>
    %dma_start3A_906 = arith.constant 1512 : i32
    %dma_start3A_907 = tpu.memref_slice %arg6[%dma_start3A_906] : memref<1792xi32, #tpu.memory_space<vmem>> -> memref<49xi32, #tpu.memory_space<vmem>>
    %dma_start3A_908 = arith.constant 0 : i32
    %dma_start3A_909 = arith.constant 0 : i32
    %dma_start3A_910 = tpu.memref_slice %arg3[%dma_start3A_908, %dma_start3A_909] : memref<1000x1000xf32, #tpu.memory_space<hbm>> -> memref<1000x1000xf32, #tpu.memory_space<hbm>>
    tpu.enqueue_indirect_dma source(%dma_start3A_910 : memref<1000x1000xf32, #tpu.memory_space<hbm>>) target(%dma_start3A_905 : memref<49x1000xf32, #tpu.memory_space<vmem>>) offsets(%dma_start3A_907 : memref<49xi32, #tpu.memory_space<vmem>>) semaphore(%arg10 : memref<!tpu.dma_semaphore, #tpu.memory_space<semaphore_mem>>)
    %add3A_911 = arith.constant 26 : i32
    %add3A_912 = arith.addi %mul3A_2, %add3A_911 : i32
    %dma_start3A_913 = arith.constant 0 : i32
    %dma_start3A_914 = arith.constant 0 : i32
    %dma_start3A_915 = tpu.memref_slice %arg5[%add3A_912, %dma_start3A_913, %dma_start3A_914] : memref<1024x50x1000xf32, #tpu.memory_space<hbm>> -> memref<1x50x1000xf32, #tpu.memory_space<hbm>>
    %dma_start3A_916 = tpu.memref_squeeze %dma_start3A_915 : memref<1x50x1000xf32, #tpu.memory_space<hbm>> -> memref<50x1000xf32, #tpu.memory_space<hbm>>
    %dma_start3A_917 = arith.constant 0 : i32
    %dma_start3A_918 = arith.constant 0 : i32
    %dma_start3A_919 = tpu.memref_slice %arg5[%add3A_912, %dma_start3A_917, %dma_start3A_918] : memref<1024x50x1000xf32, #tpu.memory_space<hbm>> -> memref<1x50x1000xf32, #tpu.memory_space<hbm>>
    %dma_start3A_920 = tpu.memref_squeeze %dma_start3A_919 : memref<1x50x1000xf32, #tpu.memory_space<hbm>> -> memref<50x1000xf32, #tpu.memory_space<hbm>>
    tpu.enqueue_dma source(%arg7 : memref<50x1000xf32, #tpu.memory_space<vmem>>) target(%dma_start3A_920 : memref<50x1000xf32, #tpu.memory_space<hbm>>) target_semaphore(%arg11 : memref<!tpu.dma_semaphore, #tpu.memory_space<semaphore_mem>>)
    %dma_wait3A_921 = arith.constant 1 : i32
    %dma_wait3A_922 = arith.constant 0 : i32
    %dma_wait3A_923 = tpu.memref_slice %arg8[%dma_wait3A_921, %dma_wait3A_922] : memref<50x1000xf32, #tpu.memory_space<vmem>> -> memref<49x1000xf32, #tpu.memory_space<vmem>>
    %dma_wait3A_924 = arith.constant 1512 : i32
    %dma_wait3A_925 = tpu.memref_slice %arg6[%dma_wait3A_924] : memref<1792xi32, #tpu.memory_space<vmem>> -> memref<49xi32, #tpu.memory_space<vmem>>
    %dma_wait3A_926 = arith.constant 0 : i32
    %dma_wait3A_927 = arith.constant 0 : i32
    %dma_wait3A_928 = tpu.memref_slice %arg3[%dma_wait3A_926, %dma_wait3A_927] : memref<1000x1000xf32, #tpu.memory_space<hbm>> -> memref<1000x1000xf32, #tpu.memory_space<hbm>>
    tpu.wait_indirect_dma semaphore(%arg10 : memref<!tpu.dma_semaphore, #tpu.memory_space<semaphore_mem>>) src(%dma_wait3A_928 : memref<1000x1000xf32, #tpu.memory_space<hbm>>) dst(%dma_wait3A_923 : memref<49x1000xf32, #tpu.memory_space<vmem>>)
    %dma_wait3A_929 = arith.constant 0 : i32
    %dma_wait3A_930 = arith.constant 0 : i32
    %dma_wait3A_931 = tpu.memref_slice %arg5[%add3A_912, %dma_wait3A_929, %dma_wait3A_930] : memref<1024x50x1000xf32, #tpu.memory_space<hbm>> -> memref<1x50x1000xf32, #tpu.memory_space<hbm>>
    %dma_wait3A_932 = tpu.memref_squeeze %dma_wait3A_931 : memref<1x50x1000xf32, #tpu.memory_space<hbm>> -> memref<50x1000xf32, #tpu.memory_space<hbm>>
    %dma_wait3A_933 = arith.constant 0 : i32
    %dma_wait3A_934 = arith.constant 0 : i32
    %dma_wait3A_935 = tpu.memref_slice %arg5[%add3A_912, %dma_wait3A_933, %dma_wait3A_934] : memref<1024x50x1000xf32, #tpu.memory_space<hbm>> -> memref<1x50x1000xf32, #tpu.memory_space<hbm>>
    %dma_wait3A_936 = tpu.memref_squeeze %dma_wait3A_935 : memref<1x50x1000xf32, #tpu.memory_space<hbm>> -> memref<50x1000xf32, #tpu.memory_space<hbm>>
    tpu.wait_dma2 semaphore(%arg11 : memref<!tpu.dma_semaphore, #tpu.memory_space<semaphore_mem>>) src(%arg7 : memref<50x1000xf32, #tpu.memory_space<vmem>>) dst(%dma_wait3A_936 : memref<50x1000xf32, #tpu.memory_space<hbm>>)
    %dma_start3A_937 = arith.constant 1 : i32
    %dma_start3A_938 = arith.constant 0 : i32
    %dma_start3A_939 = tpu.memref_slice %arg7[%dma_start3A_937, %dma_start3A_938] : memref<50x1000xf32, #tpu.memory_space<vmem>> -> memref<49x1000xf32, #tpu.memory_space<vmem>>
    %dma_start3A_940 = arith.constant 1568 : i32
    %dma_start3A_941 = tpu.memref_slice %arg6[%dma_start3A_940] : memref<1792xi32, #tpu.memory_space<vmem>> -> memref<49xi32, #tpu.memory_space<vmem>>
    %dma_start3A_942 = arith.constant 0 : i32
    %dma_start3A_943 = arith.constant 0 : i32
    %dma_start3A_944 = tpu.memref_slice %arg3[%dma_start3A_942, %dma_start3A_943] : memref<1000x1000xf32, #tpu.memory_space<hbm>> -> memref<1000x1000xf32, #tpu.memory_space<hbm>>
    tpu.enqueue_indirect_dma source(%dma_start3A_944 : memref<1000x1000xf32, #tpu.memory_space<hbm>>) target(%dma_start3A_939 : memref<49x1000xf32, #tpu.memory_space<vmem>>) offsets(%dma_start3A_941 : memref<49xi32, #tpu.memory_space<vmem>>) semaphore(%arg9 : memref<!tpu.dma_semaphore, #tpu.memory_space<semaphore_mem>>)
    %add3A_945 = arith.constant 27 : i32
    %add3A_946 = arith.addi %mul3A_2, %add3A_945 : i32
    %dma_start3A_947 = arith.constant 0 : i32
    %dma_start3A_948 = arith.constant 0 : i32
    %dma_start3A_949 = tpu.memref_slice %arg5[%add3A_946, %dma_start3A_947, %dma_start3A_948] : memref<1024x50x1000xf32, #tpu.memory_space<hbm>> -> memref<1x50x1000xf32, #tpu.memory_space<hbm>>
    %dma_start3A_950 = tpu.memref_squeeze %dma_start3A_949 : memref<1x50x1000xf32, #tpu.memory_space<hbm>> -> memref<50x1000xf32, #tpu.memory_space<hbm>>
    %dma_start3A_951 = arith.constant 0 : i32
    %dma_start3A_952 = arith.constant 0 : i32
    %dma_start3A_953 = tpu.memref_slice %arg5[%add3A_946, %dma_start3A_951, %dma_start3A_952] : memref<1024x50x1000xf32, #tpu.memory_space<hbm>> -> memref<1x50x1000xf32, #tpu.memory_space<hbm>>
    %dma_start3A_954 = tpu.memref_squeeze %dma_start3A_953 : memref<1x50x1000xf32, #tpu.memory_space<hbm>> -> memref<50x1000xf32, #tpu.memory_space<hbm>>
    tpu.enqueue_dma source(%arg8 : memref<50x1000xf32, #tpu.memory_space<vmem>>) target(%dma_start3A_954 : memref<50x1000xf32, #tpu.memory_space<hbm>>) target_semaphore(%arg12 : memref<!tpu.dma_semaphore, #tpu.memory_space<semaphore_mem>>)
    %dma_wait3A_955 = arith.constant 1 : i32
    %dma_wait3A_956 = arith.constant 0 : i32
    %dma_wait3A_957 = tpu.memref_slice %arg7[%dma_wait3A_955, %dma_wait3A_956] : memref<50x1000xf32, #tpu.memory_space<vmem>> -> memref<49x1000xf32, #tpu.memory_space<vmem>>
    %dma_wait3A_958 = arith.constant 1568 : i32
    %dma_wait3A_959 = tpu.memref_slice %arg6[%dma_wait3A_958] : memref<1792xi32, #tpu.memory_space<vmem>> -> memref<49xi32, #tpu.memory_space<vmem>>
    %dma_wait3A_960 = arith.constant 0 : i32
    %dma_wait3A_961 = arith.constant 0 : i32
    %dma_wait3A_962 = tpu.memref_slice %arg3[%dma_wait3A_960, %dma_wait3A_961] : memref<1000x1000xf32, #tpu.memory_space<hbm>> -> memref<1000x1000xf32, #tpu.memory_space<hbm>>
    tpu.wait_indirect_dma semaphore(%arg9 : memref<!tpu.dma_semaphore, #tpu.memory_space<semaphore_mem>>) src(%dma_wait3A_962 : memref<1000x1000xf32, #tpu.memory_space<hbm>>) dst(%dma_wait3A_957 : memref<49x1000xf32, #tpu.memory_space<vmem>>)
    %dma_wait3A_963 = arith.constant 0 : i32
    %dma_wait3A_964 = arith.constant 0 : i32
    %dma_wait3A_965 = tpu.memref_slice %arg5[%add3A_946, %dma_wait3A_963, %dma_wait3A_964] : memref<1024x50x1000xf32, #tpu.memory_space<hbm>> -> memref<1x50x1000xf32, #tpu.memory_space<hbm>>
    %dma_wait3A_966 = tpu.memref_squeeze %dma_wait3A_965 : memref<1x50x1000xf32, #tpu.memory_space<hbm>> -> memref<50x1000xf32, #tpu.memory_space<hbm>>
    %dma_wait3A_967 = arith.constant 0 : i32
    %dma_wait3A_968 = arith.constant 0 : i32
    %dma_wait3A_969 = tpu.memref_slice %arg5[%add3A_946, %dma_wait3A_967, %dma_wait3A_968] : memref<1024x50x1000xf32, #tpu.memory_space<hbm>> -> memref<1x50x1000xf32, #tpu.memory_space<hbm>>
    %dma_wait3A_970 = tpu.memref_squeeze %dma_wait3A_969 : memref<1x50x1000xf32, #tpu.memory_space<hbm>> -> memref<50x1000xf32, #tpu.memory_space<hbm>>
    tpu.wait_dma2 semaphore(%arg12 : memref<!tpu.dma_semaphore, #tpu.memory_space<semaphore_mem>>) src(%arg8 : memref<50x1000xf32, #tpu.memory_space<vmem>>) dst(%dma_wait3A_970 : memref<50x1000xf32, #tpu.memory_space<hbm>>)
    %dma_start3A_971 = arith.constant 1 : i32
    %dma_start3A_972 = arith.constant 0 : i32
    %dma_start3A_973 = tpu.memref_slice %arg8[%dma_start3A_971, %dma_start3A_972] : memref<50x1000xf32, #tpu.memory_space<vmem>> -> memref<49x1000xf32, #tpu.memory_space<vmem>>
    %dma_start3A_974 = arith.constant 1624 : i32
    %dma_start3A_975 = tpu.memref_slice %arg6[%dma_start3A_974] : memref<1792xi32, #tpu.memory_space<vmem>> -> memref<49xi32, #tpu.memory_space<vmem>>
    %dma_start3A_976 = arith.constant 0 : i32
    %dma_start3A_977 = arith.constant 0 : i32
    %dma_start3A_978 = tpu.memref_slice %arg3[%dma_start3A_976, %dma_start3A_977] : memref<1000x1000xf32, #tpu.memory_space<hbm>> -> memref<1000x1000xf32, #tpu.memory_space<hbm>>
    tpu.enqueue_indirect_dma source(%dma_start3A_978 : memref<1000x1000xf32, #tpu.memory_space<hbm>>) target(%dma_start3A_973 : memref<49x1000xf32, #tpu.memory_space<vmem>>) offsets(%dma_start3A_975 : memref<49xi32, #tpu.memory_space<vmem>>) semaphore(%arg10 : memref<!tpu.dma_semaphore, #tpu.memory_space<semaphore_mem>>)
    %add3A_979 = arith.constant 28 : i32
    %add3A_980 = arith.addi %mul3A_2, %add3A_979 : i32
    %dma_start3A_981 = arith.constant 0 : i32
    %dma_start3A_982 = arith.constant 0 : i32
    %dma_start3A_983 = tpu.memref_slice %arg5[%add3A_980, %dma_start3A_981, %dma_start3A_982] : memref<1024x50x1000xf32, #tpu.memory_space<hbm>> -> memref<1x50x1000xf32, #tpu.memory_space<hbm>>
    %dma_start3A_984 = tpu.memref_squeeze %dma_start3A_983 : memref<1x50x1000xf32, #tpu.memory_space<hbm>> -> memref<50x1000xf32, #tpu.memory_space<hbm>>
    %dma_start3A_985 = arith.constant 0 : i32
    %dma_start3A_986 = arith.constant 0 : i32
    %dma_start3A_987 = tpu.memref_slice %arg5[%add3A_980, %dma_start3A_985, %dma_start3A_986] : memref<1024x50x1000xf32, #tpu.memory_space<hbm>> -> memref<1x50x1000xf32, #tpu.memory_space<hbm>>
    %dma_start3A_988 = tpu.memref_squeeze %dma_start3A_987 : memref<1x50x1000xf32, #tpu.memory_space<hbm>> -> memref<50x1000xf32, #tpu.memory_space<hbm>>
    tpu.enqueue_dma source(%arg7 : memref<50x1000xf32, #tpu.memory_space<vmem>>) target(%dma_start3A_988 : memref<50x1000xf32, #tpu.memory_space<hbm>>) target_semaphore(%arg11 : memref<!tpu.dma_semaphore, #tpu.memory_space<semaphore_mem>>)
    %dma_wait3A_989 = arith.constant 1 : i32
    %dma_wait3A_990 = arith.constant 0 : i32
    %dma_wait3A_991 = tpu.memref_slice %arg8[%dma_wait3A_989, %dma_wait3A_990] : memref<50x1000xf32, #tpu.memory_space<vmem>> -> memref<49x1000xf32, #tpu.memory_space<vmem>>
    %dma_wait3A_992 = arith.constant 1624 : i32
    %dma_wait3A_993 = tpu.memref_slice %arg6[%dma_wait3A_992] : memref<1792xi32, #tpu.memory_space<vmem>> -> memref<49xi32, #tpu.memory_space<vmem>>
    %dma_wait3A_994 = arith.constant 0 : i32
    %dma_wait3A_995 = arith.constant 0 : i32
    %dma_wait3A_996 = tpu.memref_slice %arg3[%dma_wait3A_994, %dma_wait3A_995] : memref<1000x1000xf32, #tpu.memory_space<hbm>> -> memref<1000x1000xf32, #tpu.memory_space<hbm>>
    tpu.wait_indirect_dma semaphore(%arg10 : memref<!tpu.dma_semaphore, #tpu.memory_space<semaphore_mem>>) src(%dma_wait3A_996 : memref<1000x1000xf32, #tpu.memory_space<hbm>>) dst(%dma_wait3A_991 : memref<49x1000xf32, #tpu.memory_space<vmem>>)
    %dma_wait3A_997 = arith.constant 0 : i32
    %dma_wait3A_998 = arith.constant 0 : i32
    %dma_wait3A_999 = tpu.memref_slice %arg5[%add3A_980, %dma_wait3A_997, %dma_wait3A_998] : memref<1024x50x1000xf32, #tpu.memory_space<hbm>> -> memref<1x50x1000xf32, #tpu.memory_space<hbm>>
    %dma_wait3A_1000 = tpu.memref_squeeze %dma_wait3A_999 : memref<1x50x1000xf32, #tpu.memory_space<hbm>> -> memref<50x1000xf32, #tpu.memory_space<hbm>>
    %dma_wait3A_1001 = arith.constant 0 : i32
    %dma_wait3A_1002 = arith.constant 0 : i32
    %dma_wait3A_1003 = tpu.memref_slice %arg5[%add3A_980, %dma_wait3A_1001, %dma_wait3A_1002] : memref<1024x50x1000xf32, #tpu.memory_space<hbm>> -> memref<1x50x1000xf32, #tpu.memory_space<hbm>>
    %dma_wait3A_1004 = tpu.memref_squeeze %dma_wait3A_1003 : memref<1x50x1000xf32, #tpu.memory_space<hbm>> -> memref<50x1000xf32, #tpu.memory_space<hbm>>
    tpu.wait_dma2 semaphore(%arg11 : memref<!tpu.dma_semaphore, #tpu.memory_space<semaphore_mem>>) src(%arg7 : memref<50x1000xf32, #tpu.memory_space<vmem>>) dst(%dma_wait3A_1004 : memref<50x1000xf32, #tpu.memory_space<hbm>>)
    %dma_start3A_1005 = arith.constant 1 : i32
    %dma_start3A_1006 = arith.constant 0 : i32
    %dma_start3A_1007 = tpu.memref_slice %arg7[%dma_start3A_1005, %dma_start3A_1006] : memref<50x1000xf32, #tpu.memory_space<vmem>> -> memref<49x1000xf32, #tpu.memory_space<vmem>>
    %dma_start3A_1008 = arith.constant 1680 : i32
    %dma_start3A_1009 = tpu.memref_slice %arg6[%dma_start3A_1008] : memref<1792xi32, #tpu.memory_space<vmem>> -> memref<49xi32, #tpu.memory_space<vmem>>
    %dma_start3A_1010 = arith.constant 0 : i32
    %dma_start3A_1011 = arith.constant 0 : i32
    %dma_start3A_1012 = tpu.memref_slice %arg3[%dma_start3A_1010, %dma_start3A_1011] : memref<1000x1000xf32, #tpu.memory_space<hbm>> -> memref<1000x1000xf32, #tpu.memory_space<hbm>>
    tpu.enqueue_indirect_dma source(%dma_start3A_1012 : memref<1000x1000xf32, #tpu.memory_space<hbm>>) target(%dma_start3A_1007 : memref<49x1000xf32, #tpu.memory_space<vmem>>) offsets(%dma_start3A_1009 : memref<49xi32, #tpu.memory_space<vmem>>) semaphore(%arg9 : memref<!tpu.dma_semaphore, #tpu.memory_space<semaphore_mem>>)
    %add3A_1013 = arith.constant 29 : i32
    %add3A_1014 = arith.addi %mul3A_2, %add3A_1013 : i32
    %dma_start3A_1015 = arith.constant 0 : i32
    %dma_start3A_1016 = arith.constant 0 : i32
    %dma_start3A_1017 = tpu.memref_slice %arg5[%add3A_1014, %dma_start3A_1015, %dma_start3A_1016] : memref<1024x50x1000xf32, #tpu.memory_space<hbm>> -> memref<1x50x1000xf32, #tpu.memory_space<hbm>>
    %dma_start3A_1018 = tpu.memref_squeeze %dma_start3A_1017 : memref<1x50x1000xf32, #tpu.memory_space<hbm>> -> memref<50x1000xf32, #tpu.memory_space<hbm>>
    %dma_start3A_1019 = arith.constant 0 : i32
    %dma_start3A_1020 = arith.constant 0 : i32
    %dma_start3A_1021 = tpu.memref_slice %arg5[%add3A_1014, %dma_start3A_1019, %dma_start3A_1020] : memref<1024x50x1000xf32, #tpu.memory_space<hbm>> -> memref<1x50x1000xf32, #tpu.memory_space<hbm>>
    %dma_start3A_1022 = tpu.memref_squeeze %dma_start3A_1021 : memref<1x50x1000xf32, #tpu.memory_space<hbm>> -> memref<50x1000xf32, #tpu.memory_space<hbm>>
    tpu.enqueue_dma source(%arg8 : memref<50x1000xf32, #tpu.memory_space<vmem>>) target(%dma_start3A_1022 : memref<50x1000xf32, #tpu.memory_space<hbm>>) target_semaphore(%arg12 : memref<!tpu.dma_semaphore, #tpu.memory_space<semaphore_mem>>)
    %dma_wait3A_1023 = arith.constant 1 : i32
    %dma_wait3A_1024 = arith.constant 0 : i32
    %dma_wait3A_1025 = tpu.memref_slice %arg7[%dma_wait3A_1023, %dma_wait3A_1024] : memref<50x1000xf32, #tpu.memory_space<vmem>> -> memref<49x1000xf32, #tpu.memory_space<vmem>>
    %dma_wait3A_1026 = arith.constant 1680 : i32
    %dma_wait3A_1027 = tpu.memref_slice %arg6[%dma_wait3A_1026] : memref<1792xi32, #tpu.memory_space<vmem>> -> memref<49xi32, #tpu.memory_space<vmem>>
    %dma_wait3A_1028 = arith.constant 0 : i32
    %dma_wait3A_1029 = arith.constant 0 : i32
    %dma_wait3A_1030 = tpu.memref_slice %arg3[%dma_wait3A_1028, %dma_wait3A_1029] : memref<1000x1000xf32, #tpu.memory_space<hbm>> -> memref<1000x1000xf32, #tpu.memory_space<hbm>>
    tpu.wait_indirect_dma semaphore(%arg9 : memref<!tpu.dma_semaphore, #tpu.memory_space<semaphore_mem>>) src(%dma_wait3A_1030 : memref<1000x1000xf32, #tpu.memory_space<hbm>>) dst(%dma_wait3A_1025 : memref<49x1000xf32, #tpu.memory_space<vmem>>)
    %dma_wait3A_1031 = arith.constant 0 : i32
    %dma_wait3A_1032 = arith.constant 0 : i32
    %dma_wait3A_1033 = tpu.memref_slice %arg5[%add3A_1014, %dma_wait3A_1031, %dma_wait3A_1032] : memref<1024x50x1000xf32, #tpu.memory_space<hbm>> -> memref<1x50x1000xf32, #tpu.memory_space<hbm>>
    %dma_wait3A_1034 = tpu.memref_squeeze %dma_wait3A_1033 : memref<1x50x1000xf32, #tpu.memory_space<hbm>> -> memref<50x1000xf32, #tpu.memory_space<hbm>>
    %dma_wait3A_1035 = arith.constant 0 : i32
    %dma_wait3A_1036 = arith.constant 0 : i32
    %dma_wait3A_1037 = tpu.memref_slice %arg5[%add3A_1014, %dma_wait3A_1035, %dma_wait3A_1036] : memref<1024x50x1000xf32, #tpu.memory_space<hbm>> -> memref<1x50x1000xf32, #tpu.memory_space<hbm>>
    %dma_wait3A_1038 = tpu.memref_squeeze %dma_wait3A_1037 : memref<1x50x1000xf32, #tpu.memory_space<hbm>> -> memref<50x1000xf32, #tpu.memory_space<hbm>>
    tpu.wait_dma2 semaphore(%arg12 : memref<!tpu.dma_semaphore, #tpu.memory_space<semaphore_mem>>) src(%arg8 : memref<50x1000xf32, #tpu.memory_space<vmem>>) dst(%dma_wait3A_1038 : memref<50x1000xf32, #tpu.memory_space<hbm>>)
    %dma_start3A_1039 = arith.constant 1 : i32
    %dma_start3A_1040 = arith.constant 0 : i32
    %dma_start3A_1041 = tpu.memref_slice %arg8[%dma_start3A_1039, %dma_start3A_1040] : memref<50x1000xf32, #tpu.memory_space<vmem>> -> memref<49x1000xf32, #tpu.memory_space<vmem>>
    %dma_start3A_1042 = arith.constant 1736 : i32
    %dma_start3A_1043 = tpu.memref_slice %arg6[%dma_start3A_1042] : memref<1792xi32, #tpu.memory_space<vmem>> -> memref<49xi32, #tpu.memory_space<vmem>>
    %dma_start3A_1044 = arith.constant 0 : i32
    %dma_start3A_1045 = arith.constant 0 : i32
    %dma_start3A_1046 = tpu.memref_slice %arg3[%dma_start3A_1044, %dma_start3A_1045] : memref<1000x1000xf32, #tpu.memory_space<hbm>> -> memref<1000x1000xf32, #tpu.memory_space<hbm>>
    tpu.enqueue_indirect_dma source(%dma_start3A_1046 : memref<1000x1000xf32, #tpu.memory_space<hbm>>) target(%dma_start3A_1041 : memref<49x1000xf32, #tpu.memory_space<vmem>>) offsets(%dma_start3A_1043 : memref<49xi32, #tpu.memory_space<vmem>>) semaphore(%arg10 : memref<!tpu.dma_semaphore, #tpu.memory_space<semaphore_mem>>)
    %add3A_1047 = arith.constant 30 : i32
    %add3A_1048 = arith.addi %mul3A_2, %add3A_1047 : i32
    %dma_start3A_1049 = arith.constant 0 : i32
    %dma_start3A_1050 = arith.constant 0 : i32
    %dma_start3A_1051 = tpu.memref_slice %arg5[%add3A_1048, %dma_start3A_1049, %dma_start3A_1050] : memref<1024x50x1000xf32, #tpu.memory_space<hbm>> -> memref<1x50x1000xf32, #tpu.memory_space<hbm>>
    %dma_start3A_1052 = tpu.memref_squeeze %dma_start3A_1051 : memref<1x50x1000xf32, #tpu.memory_space<hbm>> -> memref<50x1000xf32, #tpu.memory_space<hbm>>
    %dma_start3A_1053 = arith.constant 0 : i32
    %dma_start3A_1054 = arith.constant 0 : i32
    %dma_start3A_1055 = tpu.memref_slice %arg5[%add3A_1048, %dma_start3A_1053, %dma_start3A_1054] : memref<1024x50x1000xf32, #tpu.memory_space<hbm>> -> memref<1x50x1000xf32, #tpu.memory_space<hbm>>
    %dma_start3A_1056 = tpu.memref_squeeze %dma_start3A_1055 : memref<1x50x1000xf32, #tpu.memory_space<hbm>> -> memref<50x1000xf32, #tpu.memory_space<hbm>>
    tpu.enqueue_dma source(%arg7 : memref<50x1000xf32, #tpu.memory_space<vmem>>) target(%dma_start3A_1056 : memref<50x1000xf32, #tpu.memory_space<hbm>>) target_semaphore(%arg11 : memref<!tpu.dma_semaphore, #tpu.memory_space<semaphore_mem>>)
    %dma_wait3A_1057 = arith.constant 1 : i32
    %dma_wait3A_1058 = arith.constant 0 : i32
    %dma_wait3A_1059 = tpu.memref_slice %arg8[%dma_wait3A_1057, %dma_wait3A_1058] : memref<50x1000xf32, #tpu.memory_space<vmem>> -> memref<49x1000xf32, #tpu.memory_space<vmem>>
    %dma_wait3A_1060 = arith.constant 1736 : i32
    %dma_wait3A_1061 = tpu.memref_slice %arg6[%dma_wait3A_1060] : memref<1792xi32, #tpu.memory_space<vmem>> -> memref<49xi32, #tpu.memory_space<vmem>>
    %dma_wait3A_1062 = arith.constant 0 : i32
    %dma_wait3A_1063 = arith.constant 0 : i32
    %dma_wait3A_1064 = tpu.memref_slice %arg3[%dma_wait3A_1062, %dma_wait3A_1063] : memref<1000x1000xf32, #tpu.memory_space<hbm>> -> memref<1000x1000xf32, #tpu.memory_space<hbm>>
    tpu.wait_indirect_dma semaphore(%arg10 : memref<!tpu.dma_semaphore, #tpu.memory_space<semaphore_mem>>) src(%dma_wait3A_1064 : memref<1000x1000xf32, #tpu.memory_space<hbm>>) dst(%dma_wait3A_1059 : memref<49x1000xf32, #tpu.memory_space<vmem>>)
    %add3A_1065 = arith.constant 31 : i32
    %add3A_1066 = arith.addi %mul3A_2, %add3A_1065 : i32
    %dma_start3A_1067 = arith.constant 0 : i32
    %dma_start3A_1068 = arith.constant 0 : i32
    %dma_start3A_1069 = tpu.memref_slice %arg5[%add3A_1066, %dma_start3A_1067, %dma_start3A_1068] : memref<1024x50x1000xf32, #tpu.memory_space<hbm>> -> memref<1x50x1000xf32, #tpu.memory_space<hbm>>
    %dma_start3A_1070 = tpu.memref_squeeze %dma_start3A_1069 : memref<1x50x1000xf32, #tpu.memory_space<hbm>> -> memref<50x1000xf32, #tpu.memory_space<hbm>>
    %dma_start3A_1071 = arith.constant 0 : i32
    %dma_start3A_1072 = arith.constant 0 : i32
    %dma_start3A_1073 = tpu.memref_slice %arg5[%add3A_1066, %dma_start3A_1071, %dma_start3A_1072] : memref<1024x50x1000xf32, #tpu.memory_space<hbm>> -> memref<1x50x1000xf32, #tpu.memory_space<hbm>>
    %dma_start3A_1074 = tpu.memref_squeeze %dma_start3A_1073 : memref<1x50x1000xf32, #tpu.memory_space<hbm>> -> memref<50x1000xf32, #tpu.memory_space<hbm>>
    tpu.enqueue_dma source(%arg8 : memref<50x1000xf32, #tpu.memory_space<vmem>>) target(%dma_start3A_1074 : memref<50x1000xf32, #tpu.memory_space<hbm>>) target_semaphore(%arg12 : memref<!tpu.dma_semaphore, #tpu.memory_space<semaphore_mem>>)
    %dma_wait3A_1075 = arith.constant 0 : i32
    %dma_wait3A_1076 = arith.constant 0 : i32
    %dma_wait3A_1077 = tpu.memref_slice %arg5[%add3A_1048, %dma_wait3A_1075, %dma_wait3A_1076] : memref<1024x50x1000xf32, #tpu.memory_space<hbm>> -> memref<1x50x1000xf32, #tpu.memory_space<hbm>>
    %dma_wait3A_1078 = tpu.memref_squeeze %dma_wait3A_1077 : memref<1x50x1000xf32, #tpu.memory_space<hbm>> -> memref<50x1000xf32, #tpu.memory_space<hbm>>
    %dma_wait3A_1079 = arith.constant 0 : i32
    %dma_wait3A_1080 = arith.constant 0 : i32
    %dma_wait3A_1081 = tpu.memref_slice %arg5[%add3A_1048, %dma_wait3A_1079, %dma_wait3A_1080] : memref<1024x50x1000xf32, #tpu.memory_space<hbm>> -> memref<1x50x1000xf32, #tpu.memory_space<hbm>>
    %dma_wait3A_1082 = tpu.memref_squeeze %dma_wait3A_1081 : memref<1x50x1000xf32, #tpu.memory_space<hbm>> -> memref<50x1000xf32, #tpu.memory_space<hbm>>
    tpu.wait_dma2 semaphore(%arg11 : memref<!tpu.dma_semaphore, #tpu.memory_space<semaphore_mem>>) src(%arg7 : memref<50x1000xf32, #tpu.memory_space<vmem>>) dst(%dma_wait3A_1082 : memref<50x1000xf32, #tpu.memory_space<hbm>>)
    %dma_wait3A_1083 = arith.constant 0 : i32
    %dma_wait3A_1084 = arith.constant 0 : i32
    %dma_wait3A_1085 = tpu.memref_slice %arg5[%add3A_1066, %dma_wait3A_1083, %dma_wait3A_1084] : memref<1024x50x1000xf32, #tpu.memory_space<hbm>> -> memref<1x50x1000xf32, #tpu.memory_space<hbm>>
    %dma_wait3A_1086 = tpu.memref_squeeze %dma_wait3A_1085 : memref<1x50x1000xf32, #tpu.memory_space<hbm>> -> memref<50x1000xf32, #tpu.memory_space<hbm>>
    %dma_wait3A_1087 = arith.constant 0 : i32
    %dma_wait3A_1088 = arith.constant 0 : i32
    %dma_wait3A_1089 = tpu.memref_slice %arg5[%add3A_1066, %dma_wait3A_1087, %dma_wait3A_1088] : memref<1024x50x1000xf32, #tpu.memory_space<hbm>> -> memref<1x50x1000xf32, #tpu.memory_space<hbm>>
    %dma_wait3A_1090 = tpu.memref_squeeze %dma_wait3A_1089 : memref<1x50x1000xf32, #tpu.memory_space<hbm>> -> memref<50x1000xf32, #tpu.memory_space<hbm>>
    tpu.wait_dma2 semaphore(%arg12 : memref<!tpu.dma_semaphore, #tpu.memory_space<semaphore_mem>>) src(%arg8 : memref<50x1000xf32, #tpu.memory_space<vmem>>) dst(%dma_wait3A_1090 : memref<50x1000xf32, #tpu.memory_space<hbm>>)
    return
  }
}

</mosaic_0001>

<sc_bundles>
// kernel: kernel.3.cloned.1.call-start
scs
__scs_entry_jumppad:
0x0: {  	(pc) =	sbr.rel $0x88, $3  }
0x1: {  	(tag) =	ssettag $0x0;
	lr =	simm.s32 $0x1  }
0x2: {  	[smem:$0x3F9F] =	sst lr;
	_ =	strace $0xD0000000  }
0x3: {  	_ = 	snop  }
0x4: {  	_ = 	snop  }
0x5: {  	_ = 	snop  }
0x6: {  	_ = 	snop  }
0x7: {  	_ = 	snop  }
__scs_overlays_trampoline_lowered:
0x8: {  	[smem:$0x3FAE] =	sst s0  }
0x9: {  	[smem:$0x3FAF] =	sst s1  }
0xa: {  	[smem:$0x3FB0] =	sst s2  }
0xb: {  	[smem:$0x3FB1] =	sst s3  }
0xc: {  	[smem:$0x3FB2] =	sst s4  }
0xd: {  	[smem:$0x3FB3] =	sst s5  }
0xe: {  	[smem:$0x3FB4] =	sst s6  }
0xf: {  	[smem:$0x3FB5] =	sst s7  }
0x10: {  	[smem:$0x3FB6] =	sst s8  }
0x11: {  	[smem:$0x3FB7] =	sst s9;
	s0 =	simm.s32 @!p0 $0x0  }
0x12: {  	s1 =	sld [smem:$0x3F9D];
	s0 =	simm.s32 @p0 $0x1  }
0x13: {  	[smem:$0x3FB8] =	sst s0;
	s0 =	simm.s32 @!p1 $0x0  }
0x14: {  	s2 =	sld [smem:$0x3F9C];
	s0 =	simm.s32 @p1 $0x1  }
0x15: {  	[smem:$0x3FB9] =	sst s0;
	s0 =	simm.s32 @!p2 $0x0  }
0x16: {  	s3 =	sld [smem:$0x3FDB];
	s0 =	simm.s32 @p2 $0x1  }
0x17: {  	s4 =	simm.s32 $0x1BF5;
	[smem:$0x3FBB] =	sst s0  }
0x18: {  	s0 =	sld [smem:$0x3F9E];
	_ =	swait.ge [sflag:s4], $0x0  }
0x19: {  	s7 =	sld [smem:$0x3F9F]  }
0x1a: {  	s8 =	sadd.s32 $0xFFFFE003, lr  }
0x1b: {  	s9 =	sadd.s32 $0xFFFFFEF7, lr;
	s5 =	simm.s32 $0xFFFFFFFF;
	p2 =	slt.u32 s8, $0xFFFFF086  }
0x1c: {  	p1 =	slt.u32 s9, $0xF7A;
	s5 =	simm.s32 @!p2 $0x0  }
0x1d: {  	s5 =	simm.s32 @p1 $0x1;
	p0 =	seq.s32 s7, s2  }
0x1e: {  	s7 =	smul.u32 @!p0 $0xF7A, s2;
	p2 =	seq.s32 @!p0 s5, $0x0  }
0x1f: {  	s9 =	smul.u32 $0xF7A, s1;
	s8 =	simm.s32 @!p0 $0x1BF5;
	p2 =	por !p2, p0  }
0x20: {  	[sflag:s8] =	ssyncset.s32 @!p0 $0xFFFFF086;
	s6 =	sadd.s32 @!p0 s3, s7;
	s7 =	simm.s32 @!p0 $0x108  }
0x21: {  	s3 =	sadd.s32 s3, s9;
	s6 =	sadd.s32 @!p0 $0x88, s6;
	s7 =	simm.s32 @p2 $0x1082  }
0x22: {  	[simem:s7], [sflag:s8] =	dma.local @!p0 [hbm:s6], $0xF7A  }
0x23: {  	s9 =	sor.u32 $0xD0000000, s2;
	s6 =	simm.s32 $0x108;
	_ =	swait.ge @!p0 [sflag:s8], $0x0  }
0x24: {  	s3 =	sadd.s32 $0x88, s3;
	s6 =	simm.s32 @!p1 $0x1082;
	[sflag:s4] =	ssyncset.s32 $0xFFFFF086  }
0x25: {  	[simem:s6], [sflag:s4] =	dma.local [hbm:s3], $0xF7A  }
0x26: {  	[smem:$0x3F9F] =	sst s1;
	(tag) =	ssettag s2;
	_ =	strace s9  }
0x27: {  	s1 =	sld [smem:$0x3FAF]  }
0x28: {  	s2 =	sld [smem:$0x3FB0]  }
0x29: {  	s4 =	sld [smem:$0x3FB2]  }
0x2a: {  	p0 =	seq.s32 s5, $0x0;
	s5 =	sld [smem:$0x3FB3]  }
0x2b: {  	s6 =	sld [smem:$0x3FB4]  }
0x2c: {  	s7 =	sld [smem:$0x3FB5]  }
0x2d: {  	s3 =	simm.s32 $0x108;
	s8 =	sld [smem:$0x3FB6]  }
0x2e: {  	s3 =	simm.s32 @!p0 $0x1082;
	s9 =	sld [smem:$0x3FB7]  }
0x2f: {  	lr =	sadd.s32 s0, s3;
	s0 =	sld [smem:$0x3FAE]  }
0x30: {  	s3 =	sld [smem:$0x3FB1]  }
0x31: {  	[smem:$0x3FBA] =	sst s10  }
0x32: {  	s10 =	sld [smem:$0x3FB8];
	_ =	sdelay $0x3  }
0x33: {  	p0 =	seq.s32 s10, $0x1;
	s10 =	sld [smem:$0x3FBA];
	_ =	sdelay $0x3  }
0x34: {  	[smem:$0x3FBA] =	sst s10  }
0x35: {  	s10 =	sld [smem:$0x3FB9];
	_ =	sdelay $0x3  }
0x36: {  	p1 =	seq.s32 s10, $0x1;
	s10 =	sld [smem:$0x3FBA];
	_ =	sdelay $0x3  }
0x37: {  	[smem:$0x3FBA] =	sst s10  }
0x38: {  	s10 =	sld [smem:$0x3FBB]  }
0x39: {  	_ = 	snop;
	(pc) =	sbr.ind lr, $3  }
0x3a: {  	_ = 	snop  }
0x3b: {  	_ = 	snop  }
0x3c: {  	p2 =	seq.s32 s10, $0x1;
	s10 =	sld [smem:$0x3FBA]  }
0x3d: {  	_ =	shalt  }
0x3e: {  	_ =	shalt  }
0x3f: {  	_ =	shalt  }
0x40: {  	_ =	shalt  }
0x41: {  	_ =	shalt  }
0x42: {  	_ =	shalt  }
0x43: {  	_ =	shalt  }
0x44: {  	_ =	shalt  }
0x45: {  	_ =	shalt  }
0x46: {  	_ =	shalt  }
0x47: {  	_ =	shalt  }
0x48: {  	_ =	shalt  }
0x49: {  	_ =	shalt  }
0x4a: {  	_ =	shalt  }
0x4b: {  	_ =	shalt  }
0x4c: {  	_ =	shalt  }
0x4d: {  	_ =	shalt  }
0x4e: {  	_ =	shalt  }
0x4f: {  	_ =	shalt  }
0x50: {  	_ =	shalt  }
0x51: {  	_ =	shalt  }
0x52: {  	_ =	shalt  }
0x53: {  	_ =	shalt  }
0x54: {  	_ =	shalt  }
0x55: {  	_ =	shalt  }
0x56: {  	_ =	shalt  }
0x57: {  	_ =	shalt  }
0x58: {  	_ =	shalt  }
0x59: {  	_ =	shalt  }
0x5a: {  	_ =	shalt  }
0x5b: {  	_ =	shalt  }
0x5c: {  	_ =	shalt  }
0x5d: {  	_ =	shalt  }
0x5e: {  	_ =	shalt  }
0x5f: {  	_ =	shalt  }
0x60: {  	_ =	shalt  }
0x61: {  	_ =	shalt  }
0x62: {  	_ =	shalt  }
0x63: {  	_ =	shalt  }
0x64: {  	_ =	shalt  }
0x65: {  	_ =	shalt  }
0x66: {  	_ =	shalt  }
0x67: {  	_ =	shalt  }
0x68: {  	_ =	shalt  }
0x69: {  	_ =	shalt  }
0x6a: {  	_ =	shalt  }
0x6b: {  	_ =	shalt  }
0x6c: {  	_ =	shalt  }
0x6d: {  	_ =	shalt  }
0x6e: {  	_ =	shalt  }
0x6f: {  	_ =	shalt  }
0x70: {  	_ =	shalt  }
0x71: {  	_ =	shalt  }
0x72: {  	_ =	shalt  }
0x73: {  	_ =	shalt  }
0x74: {  	_ =	shalt  }
0x75: {  	_ =	shalt  }
0x76: {  	_ =	shalt  }
0x77: {  	_ =	shalt  }
0x78: {  	_ =	shalt  }
0x79: {  	_ =	shalt  }
0x7a: {  	_ =	shalt  }
0x7b: {  	_ =	shalt  }
0x7c: {  	_ =	shalt  }
0x7d: {  	_ =	shalt  }
0x7e: {  	_ =	shalt  }
0x7f: {  	_ =	shalt  }
0x80: {  	_ =	shalt  }
0x81: {  	_ =	shalt  }
0x82: {  	_ =	shalt  }
0x83: {  	_ =	shalt  }
0x84: {  	_ =	shalt  }
0x85: {  	_ =	shalt  }
0x86: {  	_ =	shalt  }
0x87: {  	_ =	shalt  }
.Lfunc_end0:
.L_simem_size_0:
called_computation.1_lowered:
.L_overlay_start_0:
0x88: {  	s2 =	sld [smem:$0x3FD9]  }
0x89: {  	s3 =	sld [smem:$0x3FFE];
	_ =	sdelay $0x1  }
0x8a: {  	s1 =	srdreg.scid  }
0x8b: {  	s0 =	sand.u32 $0x1, s1  }
0x8c: {  	s17 =	sshll.u32 s0, $0xA;
	s2 =	sadd.s32 s3, s2  }
0x8d: {  	s2 =	sadd.s32 s2, s17  }
0x8e: {  	[smem:$0x3FC6] =	sst s2  }
0x8f: {  	_ = 	snop  }
0x90: {  	s2 =	sld [smem:$0x3FD0];
	(tm) =	ssettm $0x1  }
0x91: {  	s18 =	sld [smem:$0x3FFB];
	_ =	sdelay $0x3  }
0x92: {  	_ =	strace s18  }
0x93: {  	s3 =	sld [smem:$0x3FFC];
	_ =	sdelay $0x3  }
0x94: {  	_ =	strace s3  }
0x95: {  	s3 =	sld [smem:$0x3FFD];
	_ =	sdelay $0x3  }
0x96: {  	_ =	strace s3  }
0x97: {  	_ =	strace $0x8FFFFFFF  }
0x98: {  	s19 =	sld [smem:$0x3FDB];
	_ =	sdelay $0x1  }
0x99: {  	s4 =	simm.s32 $_scs_section_size  }
0x9a: {  	s5 =	simm.s32 $_size__tile_overlayer_lowered;
	s6 =	simm.s32 $_tile_overlayer_lowered  }
0x9b: {  	s22 =	simm.s32 $0x1BFF;
	s21 =	sshll.u32 s6, $0x1;
	s3 =	sadd.s32 s4, s19  }
0x9c: {  	s7 =	simm.s32 $0x0;
	s20 =	sshll.u32 s5, $0x1;
	s5 =	sadd.s32 s21, s3  }
0x9d: {  	[timem:s7], [sflag:s22] =	dma.local [hbm:s5], s20  }
0x9e: {  	_ =	swait.ge [sflag:s22], s20  }
0x9f: {  	s4 =	ssub.s32 $0x0, s20;
	[sflag:s22] =	ssyncset.done $0x0  }
0xa0: {  	[sflag:s22] =	ssyncadd.s32 s4;
	_ =	sdelay $0x1  }
0xa1: {  	s23 =	simm.s32 $0x1B8B  }
0xa2: {  	_ =	swait.ge [sflag:s23], $0x1  }
0xa3: {  	[sflag:s23] =	ssyncset.done $0x0  }
0xa4: {  	s25 =	simm.s32 $0x1B8E;
	s24 =	sld [smem:$0x3FFE];
	[sflag:s23] =	ssyncadd.s32 $0xFFFFFFFF  }
0xa5: {  	s26 =	simm.s32 $execute0_lowered;
	[smem:$0x3FD2] =	sst s25  }
0xa6: {  	s5 =	sshll.u32 s26, $0x1;
	_ =	strace $0x80000046;
	[dreg:$0x1] =	wrdreg $0xFFFFFFFF  }
0xa7: {  	s28 =	simm.s32 $_size_execute0_lowered;
	s3 =	sadd.s32 s3, s5;
	[dreg:$0x0] =	wrdreg $0x0  }
0xa8: {  	s5 =	sshll.u32 s28, $0x1;
	[dreg:$0x2] =	wrdreg s3  }
0xa9: {  	[dreg:$0x3] =	wrdreg s5  }
0xaa: {  	[dreg:$0x4] =	wrdreg $0xC0  }
0xab: {  	_ =	task [dreg:s7], $0x5FFFF  }
0xac: {  	[dreg:$0x1] =	wrdreg $0xFFFFFFFF  }
0xad: {  	[dreg:$0x0] =	wrdreg $0x60  }
0xae: {  	[dreg:$0x2] =	wrdreg s24  }
0xaf: {  	[dreg:$0x3] =	wrdreg s2  }
0xb0: {  	[dreg:$0x4] =	wrdreg $0x9  }
0xb1: {  	_ =	task.clear_ibuf [dreg:s7], $0x5FFFF;
	_ =	strace $0x90000046  }
0xb2: {  	s29 =	simm.s32 $0x9;
	_ =	strace $0x80000048  }
0xb3: {  	_ =	swait.ge [sflag:s29], $0x1  }
0xb4: {  	[sflag:s29] =	ssyncadd.s32 $0xFFFFFFFF  }
0xb5: {  	_ =	strace $0x90000048  }
0xb6: {  	_ =	sfence  }
0xb7: {  	s30 =	sld [smem:$0x0];
	_ =	sdelay $0x2  }
0xb8: {  	s31 =	sshll.u32 s1, $0xD;
	s1 =	sshrl.u32 s1, $0x2  }
0xb9: {  	s3 =	sand.u32 $0x4000, s31;
	s1 =	sadd.s32 s1, s30  }
0xba: {  	s0 =	sor.u32 s3, s0;
	s1 =	sshll.u32 s1, $0x11  }
0xbb: {  	s0 =	sor.u32 s1, s0  }
0xbc: {  	s0 =	sadd.s32 $0x8F2B, s0  }
0xbd: {  	[sflag:s0] =	ssyncadd.remote.s32 $0x1  }
0xbe: {  	_ =	sfence.sel $0xFFFF  }
0xbf: {  	[dreg:$0x0] =	wrdreg $0xFFFFFFFF;
	(pc) =	sbr.abs _section_cstart, $3  }
0xc0: {  	[dreg:$0x1] =	wrdreg $0xFFFFFFFF  }
0xc1: {  	_ =	task.clear_ibuf [dreg:s7], $0x2FFFF;
	_ =	strace $0x9FFFFFFF  }
0xc2: {  	(tm) =	ssettm $0x7FFFFFFF  }
0xc3: {  	_ =	shalt  }
tec
execute0_lowered:
.L_overlay_start_1:
0x0: {  	(tag) =	ssettag $0x1  }
0x1: {  	s0 =	srdreg.scid;
	s13 =	stileid.u32  }
0x2: {  	s1 =	sand.u32 $0x1, s0;
	s21 =	sshll.u32 s13, $0x1  }
0x3: {  	s0 =	sor.u32 s1, s21  }
0x4: {  	s5 =	smul.u32 $0xE0, s0  }
0x5: {  	s4 =	rddreg [dreg:$0x0];
	s6 =	smul.u32 $0x186A00, s0  }
0x6: {  	s3 =	rddreg [dreg:$0x1];
	s2 =	simm.s32 $0x0;
	s0 =	smul.u32 $0x30D40, s0  }
0x7: {  	[smem:$0x7FF] =	sst s2  }
0x8: {  	_ =	strace $0x80000047;
	s5 =	sadd.s32 s5, s4;
	s0 =	sadd.s32 s3, s0  }
0x9: {  	s6 =	sshrl.u32 s6, $0x3;
	s5 =	sadd.s32 $0x400, s5;
	[dreg:$0x4] =	wrdreg s0  }
0xa: {  	[dreg:$0x3] =	wrdreg s5;
	s5 =	sadd.s32 s3, s6  }
0xb: {  	s22 =	sadd.s32 $0x186A, s5;
	s0 =	rddreg [dreg:$0x3]  }
0xc: {  	s23 =	sadd.s32 $0x30D4, s5;
	[dreg:$0x5] =	wrdreg s22  }
0xd: {  	s24 =	sadd.s32 $0x493E, s5;
	[dreg:$0x6] =	wrdreg s23  }
0xe: {  	s25 =	sadd.s32 $0x61A8, s5;
	[dreg:$0x7] =	wrdreg s24  }
0xf: {  	s26 =	sadd.s32 $0x7A12, s5;
	[dreg:$0x8] =	wrdreg s25  }
0x10: {  	s3 =	sadd.s32 $0x927C, s5;
	[dreg:$0x9] =	wrdreg s26  }
0x11: {  	s6 =	sadd.s32 $0xAAE6, s5;
	[dreg:$0xa] =	wrdreg s3  }
0x12: {  	s7 =	sadd.s32 $0xC350, s5;
	[dreg:$0xb] =	wrdreg s6  }
0x13: {  	s8 =	sadd.s32 $0xDBBA, s5;
	[dreg:$0xc] =	wrdreg s7  }
0x14: {  	s9 =	sadd.s32 $0xF424, s5;
	[dreg:$0xd] =	wrdreg s8  }
0x15: {  	s10 =	sadd.s32 $0x10C8E, s5;
	[dreg:$0xe] =	wrdreg s9  }
0x16: {  	s11 =	sadd.s32 $0x124F8, s5;
	[dreg:$0xf] =	wrdreg s10  }
0x17: {  	s12 =	sadd.s32 $0x13D62, s5;
	[dreg:$0x10] =	wrdreg s11  }
0x18: {  	s14 =	sadd.s32 $0x155CC, s5;
	[dreg:$0x11] =	wrdreg s12  }
0x19: {  	s15 =	sadd.s32 $0x16E36, s5;
	[dreg:$0x12] =	wrdreg s14  }
0x1a: {  	s16 =	sadd.s32 $0x186A0, s5;
	[dreg:$0x13] =	wrdreg s15  }
0x1b: {  	s17 =	sadd.s32 $0x19F0A, s5;
	[dreg:$0x14] =	wrdreg s16  }
0x1c: {  	s18 =	sadd.s32 $0x1B774, s5;
	[dreg:$0x15] =	wrdreg s17  }
0x1d: {  	s19 =	sadd.s32 $0x1CFDE, s5;
	[dreg:$0x16] =	wrdreg s18  }
0x1e: {  	s20 =	sadd.s32 $0x1E848, s5;
	[dreg:$0x17] =	wrdreg s19  }
0x1f: {  	s21 =	sadd.s32 $0x200B2, s5;
	[dreg:$0x18] =	wrdreg s20  }
0x20: {  	[dreg:$0x19] =	wrdreg s21;
	s22 =	sadd.s32 $0x2191C, s5  }
0x21: {  	s23 =	sadd.s32 $0x23186, s5;
	[dreg:$0x1a] =	wrdreg s22  }
0x22: {  	s24 =	sadd.s32 $0x249F0, s5;
	[dreg:$0x1b] =	wrdreg s23  }
0x23: {  	s25 =	sadd.s32 $0x2625A, s5;
	[dreg:$0x1c] =	wrdreg s24  }
0x24: {  	s26 =	sadd.s32 $0x27AC4, s5;
	[dreg:$0x1d] =	wrdreg s25  }
0x25: {  	s3 =	sadd.s32 $0x2932E, s5;
	[dreg:$0x1e] =	wrdreg s26  }
0x26: {  	s6 =	sadd.s32 $0x2AB98, s5;
	[dreg:$0x1f] =	wrdreg s3  }
0x27: {  	s31 =	simm.s32 $0x5;
	s7 =	sadd.s32 $0x2C402, s5;
	[smem:$0x7EB] =	sst s6  }
0x28: {  	s29 =	simm.s32 $0x3B8;
	s8 =	sadd.s32 $0x2DC6C, s5;
	[smem:$0x7EC] =	sst s7  }
0x29: {  	s28 =	simm.s32 $0x3F0;
	s9 =	sadd.s32 $0x2F4D6, s5;
	[smem:$0x7ED] =	sst s8  }
0x2a: {  	p0 =	por $0x0, $0x0;
	s10 =	simm.s32 $0x38;
	[smem:$0x7EE] =	sst s9  }
0x2b: {  	s30 =	sadd.s32 $0x20A00, s4;
	s11 =	simm.s32 $0x70;
	[smem:$0x7EF] =	sst s10  }
0x2c: {  	s1 =	ssub.s32 $0x2, s1;
	s14 =	simm.s32 $0xA8;
	[smem:$0x7F0] =	sst s11  }
0x2d: {  	s12 =	sshrl.u32 s1, $0x1;
	s15 =	simm.s32 $0xE0;
	[smem:$0x7F1] =	sst s14  }
0x2e: {  	s16 =	simm.s32 $0x118;
	s17 =	simm.s32 $0x150;
	[smem:$0x7F2] =	sst s15  }
0x2f: {  	s5 =	simm.s32 $0x700;
	s18 =	simm.s32 $0x188;
	[smem:$0x7F3] =	sst s16  }
0x30: {  	s19 =	simm.s32 $0x1C0;
	s20 =	simm.s32 $0x1F8;
	[smem:$0x7F4] =	sst s17  }
0x31: {  	s21 =	simm.s32 $0x230;
	s3 =	sadd.s32 $0x2000, s4;
	[smem:$0x7F5] =	sst s18  }
0x32: {  	s1 =	ssub.s32 s1, s12;
	s4 =	simm.s32 $0xCA50;
	[smem:$0x7F6] =	sst s19  }
0x33: {  	s6 =	simm.s32 $0x31;
	s12 =	simm.s32 $0xAE8;
	[smem:$0x7F7] =	sst s20  }
0x34: {  	s11 =	simm.s32 $0x1;
	[smem:$0x7F8] =	sst s21;
	s22 =	simm.s32 $0x268  }
0x35: {  	s10 =	simm.s32 $0xCE38;
	s23 =	simm.s32 $0x2A0;
	s9 =	simm.s32 $0x2  }
0x36: {  	s24 =	simm.s32 $0x2D8;
	s7 =	simm.s32 $0x3;
	s25 =	simm.s32 $0x310  }
0x37: {  	s8 =	simm.s32 $0x4;
	s26 =	simm.s32 $0x348;
	s21 =	simm.s32 $0x540  }
0x38: {  	s20 =	simm.s32 $0x578;
	s1 =	smax.u32 s1, $0x1;
	[smem:$0x7F9] =	sst s22  }
0x39: {  	s19 =	simm.s32 $0x5B0;
	[smem:$0x7FA] =	sst s23;
	p1 =	sne.s32 s1, $0x1  }
.Ltmp0:
0x3a: {  	s18 =	simm.s32 $0x5E8;
	[smem:$0x7FB] =	sst s24;
	(pc) =	sbr.rel @!p1 .LBB2_1-.Ltmp0, $4  }
0x3b: {  	s17 =	simm.s32 $0x620;
	s16 =	simm.s32 $0x658;
	[smem:$0x7FC] =	sst s25  }
0x3c: {  	s15 =	simm.s32 $0x690;
	s14 =	simm.s32 $0x6C8;
	[smem:$0x7FD] =	sst s26  }
0x3d: {  	s26 =	simm.s32 $0x428;
	s25 =	simm.s32 $0x460;
	s24 =	simm.s32 $0x498  }
0x3e: {  	s23 =	simm.s32 $0x4D0;
	s22 =	simm.s32 $0x508;
	s1 =	sadd.s32 $0xFFFFFFFF, s1  }
0x3f: {  	[tilespmem:s2], [sflag:$0x5] =	stream.linear.gather [hbm4b:s0+s2], $0x700, $0x38;
	[tilespmem:$0x18DA0] =	vst v63  }
0x40: {  	_ =	swait.ge [sflag:s31], $0x700  }
0x41: {  	[sflag:s31] =	ssyncset.done $0x0  }
0x42: {  	[sflag:s31] =	ssyncadd.s32 $0xFFFFF900  }
0x43: {  	[tilespmem:s5], [sflag:$0x5] =	stream.linear.gather [hbm4b:s30+s2], $0x3E8, $0x38;
	[tilespmem:$0x18DA0] =	vst v63  }
0x44: {  	_ =	swait.ge [sflag:s31], $0x3E8  }
0x45: {  	[sflag:s31] =	ssyncset.done $0x0  }
0x46: {  	[sflag:s31] =	ssyncadd.s32 $0xFFFFFC18  }
0x47: {  	[tilespmem:s4], [sflag:$0x5] =	stream.linear.gather [hbm4b:s30+s2], $0x3E8, $0x38;
	[tilespmem:$0x18DA0] =	vst v63  }
0x48: {  	_ =	swait.ge [sflag:s31], $0x3E8  }
0x49: {  	[sflag:s31] =	ssyncset.done $0x0  }
0x4a: {  	[sflag:s31] =	ssyncadd.s32 $0xFFFFFC18  }
0x4b: {  	[tilespmem:s12], [sflag:$0x1] =	stream.indirect.gather [hbm4b:s3+s6], $0x3E8, s2, s6, $0xb8;
	[tilespmem:$0x18DA0] =	vst v63  }
0x4c: {  	_ =	swait.ge [sflag:s11], $0xBF68  }
0x4d: {  	s0 =	sld [smem:$0x7EF]  }
0x4e: {  	[sflag:s11] =	ssyncset.done $0x0  }
0x4f: {  	[sflag:s11] =	ssyncadd.s32 $0xFFFF4098  }
0x50: {  	[tilespmem:s10], [sflag:$0x2] =	stream.indirect.gather [hbm4b:s3+s6], $0x3E8, s0, s6, $0xb8;
	[tilespmem:$0x18DA0] =	vst v63  }
0x51: {  	s13 =	smov.u32 s1;
	s1 =	rddreg [dreg:$0x4]  }
0x52: {  	[hbm4b:s1+s2] =	stream.linear.scatter [tilespmem:s5], [sflag:$0x3], $0xC350, $0x38;
	[tilespmem:$0x18DA0] =	vst v63  }
0x53: {  	_ =	swait.ge [sflag:s9], $0xBF68  }
0x54: {  	[sflag:s9] =	ssyncset.done $0x0  }
0x55: {  	[sflag:s9] =	ssyncadd.s32 $0xFFFF4098  }
0x56: {  	_ =	swait.ge [sflag:s7], $0xC350  }
0x57: {  	s0 =	sld [smem:$0x7F0]  }
0x58: {  	[sflag:s7] =	ssyncset.done $0x0  }
0x59: {  	[sflag:s7] =	ssyncadd.s32 $0xFFFF3CB0  }
0x5a: {  	[tilespmem:s12], [sflag:$0x1] =	stream.indirect.gather [hbm4b:s3+s6], $0x3E8, s0, s6, $0xb8;
	[tilespmem:$0x18DA0] =	vst v63  }
0x5b: {  	s1 =	rddreg [dreg:$0x5]  }
0x5c: {  	[hbm4b:s1+s2] =	stream.linear.scatter [tilespmem:s4], [sflag:$0x4], $0xC350, $0x38;
	[tilespmem:$0x18DA0] =	vst v63  }
0x5d: {  	_ =	swait.ge [sflag:s11], $0xBF68  }
0x5e: {  	[sflag:s11] =	ssyncset.done $0x0  }
0x5f: {  	[sflag:s11] =	ssyncadd.s32 $0xFFFF4098  }
0x60: {  	_ =	swait.ge [sflag:s8], $0xC350  }
0x61: {  	s0 =	sld [smem:$0x7F1]  }
0x62: {  	[sflag:s8] =	ssyncset.done $0x0  }
0x63: {  	[sflag:s8] =	ssyncadd.s32 $0xFFFF3CB0  }
0x64: {  	[tilespmem:s10], [sflag:$0x2] =	stream.indirect.gather [hbm4b:s3+s6], $0x3E8, s0, s6, $0xb8;
	[tilespmem:$0x18DA0] =	vst v63  }
0x65: {  	s1 =	rddreg [dreg:$0x6]  }
0x66: {  	[hbm4b:s1+s2] =	stream.linear.scatter [tilespmem:s5], [sflag:$0x3], $0xC350, $0x38;
	[tilespmem:$0x18DA0] =	vst v63  }
0x67: {  	_ =	swait.ge [sflag:s9], $0xBF68  }
0x68: {  	[sflag:s9] =	ssyncset.done $0x0  }
0x69: {  	[sflag:s9] =	ssyncadd.s32 $0xFFFF4098  }
0x6a: {  	_ =	swait.ge [sflag:s7], $0xC350  }
0x6b: {  	s0 =	sld [smem:$0x7F2]  }
0x6c: {  	[sflag:s7] =	ssyncset.done $0x0  }
0x6d: {  	[sflag:s7] =	ssyncadd.s32 $0xFFFF3CB0  }
0x6e: {  	[tilespmem:s12], [sflag:$0x1] =	stream.indirect.gather [hbm4b:s3+s6], $0x3E8, s0, s6, $0xb8;
	[tilespmem:$0x18DA0] =	vst v63  }
0x6f: {  	s1 =	rddreg [dreg:$0x7]  }
0x70: {  	[hbm4b:s1+s2] =	stream.linear.scatter [tilespmem:s4], [sflag:$0x4], $0xC350, $0x38;
	[tilespmem:$0x18DA0] =	vst v63  }
0x71: {  	_ =	swait.ge [sflag:s11], $0xBF68  }
0x72: {  	[sflag:s11] =	ssyncset.done $0x0  }
0x73: {  	[sflag:s11] =	ssyncadd.s32 $0xFFFF4098  }
0x74: {  	_ =	swait.ge [sflag:s8], $0xC350  }
0x75: {  	s0 =	sld [smem:$0x7F3]  }
0x76: {  	[sflag:s8] =	ssyncset.done $0x0  }
0x77: {  	[sflag:s8] =	ssyncadd.s32 $0xFFFF3CB0  }
0x78: {  	[tilespmem:s10], [sflag:$0x2] =	stream.indirect.gather [hbm4b:s3+s6], $0x3E8, s0, s6, $0xb8;
	[tilespmem:$0x18DA0] =	vst v63  }
0x79: {  	s1 =	rddreg [dreg:$0x8]  }
0x7a: {  	[hbm4b:s1+s2] =	stream.linear.scatter [tilespmem:s5], [sflag:$0x3], $0xC350, $0x38;
	[tilespmem:$0x18DA0] =	vst v63  }
0x7b: {  	_ =	swait.ge [sflag:s9], $0xBF68  }
0x7c: {  	[sflag:s9] =	ssyncset.done $0x0  }
0x7d: {  	[sflag:s9] =	ssyncadd.s32 $0xFFFF4098  }
0x7e: {  	_ =	swait.ge [sflag:s7], $0xC350  }
0x7f: {  	s0 =	sld [smem:$0x7F4]  }
0x80: {  	[sflag:s7] =	ssyncset.done $0x0  }
0x81: {  	[sflag:s7] =	ssyncadd.s32 $0xFFFF3CB0  }
0x82: {  	[tilespmem:s12], [sflag:$0x1] =	stream.indirect.gather [hbm4b:s3+s6], $0x3E8, s0, s6, $0xb8;
	[tilespmem:$0x18DA0] =	vst v63  }
0x83: {  	s1 =	rddreg [dreg:$0x9]  }
0x84: {  	[hbm4b:s1+s2] =	stream.linear.scatter [tilespmem:s4], [sflag:$0x4], $0xC350, $0x38;
	[tilespmem:$0x18DA0] =	vst v63  }
0x85: {  	_ =	swait.ge [sflag:s11], $0xBF68  }
0x86: {  	[sflag:s11] =	ssyncset.done $0x0  }
0x87: {  	[sflag:s11] =	ssyncadd.s32 $0xFFFF4098  }
0x88: {  	_ =	swait.ge [sflag:s8], $0xC350  }
0x89: {  	s0 =	sld [smem:$0x7F5]  }
0x8a: {  	[sflag:s8] =	ssyncset.done $0x0  }
0x8b: {  	[sflag:s8] =	ssyncadd.s32 $0xFFFF3CB0  }
0x8c: {  	[tilespmem:s10], [sflag:$0x2] =	stream.indirect.gather [hbm4b:s3+s6], $0x3E8, s0, s6, $0xb8;
	[tilespmem:$0x18DA0] =	vst v63  }
0x8d: {  	s1 =	rddreg [dreg:$0xa]  }
0x8e: {  	[hbm4b:s1+s2] =	stream.linear.scatter [tilespmem:s5], [sflag:$0x3], $0xC350, $0x38;
	[tilespmem:$0x18DA0] =	vst v63  }
0x8f: {  	_ =	swait.ge [sflag:s9], $0xBF68  }
0x90: {  	[sflag:s9] =	ssyncset.done $0x0  }
0x91: {  	[sflag:s9] =	ssyncadd.s32 $0xFFFF4098  }
0x92: {  	_ =	swait.ge [sflag:s7], $0xC350  }
0x93: {  	s0 =	sld [smem:$0x7F6]  }
0x94: {  	[sflag:s7] =	ssyncset.done $0x0  }
0x95: {  	[sflag:s7] =	ssyncadd.s32 $0xFFFF3CB0  }
0x96: {  	[tilespmem:s12], [sflag:$0x1] =	stream.indirect.gather [hbm4b:s3+s6], $0x3E8, s0, s6, $0xb8;
	[tilespmem:$0x18DA0] =	vst v63  }
0x97: {  	s1 =	rddreg [dreg:$0xb]  }
0x98: {  	[hbm4b:s1+s2] =	stream.linear.scatter [tilespmem:s4], [sflag:$0x4], $0xC350, $0x38;
	[tilespmem:$0x18DA0] =	vst v63  }
0x99: {  	_ =	swait.ge [sflag:s11], $0xBF68  }
0x9a: {  	[sflag:s11] =	ssyncset.done $0x0  }
0x9b: {  	[sflag:s11] =	ssyncadd.s32 $0xFFFF4098  }
0x9c: {  	_ =	swait.ge [sflag:s8], $0xC350  }
0x9d: {  	s0 =	sld [smem:$0x7F7]  }
0x9e: {  	[sflag:s8] =	ssyncset.done $0x0  }
0x9f: {  	[sflag:s8] =	ssyncadd.s32 $0xFFFF3CB0  }
0xa0: {  	[tilespmem:s10], [sflag:$0x2] =	stream.indirect.gather [hbm4b:s3+s6], $0x3E8, s0, s6, $0xb8;
	[tilespmem:$0x18DA0] =	vst v63  }
0xa1: {  	s1 =	rddreg [dreg:$0xc]  }
0xa2: {  	[hbm4b:s1+s2] =	stream.linear.scatter [tilespmem:s5], [sflag:$0x3], $0xC350, $0x38;
	[tilespmem:$0x18DA0] =	vst v63  }
0xa3: {  	_ =	swait.ge [sflag:s9], $0xBF68  }
0xa4: {  	[sflag:s9] =	ssyncset.done $0x0  }
0xa5: {  	[sflag:s9] =	ssyncadd.s32 $0xFFFF4098  }
0xa6: {  	_ =	swait.ge [sflag:s7], $0xC350  }
0xa7: {  	s0 =	sld [smem:$0x7F8]  }
0xa8: {  	[sflag:s7] =	ssyncset.done $0x0  }
0xa9: {  	[sflag:s7] =	ssyncadd.s32 $0xFFFF3CB0  }
0xaa: {  	[tilespmem:s12], [sflag:$0x1] =	stream.indirect.gather [hbm4b:s3+s6], $0x3E8, s0, s6, $0xb8;
	[tilespmem:$0x18DA0] =	vst v63  }
0xab: {  	s1 =	rddreg [dreg:$0xd]  }
0xac: {  	[hbm4b:s1+s2] =	stream.linear.scatter [tilespmem:s4], [sflag:$0x4], $0xC350, $0x38;
	[tilespmem:$0x18DA0] =	vst v63  }
0xad: {  	_ =	swait.ge [sflag:s11], $0xBF68  }
0xae: {  	[sflag:s11] =	ssyncset.done $0x0  }
0xaf: {  	[sflag:s11] =	ssyncadd.s32 $0xFFFF4098  }
0xb0: {  	_ =	swait.ge [sflag:s8], $0xC350  }
0xb1: {  	s0 =	sld [smem:$0x7F9]  }
0xb2: {  	[sflag:s8] =	ssyncset.done $0x0  }
0xb3: {  	[sflag:s8] =	ssyncadd.s32 $0xFFFF3CB0  }
0xb4: {  	[tilespmem:s10], [sflag:$0x2] =	stream.indirect.gather [hbm4b:s3+s6], $0x3E8, s0, s6, $0xb8;
	[tilespmem:$0x18DA0] =	vst v63  }
0xb5: {  	s1 =	rddreg [dreg:$0xe]  }
0xb6: {  	[hbm4b:s1+s2] =	stream.linear.scatter [tilespmem:s5], [sflag:$0x3], $0xC350, $0x38;
	[tilespmem:$0x18DA0] =	vst v63  }
0xb7: {  	_ =	swait.ge [sflag:s9], $0xBF68  }
0xb8: {  	[sflag:s9] =	ssyncset.done $0x0  }
0xb9: {  	[sflag:s9] =	ssyncadd.s32 $0xFFFF4098  }
0xba: {  	_ =	swait.ge [sflag:s7], $0xC350  }
0xbb: {  	s0 =	sld [smem:$0x7FA]  }
0xbc: {  	[sflag:s7] =	ssyncset.done $0x0  }
0xbd: {  	[sflag:s7] =	ssyncadd.s32 $0xFFFF3CB0  }
0xbe: {  	[tilespmem:s12], [sflag:$0x1] =	stream.indirect.gather [hbm4b:s3+s6], $0x3E8, s0, s6, $0xb8;
	[tilespmem:$0x18DA0] =	vst v63  }
0xbf: {  	s1 =	rddreg [dreg:$0xf]  }
0xc0: {  	[hbm4b:s1+s2] =	stream.linear.scatter [tilespmem:s4], [sflag:$0x4], $0xC350, $0x38;
	[tilespmem:$0x18DA0] =	vst v63  }
0xc1: {  	_ =	swait.ge [sflag:s11], $0xBF68  }
0xc2: {  	[sflag:s11] =	ssyncset.done $0x0  }
0xc3: {  	[sflag:s11] =	ssyncadd.s32 $0xFFFF4098  }
0xc4: {  	_ =	swait.ge [sflag:s8], $0xC350  }
0xc5: {  	s0 =	sld [smem:$0x7FB]  }
0xc6: {  	[sflag:s8] =	ssyncset.done $0x0  }
0xc7: {  	[sflag:s8] =	ssyncadd.s32 $0xFFFF3CB0  }
0xc8: {  	[tilespmem:s10], [sflag:$0x2] =	stream.indirect.gather [hbm4b:s3+s6], $0x3E8, s0, s6, $0xb8;
	[tilespmem:$0x18DA0] =	vst v63  }
0xc9: {  	s1 =	rddreg [dreg:$0x10]  }
0xca: {  	[hbm4b:s1+s2] =	stream.linear.scatter [tilespmem:s5], [sflag:$0x3], $0xC350, $0x38;
	[tilespmem:$0x18DA0] =	vst v63  }
0xcb: {  	_ =	swait.ge [sflag:s9], $0xBF68  }
0xcc: {  	[sflag:s9] =	ssyncset.done $0x0  }
0xcd: {  	[sflag:s9] =	ssyncadd.s32 $0xFFFF4098  }
0xce: {  	_ =	swait.ge [sflag:s7], $0xC350  }
0xcf: {  	s0 =	sld [smem:$0x7FC]  }
0xd0: {  	[sflag:s7] =	ssyncset.done $0x0  }
0xd1: {  	[sflag:s7] =	ssyncadd.s32 $0xFFFF3CB0  }
0xd2: {  	[tilespmem:s12], [sflag:$0x1] =	stream.indirect.gather [hbm4b:s3+s6], $0x3E8, s0, s6, $0xb8;
	[tilespmem:$0x18DA0] =	vst v63  }
0xd3: {  	s1 =	rddreg [dreg:$0x11]  }
0xd4: {  	[hbm4b:s1+s2] =	stream.linear.scatter [tilespmem:s4], [sflag:$0x4], $0xC350, $0x38;
	[tilespmem:$0x18DA0] =	vst v63  }
0xd5: {  	_ =	swait.ge [sflag:s11], $0xBF68  }
0xd6: {  	[sflag:s11] =	ssyncset.done $0x0  }
0xd7: {  	[sflag:s11] =	ssyncadd.s32 $0xFFFF4098  }
0xd8: {  	_ =	swait.ge [sflag:s8], $0xC350  }
0xd9: {  	s0 =	sld [smem:$0x7FD]  }
0xda: {  	[sflag:s8] =	ssyncset.done $0x0  }
0xdb: {  	[sflag:s8] =	ssyncadd.s32 $0xFFFF3CB0  }
0xdc: {  	[tilespmem:s10], [sflag:$0x2] =	stream.indirect.gather [hbm4b:s3+s6], $0x3E8, s0, s6, $0xb8;
	[tilespmem:$0x18DA0] =	vst v63  }
0xdd: {  	s1 =	rddreg [dreg:$0x12]  }
0xde: {  	[hbm4b:s1+s2] =	stream.linear.scatter [tilespmem:s5], [sflag:$0x3], $0xC350, $0x38;
	[tilespmem:$0x18DA0] =	vst v63  }
0xdf: {  	_ =	swait.ge [sflag:s9], $0xBF68  }
0xe0: {  	[sflag:s9] =	ssyncset.done $0x0  }
0xe1: {  	[sflag:s9] =	ssyncadd.s32 $0xFFFF4098  }
0xe2: {  	_ =	swait.ge [sflag:s7], $0xC350  }
0xe3: {  	[sflag:s7] =	ssyncset.done $0x0  }
0xe4: {  	s1 =	simm.s32 $0x380;
	[sflag:s7] =	ssyncadd.s32 $0xFFFF3CB0  }
0xe5: {  	[tilespmem:s12], [sflag:$0x1] =	stream.indirect.gather [hbm4b:s3+s6], $0x3E8, s1, s6, $0xb8;
	[tilespmem:$0x18DA0] =	vst v63  }
0xe6: {  	s0 =	rddreg [dreg:$0x13]  }
0xe7: {  	[hbm4b:s0+s2] =	stream.linear.scatter [tilespmem:s4], [sflag:$0x4], $0xC350, $0x38;
	[tilespmem:$0x18DA0] =	vst v63  }
0xe8: {  	_ =	swait.ge [sflag:s11], $0xBF68  }
0xe9: {  	[sflag:s11] =	ssyncset.done $0x0  }
0xea: {  	[sflag:s11] =	ssyncadd.s32 $0xFFFF4098  }
0xeb: {  	_ =	swait.ge [sflag:s8], $0xC350  }
0xec: {  	[sflag:s8] =	ssyncset.done $0x0  }
0xed: {  	[sflag:s8] =	ssyncadd.s32 $0xFFFF3CB0  }
0xee: {  	[tilespmem:s10], [sflag:$0x2] =	stream.indirect.gather [hbm4b:s3+s6], $0x3E8, s29, s6, $0xb8;
	[tilespmem:$0x18DA0] =	vst v63  }
0xef: {  	s1 =	rddreg [dreg:$0x14]  }
0xf0: {  	[hbm4b:s1+s2] =	stream.linear.scatter [tilespmem:s5], [sflag:$0x3], $0xC350, $0x38;
	[tilespmem:$0x18DA0] =	vst v63  }
0xf1: {  	_ =	swait.ge [sflag:s9], $0xBF68  }
0xf2: {  	[sflag:s9] =	ssyncset.done $0x0  }
0xf3: {  	[sflag:s9] =	ssyncadd.s32 $0xFFFF4098  }
0xf4: {  	_ =	swait.ge [sflag:s7], $0xC350  }
0xf5: {  	[sflag:s7] =	ssyncset.done $0x0  }
0xf6: {  	[sflag:s7] =	ssyncadd.s32 $0xFFFF3CB0  }
0xf7: {  	[tilespmem:s12], [sflag:$0x1] =	stream.indirect.gather [hbm4b:s3+s6], $0x3E8, s28, s6, $0xb8;
	[tilespmem:$0x18DA0] =	vst v63  }
0xf8: {  	s1 =	rddreg [dreg:$0x15]  }
0xf9: {  	[hbm4b:s1+s2] =	stream.linear.scatter [tilespmem:s4], [sflag:$0x4], $0xC350, $0x38;
	[tilespmem:$0x18DA0] =	vst v63  }
0xfa: {  	_ =	swait.ge [sflag:s11], $0xBF68  }
0xfb: {  	[sflag:s11] =	ssyncset.done $0x0  }
0xfc: {  	[sflag:s11] =	ssyncadd.s32 $0xFFFF4098  }
0xfd: {  	_ =	swait.ge [sflag:s8], $0xC350  }
0xfe: {  	[sflag:s8] =	ssyncset.done $0x0  }
0xff: {  	[sflag:s8] =	ssyncadd.s32 $0xFFFF3CB0  }
0x100: {  	[tilespmem:s10], [sflag:$0x2] =	stream.indirect.gather [hbm4b:s3+s6], $0x3E8, s26, s6, $0xb8;
	[tilespmem:$0x18DA0] =	vst v63  }
0x101: {  	s1 =	rddreg [dreg:$0x16]  }
0x102: {  	[hbm4b:s1+s2] =	stream.linear.scatter [tilespmem:s5], [sflag:$0x3], $0xC350, $0x38;
	[tilespmem:$0x18DA0] =	vst v63  }
0x103: {  	_ =	swait.ge [sflag:s9], $0xBF68  }
0x104: {  	[sflag:s9] =	ssyncset.done $0x0  }
0x105: {  	[sflag:s9] =	ssyncadd.s32 $0xFFFF4098  }
0x106: {  	_ =	swait.ge [sflag:s7], $0xC350  }
0x107: {  	[sflag:s7] =	ssyncset.done $0x0  }
0x108: {  	[sflag:s7] =	ssyncadd.s32 $0xFFFF3CB0  }
0x109: {  	[tilespmem:s12], [sflag:$0x1] =	stream.indirect.gather [hbm4b:s3+s6], $0x3E8, s25, s6, $0xb8;
	[tilespmem:$0x18DA0] =	vst v63  }
0x10a: {  	s1 =	rddreg [dreg:$0x17]  }
0x10b: {  	[hbm4b:s1+s2] =	stream.linear.scatter [tilespmem:s4], [sflag:$0x4], $0xC350, $0x38;
	[tilespmem:$0x18DA0] =	vst v63  }
0x10c: {  	_ =	swait.ge [sflag:s11], $0xBF68  }
0x10d: {  	[sflag:s11] =	ssyncset.done $0x0  }
0x10e: {  	[sflag:s11] =	ssyncadd.s32 $0xFFFF4098  }
0x10f: {  	_ =	swait.ge [sflag:s8], $0xC350  }
0x110: {  	[sflag:s8] =	ssyncset.done $0x0  }
0x111: {  	[sflag:s8] =	ssyncadd.s32 $0xFFFF3CB0  }
0x112: {  	[tilespmem:s10], [sflag:$0x2] =	stream.indirect.gather [hbm4b:s3+s6], $0x3E8, s24, s6, $0xb8;
	[tilespmem:$0x18DA0] =	vst v63  }
0x113: {  	s1 =	rddreg [dreg:$0x18]  }
0x114: {  	[hbm4b:s1+s2] =	stream.linear.scatter [tilespmem:s5], [sflag:$0x3], $0xC350, $0x38;
	[tilespmem:$0x18DA0] =	vst v63  }
0x115: {  	_ =	swait.ge [sflag:s9], $0xBF68  }
0x116: {  	[sflag:s9] =	ssyncset.done $0x0  }
0x117: {  	[sflag:s9] =	ssyncadd.s32 $0xFFFF4098  }
0x118: {  	_ =	swait.ge [sflag:s7], $0xC350  }
0x119: {  	[sflag:s7] =	ssyncset.done $0x0  }
0x11a: {  	[sflag:s7] =	ssyncadd.s32 $0xFFFF3CB0  }
0x11b: {  	[tilespmem:s12], [sflag:$0x1] =	stream.indirect.gather [hbm4b:s3+s6], $0x3E8, s23, s6, $0xb8;
	[tilespmem:$0x18DA0] =	vst v63  }
0x11c: {  	s1 =	rddreg [dreg:$0x19]  }
0x11d: {  	[hbm4b:s1+s2] =	stream.linear.scatter [tilespmem:s4], [sflag:$0x4], $0xC350, $0x38;
	[tilespmem:$0x18DA0] =	vst v63  }
0x11e: {  	_ =	swait.ge [sflag:s11], $0xBF68  }
0x11f: {  	[sflag:s11] =	ssyncset.done $0x0  }
0x120: {  	[sflag:s11] =	ssyncadd.s32 $0xFFFF4098  }
0x121: {  	_ =	swait.ge [sflag:s8], $0xC350  }
0x122: {  	[sflag:s8] =	ssyncset.done $0x0  }
0x123: {  	[sflag:s8] =	ssyncadd.s32 $0xFFFF3CB0  }
0x124: {  	[tilespmem:s10], [sflag:$0x2] =	stream.indirect.gather [hbm4b:s3+s6], $0x3E8, s22, s6, $0xb8;
	[tilespmem:$0x18DA0] =	vst v63  }
0x125: {  	s1 =	rddreg [dreg:$0x1a]  }
0x126: {  	[hbm4b:s1+s2] =	stream.linear.scatter [tilespmem:s5], [sflag:$0x3], $0xC350, $0x38;
	[tilespmem:$0x18DA0] =	vst v63  }
0x127: {  	_ =	swait.ge [sflag:s9], $0xBF68  }
0x128: {  	[sflag:s9] =	ssyncset.done $0x0  }
0x129: {  	[sflag:s9] =	ssyncadd.s32 $0xFFFF4098  }
0x12a: {  	_ =	swait.ge [sflag:s7], $0xC350  }
0x12b: {  	[sflag:s7] =	ssyncset.done $0x0  }
0x12c: {  	[sflag:s7] =	ssyncadd.s32 $0xFFFF3CB0  }
0x12d: {  	[tilespmem:s12], [sflag:$0x1] =	stream.indirect.gather [hbm4b:s3+s6], $0x3E8, s21, s6, $0xb8;
	[tilespmem:$0x18DA0] =	vst v63  }
0x12e: {  	s1 =	rddreg [dreg:$0x1b]  }
0x12f: {  	[hbm4b:s1+s2] =	stream.linear.scatter [tilespmem:s4], [sflag:$0x4], $0xC350, $0x38;
	[tilespmem:$0x18DA0] =	vst v63  }
0x130: {  	_ =	swait.ge [sflag:s11], $0xBF68  }
0x131: {  	[sflag:s11] =	ssyncset.done $0x0  }
0x132: {  	[sflag:s11] =	ssyncadd.s32 $0xFFFF4098  }
0x133: {  	_ =	swait.ge [sflag:s8], $0xC350  }
0x134: {  	[sflag:s8] =	ssyncset.done $0x0  }
0x135: {  	[sflag:s8] =	ssyncadd.s32 $0xFFFF3CB0  }
0x136: {  	[tilespmem:s10], [sflag:$0x2] =	stream.indirect.gather [hbm4b:s3+s6], $0x3E8, s20, s6, $0xb8;
	[tilespmem:$0x18DA0] =	vst v63  }
0x137: {  	s1 =	rddreg [dreg:$0x1c]  }
0x138: {  	[hbm4b:s1+s2] =	stream.linear.scatter [tilespmem:s5], [sflag:$0x3], $0xC350, $0x38;
	[tilespmem:$0x18DA0] =	vst v63  }
0x139: {  	_ =	swait.ge [sflag:s9], $0xBF68  }
0x13a: {  	[sflag:s9] =	ssyncset.done $0x0  }
0x13b: {  	[sflag:s9] =	ssyncadd.s32 $0xFFFF4098  }
0x13c: {  	_ =	swait.ge [sflag:s7], $0xC350  }
0x13d: {  	[sflag:s7] =	ssyncset.done $0x0  }
0x13e: {  	[sflag:s7] =	ssyncadd.s32 $0xFFFF3CB0  }
0x13f: {  	[tilespmem:s12], [sflag:$0x1] =	stream.indirect.gather [hbm4b:s3+s6], $0x3E8, s19, s6, $0xb8;
	[tilespmem:$0x18DA0] =	vst v63  }
0x140: {  	s1 =	rddreg [dreg:$0x1d]  }
0x141: {  	[hbm4b:s1+s2] =	stream.linear.scatter [tilespmem:s4], [sflag:$0x4], $0xC350, $0x38;
	[tilespmem:$0x18DA0] =	vst v63  }
0x142: {  	_ =	swait.ge [sflag:s11], $0xBF68  }
0x143: {  	[sflag:s11] =	ssyncset.done $0x0  }
0x144: {  	[sflag:s11] =	ssyncadd.s32 $0xFFFF4098  }
0x145: {  	_ =	swait.ge [sflag:s8], $0xC350  }
0x146: {  	[sflag:s8] =	ssyncset.done $0x0  }
0x147: {  	[sflag:s8] =	ssyncadd.s32 $0xFFFF3CB0  }
0x148: {  	[tilespmem:s10], [sflag:$0x2] =	stream.indirect.gather [hbm4b:s3+s6], $0x3E8, s18, s6, $0xb8;
	[tilespmem:$0x18DA0] =	vst v63  }
0x149: {  	s1 =	rddreg [dreg:$0x1e]  }
0x14a: {  	[hbm4b:s1+s2] =	stream.linear.scatter [tilespmem:s5], [sflag:$0x3], $0xC350, $0x38;
	[tilespmem:$0x18DA0] =	vst v63  }
0x14b: {  	_ =	swait.ge [sflag:s9], $0xBF68  }
0x14c: {  	[sflag:s9] =	ssyncset.done $0x0  }
0x14d: {  	[sflag:s9] =	ssyncadd.s32 $0xFFFF4098  }
0x14e: {  	_ =	swait.ge [sflag:s7], $0xC350  }
0x14f: {  	[sflag:s7] =	ssyncset.done $0x0  }
0x150: {  	[sflag:s7] =	ssyncadd.s32 $0xFFFF3CB0  }
0x151: {  	[tilespmem:s12], [sflag:$0x1] =	stream.indirect.gather [hbm4b:s3+s6], $0x3E8, s17, s6, $0xb8;
	[tilespmem:$0x18DA0] =	vst v63  }
0x152: {  	s1 =	rddreg [dreg:$0x1f]  }
0x153: {  	[hbm4b:s1+s2] =	stream.linear.scatter [tilespmem:s4], [sflag:$0x4], $0xC350, $0x38;
	[tilespmem:$0x18DA0] =	vst v63  }
0x154: {  	_ =	swait.ge [sflag:s11], $0xBF68  }
0x155: {  	[sflag:s11] =	ssyncset.done $0x0  }
0x156: {  	[sflag:s11] =	ssyncadd.s32 $0xFFFF4098  }
0x157: {  	_ =	swait.ge [sflag:s8], $0xC350  }
0x158: {  	[sflag:s8] =	ssyncset.done $0x0  }
0x159: {  	s1 =	sld [smem:$0x7EB];
	[sflag:s8] =	ssyncadd.s32 $0xFFFF3CB0  }
0x15a: {  	[tilespmem:s10], [sflag:$0x2] =	stream.indirect.gather [hbm4b:s3+s6], $0x3E8, s16, s6, $0xb8;
	[tilespmem:$0x18DA0] =	vst v63  }
0x15b: {  	_ = 	snop  }
0x15c: {  	[hbm4b:s1+s2] =	stream.linear.scatter [tilespmem:s5], [sflag:$0x3], $0xC350, $0x38;
	[tilespmem:$0x18DA0] =	vst v63  }
0x15d: {  	_ =	swait.ge [sflag:s9], $0xBF68  }
0x15e: {  	[sflag:s9] =	ssyncset.done $0x0  }
0x15f: {  	[sflag:s9] =	ssyncadd.s32 $0xFFFF4098  }
0x160: {  	_ =	swait.ge [sflag:s7], $0xC350  }
0x161: {  	[sflag:s7] =	ssyncset.done $0x0  }
0x162: {  	s1 =	sld [smem:$0x7EC];
	[sflag:s7] =	ssyncadd.s32 $0xFFFF3CB0  }
0x163: {  	[tilespmem:s12], [sflag:$0x1] =	stream.indirect.gather [hbm4b:s3+s6], $0x3E8, s15, s6, $0xb8;
	[tilespmem:$0x18DA0] =	vst v63  }
0x164: {  	_ = 	snop  }
0x165: {  	[hbm4b:s1+s2] =	stream.linear.scatter [tilespmem:s4], [sflag:$0x4], $0xC350, $0x38;
	[tilespmem:$0x18DA0] =	vst v63  }
0x166: {  	_ =	swait.ge [sflag:s11], $0xBF68  }
0x167: {  	[sflag:s11] =	ssyncset.done $0x0  }
0x168: {  	[sflag:s11] =	ssyncadd.s32 $0xFFFF4098  }
0x169: {  	_ =	swait.ge [sflag:s8], $0xC350  }
0x16a: {  	[sflag:s8] =	ssyncset.done $0x0  }
0x16b: {  	s1 =	sld [smem:$0x7ED];
	[sflag:s8] =	ssyncadd.s32 $0xFFFF3CB0  }
0x16c: {  	[tilespmem:s10], [sflag:$0x2] =	stream.indirect.gather [hbm4b:s3+s6], $0x3E8, s14, s6, $0xb8;
	[tilespmem:$0x18DA0] =	vst v63  }
0x16d: {  	_ = 	snop  }
0x16e: {  	[hbm4b:s1+s2] =	stream.linear.scatter [tilespmem:s5], [sflag:$0x3], $0xC350, $0x38;
	[tilespmem:$0x18DA0] =	vst v63  }
0x16f: {  	_ =	swait.ge [sflag:s9], $0xBF68  }
0x170: {  	s1 =	sld [smem:$0x7EE]  }
0x171: {  	[sflag:s9] =	ssyncset.done $0x0  }
0x172: {  	p1 =	sne.s32 s13, $0x1;
	[sflag:s9] =	ssyncadd.s32 $0xFFFF4098  }
0x173: {  	[hbm4b:s1+s2] =	stream.linear.scatter [tilespmem:s4], [sflag:$0x4], $0xC350, $0x38;
	[tilespmem:$0x18DA0] =	vst v63  }
.Ltmp1:
0x174: {  	_ =	swait.ge [sflag:s7], $0xC350;
	(pc) =	sbr.rel @!p1 .LBB2_3-.Ltmp1, $4  }
0x175: {  	[sflag:s7] =	ssyncset.done $0x0  }
0x176: {  	[sflag:s7] =	ssyncadd.s32 $0xFFFF3CB0  }
0x177: {  	p0 =	por $0x1, $0x1;
	_ =	swait.ge [sflag:s8], $0xC350  }
0x178: {  	s1 =	sadd.s32 $0xFFFFFFFF, s13;
	s0 =	rddreg [dreg:$0x3];
	[sflag:s8] =	ssyncset.done $0x0  }
.LBB2_4:
0x179: {  	[sflag:s8] =	ssyncadd.s32 $0xFFFF3CB0  }
0x17a: {  	[tilespmem:s2], [sflag:$0x5] =	stream.linear.gather [hbm4b:s0+s2], $0x700, $0x38;
	[tilespmem:$0x18DA0] =	vst v63  }
0x17b: {  	_ =	swait.ge [sflag:s31], $0x700  }
0x17c: {  	[sflag:s31] =	ssyncset.done $0x0  }
0x17d: {  	[sflag:s31] =	ssyncadd.s32 $0xFFFFF900  }
0x17e: {  	[tilespmem:s5], [sflag:$0x5] =	stream.linear.gather [hbm4b:s30+s2], $0x3E8, $0x38;
	[tilespmem:$0x18DA0] =	vst v63  }
0x17f: {  	_ =	swait.ge [sflag:s31], $0x3E8  }
0x180: {  	[sflag:s31] =	ssyncset.done $0x0  }
0x181: {  	[sflag:s31] =	ssyncadd.s32 $0xFFFFFC18  }
0x182: {  	[tilespmem:s4], [sflag:$0x5] =	stream.linear.gather [hbm4b:s30+s2], $0x3E8, $0x38;
	[tilespmem:$0x18DA0] =	vst v63  }
0x183: {  	_ =	swait.ge [sflag:s31], $0x3E8  }
0x184: {  	[sflag:s31] =	ssyncset.done $0x0  }
0x185: {  	[sflag:s31] =	ssyncadd.s32 $0xFFFFFC18  }
0x186: {  	[tilespmem:s12], [sflag:$0x1] =	stream.indirect.gather [hbm4b:s3+s6], $0x3E8, s2, s6, $0xb8;
	[tilespmem:$0x18DA0] =	vst v63  }
0x187: {  	_ =	swait.ge [sflag:s11], $0xBF68  }
0x188: {  	s0 =	sld [smem:$0x7EF]  }
0x189: {  	[sflag:s11] =	ssyncset.done $0x0  }
0x18a: {  	[sflag:s11] =	ssyncadd.s32 $0xFFFF4098  }
0x18b: {  	[tilespmem:s10], [sflag:$0x2] =	stream.indirect.gather [hbm4b:s3+s6], $0x3E8, s0, s6, $0xb8;
	[tilespmem:$0x18DA0] =	vst v63  }
0x18c: {  	s13 =	rddreg [dreg:$0x4]  }
0x18d: {  	[hbm4b:s13+s2] =	stream.linear.scatter [tilespmem:s5], [sflag:$0x3], $0xC350, $0x38;
	[tilespmem:$0x18DA0] =	vst v63  }
0x18e: {  	_ =	swait.ge [sflag:s9], $0xBF68  }
0x18f: {  	[sflag:s9] =	ssyncset.done $0x0  }
0x190: {  	[sflag:s9] =	ssyncadd.s32 $0xFFFF4098  }
0x191: {  	_ =	swait.ge [sflag:s7], $0xC350  }
0x192: {  	s0 =	sld [smem:$0x7F0]  }
0x193: {  	[sflag:s7] =	ssyncset.done $0x0  }
0x194: {  	[sflag:s7] =	ssyncadd.s32 $0xFFFF3CB0  }
0x195: {  	[tilespmem:s12], [sflag:$0x1] =	stream.indirect.gather [hbm4b:s3+s6], $0x3E8, s0, s6, $0xb8;
	[tilespmem:$0x18DA0] =	vst v63  }
0x196: {  	s13 =	rddreg [dreg:$0x5]  }
0x197: {  	[hbm4b:s13+s2] =	stream.linear.scatter [tilespmem:s4], [sflag:$0x4], $0xC350, $0x38;
	[tilespmem:$0x18DA0] =	vst v63  }
0x198: {  	_ =	swait.ge [sflag:s11], $0xBF68  }
0x199: {  	[sflag:s11] =	ssyncset.done $0x0  }
0x19a: {  	[sflag:s11] =	ssyncadd.s32 $0xFFFF4098  }
0x19b: {  	_ =	swait.ge [sflag:s8], $0xC350  }
0x19c: {  	s0 =	sld [smem:$0x7F1]  }
0x19d: {  	[sflag:s8] =	ssyncset.done $0x0  }
0x19e: {  	[sflag:s8] =	ssyncadd.s32 $0xFFFF3CB0  }
0x19f: {  	[tilespmem:s10], [sflag:$0x2] =	stream.indirect.gather [hbm4b:s3+s6], $0x3E8, s0, s6, $0xb8;
	[tilespmem:$0x18DA0] =	vst v63  }
0x1a0: {  	s13 =	rddreg [dreg:$0x6]  }
0x1a1: {  	[hbm4b:s13+s2] =	stream.linear.scatter [tilespmem:s5], [sflag:$0x3], $0xC350, $0x38;
	[tilespmem:$0x18DA0] =	vst v63  }
0x1a2: {  	_ =	swait.ge [sflag:s9], $0xBF68  }
0x1a3: {  	[sflag:s9] =	ssyncset.done $0x0  }
0x1a4: {  	[sflag:s9] =	ssyncadd.s32 $0xFFFF4098  }
0x1a5: {  	_ =	swait.ge [sflag:s7], $0xC350  }
0x1a6: {  	s0 =	sld [smem:$0x7F2]  }
0x1a7: {  	[sflag:s7] =	ssyncset.done $0x0  }
0x1a8: {  	[sflag:s7] =	ssyncadd.s32 $0xFFFF3CB0  }
0x1a9: {  	[tilespmem:s12], [sflag:$0x1] =	stream.indirect.gather [hbm4b:s3+s6], $0x3E8, s0, s6, $0xb8;
	[tilespmem:$0x18DA0] =	vst v63  }
0x1aa: {  	s13 =	rddreg [dreg:$0x7]  }
0x1ab: {  	[hbm4b:s13+s2] =	stream.linear.scatter [tilespmem:s4], [sflag:$0x4], $0xC350, $0x38;
	[tilespmem:$0x18DA0] =	vst v63  }
0x1ac: {  	_ =	swait.ge [sflag:s11], $0xBF68  }
0x1ad: {  	[sflag:s11] =	ssyncset.done $0x0  }
0x1ae: {  	[sflag:s11] =	ssyncadd.s32 $0xFFFF4098  }
0x1af: {  	_ =	swait.ge [sflag:s8], $0xC350  }
0x1b0: {  	s0 =	sld [smem:$0x7F3]  }
0x1b1: {  	[sflag:s8] =	ssyncset.done $0x0  }
0x1b2: {  	[sflag:s8] =	ssyncadd.s32 $0xFFFF3CB0  }
0x1b3: {  	[tilespmem:s10], [sflag:$0x2] =	stream.indirect.gather [hbm4b:s3+s6], $0x3E8, s0, s6, $0xb8;
	[tilespmem:$0x18DA0] =	vst v63  }
0x1b4: {  	s13 =	rddreg [dreg:$0x8]  }
0x1b5: {  	[hbm4b:s13+s2] =	stream.linear.scatter [tilespmem:s5], [sflag:$0x3], $0xC350, $0x38;
	[tilespmem:$0x18DA0] =	vst v63  }
0x1b6: {  	_ =	swait.ge [sflag:s9], $0xBF68  }
0x1b7: {  	[sflag:s9] =	ssyncset.done $0x0  }
0x1b8: {  	[sflag:s9] =	ssyncadd.s32 $0xFFFF4098  }
0x1b9: {  	_ =	swait.ge [sflag:s7], $0xC350  }
0x1ba: {  	s0 =	sld [smem:$0x7F4]  }
0x1bb: {  	[sflag:s7] =	ssyncset.done $0x0  }
0x1bc: {  	[sflag:s7] =	ssyncadd.s32 $0xFFFF3CB0  }
0x1bd: {  	[tilespmem:s12], [sflag:$0x1] =	stream.indirect.gather [hbm4b:s3+s6], $0x3E8, s0, s6, $0xb8;
	[tilespmem:$0x18DA0] =	vst v63  }
0x1be: {  	s13 =	rddreg [dreg:$0x9]  }
0x1bf: {  	[hbm4b:s13+s2] =	stream.linear.scatter [tilespmem:s4], [sflag:$0x4], $0xC350, $0x38;
	[tilespmem:$0x18DA0] =	vst v63  }
0x1c0: {  	_ =	swait.ge [sflag:s11], $0xBF68  }
0x1c1: {  	[sflag:s11] =	ssyncset.done $0x0  }
0x1c2: {  	[sflag:s11] =	ssyncadd.s32 $0xFFFF4098  }
0x1c3: {  	_ =	swait.ge [sflag:s8], $0xC350  }
0x1c4: {  	s0 =	sld [smem:$0x7F5]  }
0x1c5: {  	[sflag:s8] =	ssyncset.done $0x0  }
0x1c6: {  	[sflag:s8] =	ssyncadd.s32 $0xFFFF3CB0  }
0x1c7: {  	[tilespmem:s10], [sflag:$0x2] =	stream.indirect.gather [hbm4b:s3+s6], $0x3E8, s0, s6, $0xb8;
	[tilespmem:$0x18DA0] =	vst v63  }
0x1c8: {  	s13 =	rddreg [dreg:$0xa]  }
0x1c9: {  	[hbm4b:s13+s2] =	stream.linear.scatter [tilespmem:s5], [sflag:$0x3], $0xC350, $0x38;
	[tilespmem:$0x18DA0] =	vst v63  }
0x1ca: {  	_ =	swait.ge [sflag:s9], $0xBF68  }
0x1cb: {  	[sflag:s9] =	ssyncset.done $0x0  }
0x1cc: {  	[sflag:s9] =	ssyncadd.s32 $0xFFFF4098  }
0x1cd: {  	_ =	swait.ge [sflag:s7], $0xC350  }
0x1ce: {  	s0 =	sld [smem:$0x7F6]  }
0x1cf: {  	[sflag:s7] =	ssyncset.done $0x0  }
0x1d0: {  	[sflag:s7] =	ssyncadd.s32 $0xFFFF3CB0  }
0x1d1: {  	[tilespmem:s12], [sflag:$0x1] =	stream.indirect.gather [hbm4b:s3+s6], $0x3E8, s0, s6, $0xb8;
	[tilespmem:$0x18DA0] =	vst v63  }
0x1d2: {  	s13 =	rddreg [dreg:$0xb]  }
0x1d3: {  	[hbm4b:s13+s2] =	stream.linear.scatter [tilespmem:s4], [sflag:$0x4], $0xC350, $0x38;
	[tilespmem:$0x18DA0] =	vst v63  }
0x1d4: {  	_ =	swait.ge [sflag:s11], $0xBF68  }
0x1d5: {  	[sflag:s11] =	ssyncset.done $0x0  }
0x1d6: {  	[sflag:s11] =	ssyncadd.s32 $0xFFFF4098  }
0x1d7: {  	_ =	swait.ge [sflag:s8], $0xC350  }
0x1d8: {  	s0 =	sld [smem:$0x7F7]  }
0x1d9: {  	[sflag:s8] =	ssyncset.done $0x0  }
0x1da: {  	[sflag:s8] =	ssyncadd.s32 $0xFFFF3CB0  }
0x1db: {  	[tilespmem:s10], [sflag:$0x2] =	stream.indirect.gather [hbm4b:s3+s6], $0x3E8, s0, s6, $0xb8;
	[tilespmem:$0x18DA0] =	vst v63  }
0x1dc: {  	s13 =	rddreg [dreg:$0xc]  }
0x1dd: {  	[hbm4b:s13+s2] =	stream.linear.scatter [tilespmem:s5], [sflag:$0x3], $0xC350, $0x38;
	[tilespmem:$0x18DA0] =	vst v63  }
0x1de: {  	_ =	swait.ge [sflag:s9], $0xBF68  }
0x1df: {  	[sflag:s9] =	ssyncset.done $0x0  }
0x1e0: {  	[sflag:s9] =	ssyncadd.s32 $0xFFFF4098  }
0x1e1: {  	_ =	swait.ge [sflag:s7], $0xC350  }
0x1e2: {  	s0 =	sld [smem:$0x7F8]  }
0x1e3: {  	[sflag:s7] =	ssyncset.done $0x0  }
0x1e4: {  	[sflag:s7] =	ssyncadd.s32 $0xFFFF3CB0  }
0x1e5: {  	[tilespmem:s12], [sflag:$0x1] =	stream.indirect.gather [hbm4b:s3+s6], $0x3E8, s0, s6, $0xb8;
	[tilespmem:$0x18DA0] =	vst v63  }
0x1e6: {  	s13 =	rddreg [dreg:$0xd]  }
0x1e7: {  	[hbm4b:s13+s2] =	stream.linear.scatter [tilespmem:s4], [sflag:$0x4], $0xC350, $0x38;
	[tilespmem:$0x18DA0] =	vst v63  }
0x1e8: {  	_ =	swait.ge [sflag:s11], $0xBF68  }
0x1e9: {  	[sflag:s11] =	ssyncset.done $0x0  }
0x1ea: {  	[sflag:s11] =	ssyncadd.s32 $0xFFFF4098  }
0x1eb: {  	_ =	swait.ge [sflag:s8], $0xC350  }
0x1ec: {  	s0 =	sld [smem:$0x7F9]  }
0x1ed: {  	[sflag:s8] =	ssyncset.done $0x0  }
0x1ee: {  	[sflag:s8] =	ssyncadd.s32 $0xFFFF3CB0  }
0x1ef: {  	[tilespmem:s10], [sflag:$0x2] =	stream.indirect.gather [hbm4b:s3+s6], $0x3E8, s0, s6, $0xb8;
	[tilespmem:$0x18DA0] =	vst v63  }
0x1f0: {  	s13 =	rddreg [dreg:$0xe]  }
0x1f1: {  	[hbm4b:s13+s2] =	stream.linear.scatter [tilespmem:s5], [sflag:$0x3], $0xC350, $0x38;
	[tilespmem:$0x18DA0] =	vst v63  }
0x1f2: {  	_ =	swait.ge [sflag:s9], $0xBF68  }
0x1f3: {  	[sflag:s9] =	ssyncset.done $0x0  }
0x1f4: {  	[sflag:s9] =	ssyncadd.s32 $0xFFFF4098  }
0x1f5: {  	_ =	swait.ge [sflag:s7], $0xC350  }
0x1f6: {  	s0 =	sld [smem:$0x7FA]  }
0x1f7: {  	[sflag:s7] =	ssyncset.done $0x0  }
0x1f8: {  	[sflag:s7] =	ssyncadd.s32 $0xFFFF3CB0  }
0x1f9: {  	[tilespmem:s12], [sflag:$0x1] =	stream.indirect.gather [hbm4b:s3+s6], $0x3E8, s0, s6, $0xb8;
	[tilespmem:$0x18DA0] =	vst v63  }
0x1fa: {  	s13 =	rddreg [dreg:$0xf]  }
0x1fb: {  	[hbm4b:s13+s2] =	stream.linear.scatter [tilespmem:s4], [sflag:$0x4], $0xC350, $0x38;
	[tilespmem:$0x18DA0] =	vst v63  }
0x1fc: {  	_ =	swait.ge [sflag:s11], $0xBF68  }
0x1fd: {  	[sflag:s11] =	ssyncset.done $0x0  }
0x1fe: {  	[sflag:s11] =	ssyncadd.s32 $0xFFFF4098  }
0x1ff: {  	_ =	swait.ge [sflag:s8], $0xC350  }
0x200: {  	s0 =	sld [smem:$0x7FB]  }
0x201: {  	[sflag:s8] =	ssyncset.done $0x0  }
0x202: {  	[sflag:s8] =	ssyncadd.s32 $0xFFFF3CB0  }
0x203: {  	[tilespmem:s10], [sflag:$0x2] =	stream.indirect.gather [hbm4b:s3+s6], $0x3E8, s0, s6, $0xb8;
	[tilespmem:$0x18DA0] =	vst v63  }
0x204: {  	s13 =	rddreg [dreg:$0x10]  }
0x205: {  	[hbm4b:s13+s2] =	stream.linear.scatter [tilespmem:s5], [sflag:$0x3], $0xC350, $0x38;
	[tilespmem:$0x18DA0] =	vst v63  }
0x206: {  	_ =	swait.ge [sflag:s9], $0xBF68  }
0x207: {  	[sflag:s9] =	ssyncset.done $0x0  }
0x208: {  	[sflag:s9] =	ssyncadd.s32 $0xFFFF4098  }
0x209: {  	_ =	swait.ge [sflag:s7], $0xC350  }
0x20a: {  	s0 =	sld [smem:$0x7FC]  }
0x20b: {  	[sflag:s7] =	ssyncset.done $0x0  }
0x20c: {  	[sflag:s7] =	ssyncadd.s32 $0xFFFF3CB0  }
0x20d: {  	[tilespmem:s12], [sflag:$0x1] =	stream.indirect.gather [hbm4b:s3+s6], $0x3E8, s0, s6, $0xb8;
	[tilespmem:$0x18DA0] =	vst v63  }
0x20e: {  	s13 =	rddreg [dreg:$0x11]  }
0x20f: {  	[hbm4b:s13+s2] =	stream.linear.scatter [tilespmem:s4], [sflag:$0x4], $0xC350, $0x38;
	[tilespmem:$0x18DA0] =	vst v63  }
0x210: {  	_ =	swait.ge [sflag:s11], $0xBF68  }
0x211: {  	[sflag:s11] =	ssyncset.done $0x0  }
0x212: {  	[sflag:s11] =	ssyncadd.s32 $0xFFFF4098  }
0x213: {  	_ =	swait.ge [sflag:s8], $0xC350  }
0x214: {  	s0 =	sld [smem:$0x7FD]  }
0x215: {  	[sflag:s8] =	ssyncset.done $0x0  }
0x216: {  	[sflag:s8] =	ssyncadd.s32 $0xFFFF3CB0  }
0x217: {  	[tilespmem:s10], [sflag:$0x2] =	stream.indirect.gather [hbm4b:s3+s6], $0x3E8, s0, s6, $0xb8;
	[tilespmem:$0x18DA0] =	vst v63  }
0x218: {  	s13 =	rddreg [dreg:$0x12]  }
0x219: {  	[hbm4b:s13+s2] =	stream.linear.scatter [tilespmem:s5], [sflag:$0x3], $0xC350, $0x38;
	[tilespmem:$0x18DA0] =	vst v63  }
0x21a: {  	_ =	swait.ge [sflag:s9], $0xBF68  }
0x21b: {  	[sflag:s9] =	ssyncset.done $0x0  }
0x21c: {  	[sflag:s9] =	ssyncadd.s32 $0xFFFF4098  }
0x21d: {  	_ =	swait.ge [sflag:s7], $0xC350  }
0x21e: {  	[sflag:s7] =	ssyncset.done $0x0  }
0x21f: {  	s13 =	simm.s32 $0x380;
	[sflag:s7] =	ssyncadd.s32 $0xFFFF3CB0  }
0x220: {  	[tilespmem:s12], [sflag:$0x1] =	stream.indirect.gather [hbm4b:s3+s6], $0x3E8, s13, s6, $0xb8;
	[tilespmem:$0x18DA0] =	vst v63  }
0x221: {  	s0 =	rddreg [dreg:$0x13]  }
0x222: {  	[hbm4b:s0+s2] =	stream.linear.scatter [tilespmem:s4], [sflag:$0x4], $0xC350, $0x38;
	[tilespmem:$0x18DA0] =	vst v63  }
0x223: {  	_ =	swait.ge [sflag:s11], $0xBF68  }
0x224: {  	[sflag:s11] =	ssyncset.done $0x0  }
0x225: {  	[sflag:s11] =	ssyncadd.s32 $0xFFFF4098  }
0x226: {  	_ =	swait.ge [sflag:s8], $0xC350  }
0x227: {  	[sflag:s8] =	ssyncset.done $0x0  }
0x228: {  	[sflag:s8] =	ssyncadd.s32 $0xFFFF3CB0  }
0x229: {  	[tilespmem:s10], [sflag:$0x2] =	stream.indirect.gather [hbm4b:s3+s6], $0x3E8, s29, s6, $0xb8;
	[tilespmem:$0x18DA0] =	vst v63  }
0x22a: {  	s13 =	rddreg [dreg:$0x14]  }
0x22b: {  	[hbm4b:s13+s2] =	stream.linear.scatter [tilespmem:s5], [sflag:$0x3], $0xC350, $0x38;
	[tilespmem:$0x18DA0] =	vst v63  }
0x22c: {  	_ =	swait.ge [sflag:s9], $0xBF68  }
0x22d: {  	[sflag:s9] =	ssyncset.done $0x0  }
0x22e: {  	[sflag:s9] =	ssyncadd.s32 $0xFFFF4098  }
0x22f: {  	_ =	swait.ge [sflag:s7], $0xC350  }
0x230: {  	[sflag:s7] =	ssyncset.done $0x0  }
0x231: {  	[sflag:s7] =	ssyncadd.s32 $0xFFFF3CB0  }
0x232: {  	[tilespmem:s12], [sflag:$0x1] =	stream.indirect.gather [hbm4b:s3+s6], $0x3E8, s28, s6, $0xb8;
	[tilespmem:$0x18DA0] =	vst v63  }
0x233: {  	s13 =	rddreg [dreg:$0x15]  }
0x234: {  	[hbm4b:s13+s2] =	stream.linear.scatter [tilespmem:s4], [sflag:$0x4], $0xC350, $0x38;
	[tilespmem:$0x18DA0] =	vst v63  }
0x235: {  	_ =	swait.ge [sflag:s11], $0xBF68  }
0x236: {  	[sflag:s11] =	ssyncset.done $0x0  }
0x237: {  	[sflag:s11] =	ssyncadd.s32 $0xFFFF4098  }
0x238: {  	_ =	swait.ge [sflag:s8], $0xC350  }
0x239: {  	[sflag:s8] =	ssyncset.done $0x0  }
0x23a: {  	[sflag:s8] =	ssyncadd.s32 $0xFFFF3CB0  }
0x23b: {  	[tilespmem:s10], [sflag:$0x2] =	stream.indirect.gather [hbm4b:s3+s6], $0x3E8, s26, s6, $0xb8;
	[tilespmem:$0x18DA0] =	vst v63  }
0x23c: {  	s13 =	rddreg [dreg:$0x16]  }
0x23d: {  	[hbm4b:s13+s2] =	stream.linear.scatter [tilespmem:s5], [sflag:$0x3], $0xC350, $0x38;
	[tilespmem:$0x18DA0] =	vst v63  }
0x23e: {  	_ =	swait.ge [sflag:s9], $0xBF68  }
0x23f: {  	[sflag:s9] =	ssyncset.done $0x0  }
0x240: {  	[sflag:s9] =	ssyncadd.s32 $0xFFFF4098  }
0x241: {  	_ =	swait.ge [sflag:s7], $0xC350  }
0x242: {  	[sflag:s7] =	ssyncset.done $0x0  }
0x243: {  	[sflag:s7] =	ssyncadd.s32 $0xFFFF3CB0  }
0x244: {  	[tilespmem:s12], [sflag:$0x1] =	stream.indirect.gather [hbm4b:s3+s6], $0x3E8, s25, s6, $0xb8;
	[tilespmem:$0x18DA0] =	vst v63  }
0x245: {  	s13 =	rddreg [dreg:$0x17]  }
0x246: {  	[hbm4b:s13+s2] =	stream.linear.scatter [tilespmem:s4], [sflag:$0x4], $0xC350, $0x38;
	[tilespmem:$0x18DA0] =	vst v63  }
0x247: {  	_ =	swait.ge [sflag:s11], $0xBF68  }
0x248: {  	[sflag:s11] =	ssyncset.done $0x0  }
0x249: {  	[sflag:s11] =	ssyncadd.s32 $0xFFFF4098  }
0x24a: {  	_ =	swait.ge [sflag:s8], $0xC350  }
0x24b: {  	[sflag:s8] =	ssyncset.done $0x0  }
0x24c: {  	[sflag:s8] =	ssyncadd.s32 $0xFFFF3CB0  }
0x24d: {  	[tilespmem:s10], [sflag:$0x2] =	stream.indirect.gather [hbm4b:s3+s6], $0x3E8, s24, s6, $0xb8;
	[tilespmem:$0x18DA0] =	vst v63  }
0x24e: {  	s13 =	rddreg [dreg:$0x18]  }
0x24f: {  	[hbm4b:s13+s2] =	stream.linear.scatter [tilespmem:s5], [sflag:$0x3], $0xC350, $0x38;
	[tilespmem:$0x18DA0] =	vst v63  }
0x250: {  	_ =	swait.ge [sflag:s9], $0xBF68  }
0x251: {  	[sflag:s9] =	ssyncset.done $0x0  }
0x252: {  	[sflag:s9] =	ssyncadd.s32 $0xFFFF4098  }
0x253: {  	_ =	swait.ge [sflag:s7], $0xC350  }
0x254: {  	[sflag:s7] =	ssyncset.done $0x0  }
0x255: {  	[sflag:s7] =	ssyncadd.s32 $0xFFFF3CB0  }
0x256: {  	[tilespmem:s12], [sflag:$0x1] =	stream.indirect.gather [hbm4b:s3+s6], $0x3E8, s23, s6, $0xb8;
	[tilespmem:$0x18DA0] =	vst v63  }
0x257: {  	s13 =	rddreg [dreg:$0x19]  }
0x258: {  	[hbm4b:s13+s2] =	stream.linear.scatter [tilespmem:s4], [sflag:$0x4], $0xC350, $0x38;
	[tilespmem:$0x18DA0] =	vst v63  }
0x259: {  	_ =	swait.ge [sflag:s11], $0xBF68  }
0x25a: {  	[sflag:s11] =	ssyncset.done $0x0  }
0x25b: {  	[sflag:s11] =	ssyncadd.s32 $0xFFFF4098  }
0x25c: {  	_ =	swait.ge [sflag:s8], $0xC350  }
0x25d: {  	[sflag:s8] =	ssyncset.done $0x0  }
0x25e: {  	[sflag:s8] =	ssyncadd.s32 $0xFFFF3CB0  }
0x25f: {  	[tilespmem:s10], [sflag:$0x2] =	stream.indirect.gather [hbm4b:s3+s6], $0x3E8, s22, s6, $0xb8;
	[tilespmem:$0x18DA0] =	vst v63  }
0x260: {  	s13 =	rddreg [dreg:$0x1a]  }
0x261: {  	[hbm4b:s13+s2] =	stream.linear.scatter [tilespmem:s5], [sflag:$0x3], $0xC350, $0x38;
	[tilespmem:$0x18DA0] =	vst v63  }
0x262: {  	_ =	swait.ge [sflag:s9], $0xBF68  }
0x263: {  	[sflag:s9] =	ssyncset.done $0x0  }
0x264: {  	[sflag:s9] =	ssyncadd.s32 $0xFFFF4098  }
0x265: {  	_ =	swait.ge [sflag:s7], $0xC350  }
0x266: {  	[sflag:s7] =	ssyncset.done $0x0  }
0x267: {  	[sflag:s7] =	ssyncadd.s32 $0xFFFF3CB0  }
0x268: {  	[tilespmem:s12], [sflag:$0x1] =	stream.indirect.gather [hbm4b:s3+s6], $0x3E8, s21, s6, $0xb8;
	[tilespmem:$0x18DA0] =	vst v63  }
0x269: {  	s13 =	rddreg [dreg:$0x1b]  }
0x26a: {  	[hbm4b:s13+s2] =	stream.linear.scatter [tilespmem:s4], [sflag:$0x4], $0xC350, $0x38;
	[tilespmem:$0x18DA0] =	vst v63  }
0x26b: {  	_ =	swait.ge [sflag:s11], $0xBF68  }
0x26c: {  	[sflag:s11] =	ssyncset.done $0x0  }
0x26d: {  	[sflag:s11] =	ssyncadd.s32 $0xFFFF4098  }
0x26e: {  	_ =	swait.ge [sflag:s8], $0xC350  }
0x26f: {  	[sflag:s8] =	ssyncset.done $0x0  }
0x270: {  	[sflag:s8] =	ssyncadd.s32 $0xFFFF3CB0  }
0x271: {  	[tilespmem:s10], [sflag:$0x2] =	stream.indirect.gather [hbm4b:s3+s6], $0x3E8, s20, s6, $0xb8;
	[tilespmem:$0x18DA0] =	vst v63  }
0x272: {  	s13 =	rddreg [dreg:$0x1c]  }
0x273: {  	[hbm4b:s13+s2] =	stream.linear.scatter [tilespmem:s5], [sflag:$0x3], $0xC350, $0x38;
	[tilespmem:$0x18DA0] =	vst v63  }
0x274: {  	_ =	swait.ge [sflag:s9], $0xBF68  }
0x275: {  	[sflag:s9] =	ssyncset.done $0x0  }
0x276: {  	[sflag:s9] =	ssyncadd.s32 $0xFFFF4098  }
0x277: {  	_ =	swait.ge [sflag:s7], $0xC350  }
0x278: {  	[sflag:s7] =	ssyncset.done $0x0  }
0x279: {  	[sflag:s7] =	ssyncadd.s32 $0xFFFF3CB0  }
0x27a: {  	[tilespmem:s12], [sflag:$0x1] =	stream.indirect.gather [hbm4b:s3+s6], $0x3E8, s19, s6, $0xb8;
	[tilespmem:$0x18DA0] =	vst v63  }
0x27b: {  	s13 =	rddreg [dreg:$0x1d]  }
0x27c: {  	[hbm4b:s13+s2] =	stream.linear.scatter [tilespmem:s4], [sflag:$0x4], $0xC350, $0x38;
	[tilespmem:$0x18DA0] =	vst v63  }
0x27d: {  	_ =	swait.ge [sflag:s11], $0xBF68  }
0x27e: {  	[sflag:s11] =	ssyncset.done $0x0  }
0x27f: {  	[sflag:s11] =	ssyncadd.s32 $0xFFFF4098  }
0x280: {  	_ =	swait.ge [sflag:s8], $0xC350  }
0x281: {  	[sflag:s8] =	ssyncset.done $0x0  }
0x282: {  	[sflag:s8] =	ssyncadd.s32 $0xFFFF3CB0  }
0x283: {  	[tilespmem:s10], [sflag:$0x2] =	stream.indirect.gather [hbm4b:s3+s6], $0x3E8, s18, s6, $0xb8;
	[tilespmem:$0x18DA0] =	vst v63  }
0x284: {  	s13 =	rddreg [dreg:$0x1e]  }
0x285: {  	[hbm4b:s13+s2] =	stream.linear.scatter [tilespmem:s5], [sflag:$0x3], $0xC350, $0x38;
	[tilespmem:$0x18DA0] =	vst v63  }
0x286: {  	_ =	swait.ge [sflag:s9], $0xBF68  }
0x287: {  	[sflag:s9] =	ssyncset.done $0x0  }
0x288: {  	[sflag:s9] =	ssyncadd.s32 $0xFFFF4098  }
0x289: {  	_ =	swait.ge [sflag:s7], $0xC350  }
0x28a: {  	[sflag:s7] =	ssyncset.done $0x0  }
0x28b: {  	[sflag:s7] =	ssyncadd.s32 $0xFFFF3CB0  }
0x28c: {  	[tilespmem:s12], [sflag:$0x1] =	stream.indirect.gather [hbm4b:s3+s6], $0x3E8, s17, s6, $0xb8;
	[tilespmem:$0x18DA0] =	vst v63  }
0x28d: {  	s13 =	rddreg [dreg:$0x1f]  }
0x28e: {  	[hbm4b:s13+s2] =	stream.linear.scatter [tilespmem:s4], [sflag:$0x4], $0xC350, $0x38;
	[tilespmem:$0x18DA0] =	vst v63  }
0x28f: {  	_ =	swait.ge [sflag:s11], $0xBF68  }
0x290: {  	[sflag:s11] =	ssyncset.done $0x0  }
0x291: {  	[sflag:s11] =	ssyncadd.s32 $0xFFFF4098  }
0x292: {  	_ =	swait.ge [sflag:s8], $0xC350  }
0x293: {  	[sflag:s8] =	ssyncset.done $0x0  }
0x294: {  	s13 =	sld [smem:$0x7EB];
	[sflag:s8] =	ssyncadd.s32 $0xFFFF3CB0  }
0x295: {  	[tilespmem:s10], [sflag:$0x2] =	stream.indirect.gather [hbm4b:s3+s6], $0x3E8, s16, s6, $0xb8;
	[tilespmem:$0x18DA0] =	vst v63  }
0x296: {  	_ = 	snop  }
0x297: {  	[hbm4b:s13+s2] =	stream.linear.scatter [tilespmem:s5], [sflag:$0x3], $0xC350, $0x38;
	[tilespmem:$0x18DA0] =	vst v63  }
0x298: {  	_ =	swait.ge [sflag:s9], $0xBF68  }
0x299: {  	[sflag:s9] =	ssyncset.done $0x0  }
0x29a: {  	[sflag:s9] =	ssyncadd.s32 $0xFFFF4098  }
0x29b: {  	_ =	swait.ge [sflag:s7], $0xC350  }
0x29c: {  	[sflag:s7] =	ssyncset.done $0x0  }
0x29d: {  	s13 =	sld [smem:$0x7EC];
	[sflag:s7] =	ssyncadd.s32 $0xFFFF3CB0  }
0x29e: {  	[tilespmem:s12], [sflag:$0x1] =	stream.indirect.gather [hbm4b:s3+s6], $0x3E8, s15, s6, $0xb8;
	[tilespmem:$0x18DA0] =	vst v63  }
0x29f: {  	_ = 	snop  }
0x2a0: {  	[hbm4b:s13+s2] =	stream.linear.scatter [tilespmem:s4], [sflag:$0x4], $0xC350, $0x38;
	[tilespmem:$0x18DA0] =	vst v63  }
0x2a1: {  	_ =	swait.ge [sflag:s11], $0xBF68  }
0x2a2: {  	[sflag:s11] =	ssyncset.done $0x0  }
0x2a3: {  	[sflag:s11] =	ssyncadd.s32 $0xFFFF4098  }
0x2a4: {  	_ =	swait.ge [sflag:s8], $0xC350  }
0x2a5: {  	[sflag:s8] =	ssyncset.done $0x0  }
0x2a6: {  	s13 =	sld [smem:$0x7ED];
	[sflag:s8] =	ssyncadd.s32 $0xFFFF3CB0  }
0x2a7: {  	[tilespmem:s10], [sflag:$0x2] =	stream.indirect.gather [hbm4b:s3+s6], $0x3E8, s14, s6, $0xb8;
	[tilespmem:$0x18DA0] =	vst v63  }
0x2a8: {  	_ = 	snop  }
0x2a9: {  	[hbm4b:s13+s2] =	stream.linear.scatter [tilespmem:s5], [sflag:$0x3], $0xC350, $0x38;
	[tilespmem:$0x18DA0] =	vst v63  }
0x2aa: {  	_ =	swait.ge [sflag:s9], $0xBF68  }
0x2ab: {  	s13 =	sld [smem:$0x7EE]  }
0x2ac: {  	[sflag:s9] =	ssyncset.done $0x0  }
0x2ad: {  	p1 =	sne.s32 s1, $0x1;
	[sflag:s9] =	ssyncadd.s32 $0xFFFF4098  }
0x2ae: {  	[hbm4b:s13+s2] =	stream.linear.scatter [tilespmem:s4], [sflag:$0x4], $0xC350, $0x38;
	[tilespmem:$0x18DA0] =	vst v63  }
.Ltmp2:
0x2af: {  	_ =	swait.ge [sflag:s7], $0xC350;
	(pc) =	sbr.rel @p1 .LBB2_4-.Ltmp2, $4  }
0x2b0: {  	[sflag:s7] =	ssyncset.done $0x0  }
0x2b1: {  	[sflag:s7] =	ssyncadd.s32 $0xFFFF3CB0  }
0x2b2: {  	_ =	swait.ge [sflag:s8], $0xC350  }
0x2b3: {  	s1 =	sadd.s32 $0xFFFFFFFF, s1;
	s0 =	rddreg [dreg:$0x3];
	[sflag:s8] =	ssyncset.done $0x0  }
0x2b4: {  	s14 =	simm.s32 $0x380  }
0x2b5: {  	s29 =	simm.s32 $0x3B8;
	s28 =	simm.s32 $0x3F0;
	s26 =	simm.s32 $0x428  }
0x2b6: {  	s25 =	simm.s32 $0x460;
	s24 =	simm.s32 $0x498;
	s23 =	simm.s32 $0x4D0  }
0x2b7: {  	s22 =	simm.s32 $0x508;
	s21 =	simm.s32 $0x540;
	s20 =	simm.s32 $0x578  }
0x2b8: {  	s19 =	simm.s32 $0x5B0;
	s18 =	simm.s32 $0x5E8;
	s17 =	simm.s32 $0x620  }
0x2b9: {  	s16 =	simm.s32 $0x658;
	s15 =	simm.s32 $0x690;
	s13 =	stileid.u32  }
.LBB2_6:
0x2ba: {  	[sflag:s8] =	ssyncadd.s32 @p0 $0xFFFF3CB0  }
0x2bb: {  	[tilespmem:s2], [sflag:$0x5] =	stream.linear.gather [hbm4b:s0+s2], $0x700, $0x38;
	[tilespmem:$0x18DA0] =	vst v63  }
0x2bc: {  	_ =	swait.ge [sflag:s31], $0x700  }
0x2bd: {  	[sflag:s31] =	ssyncset.done $0x0  }
0x2be: {  	[sflag:s31] =	ssyncadd.s32 $0xFFFFF900  }
0x2bf: {  	[tilespmem:s5], [sflag:$0x5] =	stream.linear.gather [hbm4b:s30+s2], $0x3E8, $0x38;
	[tilespmem:$0x18DA0] =	vst v63  }
0x2c0: {  	_ =	swait.ge [sflag:s31], $0x3E8  }
0x2c1: {  	[sflag:s31] =	ssyncset.done $0x0  }
0x2c2: {  	[sflag:s31] =	ssyncadd.s32 $0xFFFFFC18  }
0x2c3: {  	[tilespmem:s4], [sflag:$0x5] =	stream.linear.gather [hbm4b:s30+s2], $0x3E8, $0x38;
	[tilespmem:$0x18DA0] =	vst v63  }
0x2c4: {  	_ =	swait.ge [sflag:s31], $0x3E8  }
0x2c5: {  	[sflag:s31] =	ssyncset.done $0x0  }
0x2c6: {  	[sflag:s31] =	ssyncadd.s32 $0xFFFFFC18  }
0x2c7: {  	[tilespmem:s12], [sflag:$0x1] =	stream.indirect.gather [hbm4b:s3+s6], $0x3E8, s2, s6, $0xb8;
	[tilespmem:$0x18DA0] =	vst v63  }
0x2c8: {  	_ =	swait.ge [sflag:s11], $0xBF68  }
0x2c9: {  	s31 =	sld [smem:$0x7EF]  }
0x2ca: {  	[sflag:s11] =	ssyncset.done $0x0  }
0x2cb: {  	[sflag:s11] =	ssyncadd.s32 $0xFFFF4098  }
0x2cc: {  	[tilespmem:s10], [sflag:$0x2] =	stream.indirect.gather [hbm4b:s3+s6], $0x3E8, s31, s6, $0xb8;
	[tilespmem:$0x18DA0] =	vst v63  }
0x2cd: {  	s1 =	rddreg [dreg:$0x4]  }
0x2ce: {  	[hbm4b:s1+s2] =	stream.linear.scatter [tilespmem:s5], [sflag:$0x3], $0xC350, $0x38;
	[tilespmem:$0x18DA0] =	vst v63  }
0x2cf: {  	_ =	swait.ge [sflag:s9], $0xBF68  }
0x2d0: {  	[sflag:s9] =	ssyncset.done $0x0  }
0x2d1: {  	[sflag:s9] =	ssyncadd.s32 $0xFFFF4098  }
0x2d2: {  	_ =	swait.ge [sflag:s7], $0xC350  }
0x2d3: {  	s30 =	sld [smem:$0x7F0]  }
0x2d4: {  	[sflag:s7] =	ssyncset.done $0x0  }
0x2d5: {  	[sflag:s7] =	ssyncadd.s32 $0xFFFF3CB0  }
0x2d6: {  	[tilespmem:s12], [sflag:$0x1] =	stream.indirect.gather [hbm4b:s3+s6], $0x3E8, s30, s6, $0xb8;
	[tilespmem:$0x18DA0] =	vst v63  }
0x2d7: {  	s31 =	rddreg [dreg:$0x5]  }
0x2d8: {  	[hbm4b:s31+s2] =	stream.linear.scatter [tilespmem:s4], [sflag:$0x4], $0xC350, $0x38;
	[tilespmem:$0x18DA0] =	vst v63  }
0x2d9: {  	_ =	swait.ge [sflag:s11], $0xBF68  }
0x2da: {  	[sflag:s11] =	ssyncset.done $0x0  }
0x2db: {  	[sflag:s11] =	ssyncadd.s32 $0xFFFF4098  }
0x2dc: {  	_ =	swait.ge [sflag:s8], $0xC350  }
0x2dd: {  	s30 =	sld [smem:$0x7F1]  }
0x2de: {  	[sflag:s8] =	ssyncset.done $0x0  }
0x2df: {  	[sflag:s8] =	ssyncadd.s32 $0xFFFF3CB0  }
0x2e0: {  	[tilespmem:s10], [sflag:$0x2] =	stream.indirect.gather [hbm4b:s3+s6], $0x3E8, s30, s6, $0xb8;
	[tilespmem:$0x18DA0] =	vst v63  }
0x2e1: {  	s31 =	rddreg [dreg:$0x6]  }
0x2e2: {  	[hbm4b:s31+s2] =	stream.linear.scatter [tilespmem:s5], [sflag:$0x3], $0xC350, $0x38;
	[tilespmem:$0x18DA0] =	vst v63  }
0x2e3: {  	_ =	swait.ge [sflag:s9], $0xBF68  }
0x2e4: {  	[sflag:s9] =	ssyncset.done $0x0  }
0x2e5: {  	[sflag:s9] =	ssyncadd.s32 $0xFFFF4098  }
0x2e6: {  	_ =	swait.ge [sflag:s7], $0xC350  }
0x2e7: {  	s30 =	sld [smem:$0x7F2]  }
0x2e8: {  	[sflag:s7] =	ssyncset.done $0x0  }
0x2e9: {  	[sflag:s7] =	ssyncadd.s32 $0xFFFF3CB0  }
0x2ea: {  	[tilespmem:s12], [sflag:$0x1] =	stream.indirect.gather [hbm4b:s3+s6], $0x3E8, s30, s6, $0xb8;
	[tilespmem:$0x18DA0] =	vst v63  }
0x2eb: {  	s31 =	rddreg [dreg:$0x7]  }
0x2ec: {  	[hbm4b:s31+s2] =	stream.linear.scatter [tilespmem:s4], [sflag:$0x4], $0xC350, $0x38;
	[tilespmem:$0x18DA0] =	vst v63  }
0x2ed: {  	_ =	swait.ge [sflag:s11], $0xBF68  }
0x2ee: {  	[sflag:s11] =	ssyncset.done $0x0  }
0x2ef: {  	[sflag:s11] =	ssyncadd.s32 $0xFFFF4098  }
0x2f0: {  	_ =	swait.ge [sflag:s8], $0xC350  }
0x2f1: {  	s30 =	sld [smem:$0x7F3]  }
0x2f2: {  	[sflag:s8] =	ssyncset.done $0x0  }
0x2f3: {  	[sflag:s8] =	ssyncadd.s32 $0xFFFF3CB0  }
0x2f4: {  	[tilespmem:s10], [sflag:$0x2] =	stream.indirect.gather [hbm4b:s3+s6], $0x3E8, s30, s6, $0xb8;
	[tilespmem:$0x18DA0] =	vst v63  }
0x2f5: {  	s31 =	rddreg [dreg:$0x8]  }
0x2f6: {  	[hbm4b:s31+s2] =	stream.linear.scatter [tilespmem:s5], [sflag:$0x3], $0xC350, $0x38;
	[tilespmem:$0x18DA0] =	vst v63  }
0x2f7: {  	_ =	swait.ge [sflag:s9], $0xBF68  }
0x2f8: {  	[sflag:s9] =	ssyncset.done $0x0  }
0x2f9: {  	[sflag:s9] =	ssyncadd.s32 $0xFFFF4098  }
0x2fa: {  	_ =	swait.ge [sflag:s7], $0xC350  }
0x2fb: {  	s30 =	sld [smem:$0x7F4]  }
0x2fc: {  	[sflag:s7] =	ssyncset.done $0x0  }
0x2fd: {  	[sflag:s7] =	ssyncadd.s32 $0xFFFF3CB0  }
0x2fe: {  	[tilespmem:s12], [sflag:$0x1] =	stream.indirect.gather [hbm4b:s3+s6], $0x3E8, s30, s6, $0xb8;
	[tilespmem:$0x18DA0] =	vst v63  }
0x2ff: {  	s31 =	rddreg [dreg:$0x9]  }
0x300: {  	[hbm4b:s31+s2] =	stream.linear.scatter [tilespmem:s4], [sflag:$0x4], $0xC350, $0x38;
	[tilespmem:$0x18DA0] =	vst v63  }
0x301: {  	_ =	swait.ge [sflag:s11], $0xBF68  }
0x302: {  	[sflag:s11] =	ssyncset.done $0x0  }
0x303: {  	[sflag:s11] =	ssyncadd.s32 $0xFFFF4098  }
0x304: {  	_ =	swait.ge [sflag:s8], $0xC350  }
0x305: {  	s30 =	sld [smem:$0x7F5]  }
0x306: {  	[sflag:s8] =	ssyncset.done $0x0  }
0x307: {  	[sflag:s8] =	ssyncadd.s32 $0xFFFF3CB0  }
0x308: {  	[tilespmem:s10], [sflag:$0x2] =	stream.indirect.gather [hbm4b:s3+s6], $0x3E8, s30, s6, $0xb8;
	[tilespmem:$0x18DA0] =	vst v63  }
0x309: {  	s31 =	rddreg [dreg:$0xa]  }
0x30a: {  	[hbm4b:s31+s2] =	stream.linear.scatter [tilespmem:s5], [sflag:$0x3], $0xC350, $0x38;
	[tilespmem:$0x18DA0] =	vst v63  }
0x30b: {  	_ =	swait.ge [sflag:s9], $0xBF68  }
0x30c: {  	[sflag:s9] =	ssyncset.done $0x0  }
0x30d: {  	[sflag:s9] =	ssyncadd.s32 $0xFFFF4098  }
0x30e: {  	_ =	swait.ge [sflag:s7], $0xC350  }
0x30f: {  	s30 =	sld [smem:$0x7F6]  }
0x310: {  	[sflag:s7] =	ssyncset.done $0x0  }
0x311: {  	[sflag:s7] =	ssyncadd.s32 $0xFFFF3CB0  }
0x312: {  	[tilespmem:s12], [sflag:$0x1] =	stream.indirect.gather [hbm4b:s3+s6], $0x3E8, s30, s6, $0xb8;
	[tilespmem:$0x18DA0] =	vst v63  }
0x313: {  	s31 =	rddreg [dreg:$0xb]  }
0x314: {  	[hbm4b:s31+s2] =	stream.linear.scatter [tilespmem:s4], [sflag:$0x4], $0xC350, $0x38;
	[tilespmem:$0x18DA0] =	vst v63  }
0x315: {  	_ =	swait.ge [sflag:s11], $0xBF68  }
0x316: {  	[sflag:s11] =	ssyncset.done $0x0  }
0x317: {  	[sflag:s11] =	ssyncadd.s32 $0xFFFF4098  }
0x318: {  	_ =	swait.ge [sflag:s8], $0xC350  }
0x319: {  	s30 =	sld [smem:$0x7F7]  }
0x31a: {  	[sflag:s8] =	ssyncset.done $0x0  }
0x31b: {  	[sflag:s8] =	ssyncadd.s32 $0xFFFF3CB0  }
0x31c: {  	[tilespmem:s10], [sflag:$0x2] =	stream.indirect.gather [hbm4b:s3+s6], $0x3E8, s30, s6, $0xb8;
	[tilespmem:$0x18DA0] =	vst v63  }
0x31d: {  	s31 =	rddreg [dreg:$0xc]  }
0x31e: {  	[hbm4b:s31+s2] =	stream.linear.scatter [tilespmem:s5], [sflag:$0x3], $0xC350, $0x38;
	[tilespmem:$0x18DA0] =	vst v63  }
0x31f: {  	_ =	swait.ge [sflag:s9], $0xBF68  }
0x320: {  	[sflag:s9] =	ssyncset.done $0x0  }
0x321: {  	[sflag:s9] =	ssyncadd.s32 $0xFFFF4098  }
0x322: {  	_ =	swait.ge [sflag:s7], $0xC350  }
0x323: {  	s30 =	sld [smem:$0x7F8]  }
0x324: {  	[sflag:s7] =	ssyncset.done $0x0  }
0x325: {  	[sflag:s7] =	ssyncadd.s32 $0xFFFF3CB0  }
0x326: {  	[tilespmem:s12], [sflag:$0x1] =	stream.indirect.gather [hbm4b:s3+s6], $0x3E8, s30, s6, $0xb8;
	[tilespmem:$0x18DA0] =	vst v63  }
0x327: {  	s31 =	rddreg [dreg:$0xd]  }
0x328: {  	[hbm4b:s31+s2] =	stream.linear.scatter [tilespmem:s4], [sflag:$0x4], $0xC350, $0x38;
	[tilespmem:$0x18DA0] =	vst v63  }
0x329: {  	_ =	swait.ge [sflag:s11], $0xBF68  }
0x32a: {  	[sflag:s11] =	ssyncset.done $0x0  }
0x32b: {  	[sflag:s11] =	ssyncadd.s32 $0xFFFF4098  }
0x32c: {  	_ =	swait.ge [sflag:s8], $0xC350  }
0x32d: {  	s30 =	sld [smem:$0x7F9]  }
0x32e: {  	[sflag:s8] =	ssyncset.done $0x0  }
0x32f: {  	[sflag:s8] =	ssyncadd.s32 $0xFFFF3CB0  }
0x330: {  	[tilespmem:s10], [sflag:$0x2] =	stream.indirect.gather [hbm4b:s3+s6], $0x3E8, s30, s6, $0xb8;
	[tilespmem:$0x18DA0] =	vst v63  }
0x331: {  	s31 =	rddreg [dreg:$0xe]  }
0x332: {  	[hbm4b:s31+s2] =	stream.linear.scatter [tilespmem:s5], [sflag:$0x3], $0xC350, $0x38;
	[tilespmem:$0x18DA0] =	vst v63  }
0x333: {  	_ =	swait.ge [sflag:s9], $0xBF68  }
0x334: {  	[sflag:s9] =	ssyncset.done $0x0  }
0x335: {  	[sflag:s9] =	ssyncadd.s32 $0xFFFF4098  }
0x336: {  	_ =	swait.ge [sflag:s7], $0xC350  }
0x337: {  	s30 =	sld [smem:$0x7FA]  }
0x338: {  	[sflag:s7] =	ssyncset.done $0x0  }
0x339: {  	[sflag:s7] =	ssyncadd.s32 $0xFFFF3CB0  }
0x33a: {  	[tilespmem:s12], [sflag:$0x1] =	stream.indirect.gather [hbm4b:s3+s6], $0x3E8, s30, s6, $0xb8;
	[tilespmem:$0x18DA0] =	vst v63  }
0x33b: {  	s31 =	rddreg [dreg:$0xf]  }
0x33c: {  	[hbm4b:s31+s2] =	stream.linear.scatter [tilespmem:s4], [sflag:$0x4], $0xC350, $0x38;
	[tilespmem:$0x18DA0] =	vst v63  }
0x33d: {  	_ =	swait.ge [sflag:s11], $0xBF68  }
0x33e: {  	[sflag:s11] =	ssyncset.done $0x0  }
0x33f: {  	[sflag:s11] =	ssyncadd.s32 $0xFFFF4098  }
0x340: {  	_ =	swait.ge [sflag:s8], $0xC350  }
0x341: {  	s30 =	sld [smem:$0x7FB]  }
0x342: {  	[sflag:s8] =	ssyncset.done $0x0  }
0x343: {  	[sflag:s8] =	ssyncadd.s32 $0xFFFF3CB0  }
0x344: {  	[tilespmem:s10], [sflag:$0x2] =	stream.indirect.gather [hbm4b:s3+s6], $0x3E8, s30, s6, $0xb8;
	[tilespmem:$0x18DA0] =	vst v63  }
0x345: {  	s31 =	rddreg [dreg:$0x10]  }
0x346: {  	[hbm4b:s31+s2] =	stream.linear.scatter [tilespmem:s5], [sflag:$0x3], $0xC350, $0x38;
	[tilespmem:$0x18DA0] =	vst v63  }
0x347: {  	_ =	swait.ge [sflag:s9], $0xBF68  }
0x348: {  	[sflag:s9] =	ssyncset.done $0x0  }
0x349: {  	[sflag:s9] =	ssyncadd.s32 $0xFFFF4098  }
0x34a: {  	_ =	swait.ge [sflag:s7], $0xC350  }
0x34b: {  	s30 =	sld [smem:$0x7FC]  }
0x34c: {  	[sflag:s7] =	ssyncset.done $0x0  }
0x34d: {  	[sflag:s7] =	ssyncadd.s32 $0xFFFF3CB0  }
0x34e: {  	[tilespmem:s12], [sflag:$0x1] =	stream.indirect.gather [hbm4b:s3+s6], $0x3E8, s30, s6, $0xb8;
	[tilespmem:$0x18DA0] =	vst v63  }
0x34f: {  	s31 =	rddreg [dreg:$0x11]  }
0x350: {  	[hbm4b:s31+s2] =	stream.linear.scatter [tilespmem:s4], [sflag:$0x4], $0xC350, $0x38;
	[tilespmem:$0x18DA0] =	vst v63  }
0x351: {  	_ =	swait.ge [sflag:s11], $0xBF68  }
0x352: {  	[sflag:s11] =	ssyncset.done $0x0  }
0x353: {  	[sflag:s11] =	ssyncadd.s32 $0xFFFF4098  }
0x354: {  	_ =	swait.ge [sflag:s8], $0xC350  }
0x355: {  	s1 =	sld [smem:$0x7FD]  }
0x356: {  	[sflag:s8] =	ssyncset.done $0x0  }
0x357: {  	[sflag:s8] =	ssyncadd.s32 $0xFFFF3CB0  }
0x358: {  	[tilespmem:s10], [sflag:$0x2] =	stream.indirect.gather [hbm4b:s3+s6], $0x3E8, s1, s6, $0xb8;
	[tilespmem:$0x18DA0] =	vst v63  }
0x359: {  	s30 =	rddreg [dreg:$0x12]  }
0x35a: {  	[hbm4b:s30+s2] =	stream.linear.scatter [tilespmem:s5], [sflag:$0x3], $0xC350, $0x38;
	[tilespmem:$0x18DA0] =	vst v63  }
0x35b: {  	_ =	swait.ge [sflag:s9], $0xBF68  }
0x35c: {  	[sflag:s9] =	ssyncset.done $0x0  }
0x35d: {  	[sflag:s9] =	ssyncadd.s32 $0xFFFF4098  }
0x35e: {  	_ =	swait.ge [sflag:s7], $0xC350  }
0x35f: {  	[sflag:s7] =	ssyncset.done $0x0  }
0x360: {  	[sflag:s7] =	ssyncadd.s32 $0xFFFF3CB0  }
0x361: {  	[tilespmem:s12], [sflag:$0x1] =	stream.indirect.gather [hbm4b:s3+s6], $0x3E8, s14, s6, $0xb8;
	[tilespmem:$0x18DA0] =	vst v63  }
0x362: {  	s31 =	rddreg [dreg:$0x13]  }
0x363: {  	[hbm4b:s31+s2] =	stream.linear.scatter [tilespmem:s4], [sflag:$0x4], $0xC350, $0x38;
	[tilespmem:$0x18DA0] =	vst v63  }
0x364: {  	_ =	swait.ge [sflag:s11], $0xBF68  }
0x365: {  	[sflag:s11] =	ssyncset.done $0x0  }
0x366: {  	[sflag:s11] =	ssyncadd.s32 $0xFFFF4098  }
0x367: {  	_ =	swait.ge [sflag:s8], $0xC350  }
0x368: {  	[sflag:s8] =	ssyncset.done $0x0  }
0x369: {  	[sflag:s8] =	ssyncadd.s32 $0xFFFF3CB0  }
0x36a: {  	[tilespmem:s10], [sflag:$0x2] =	stream.indirect.gather [hbm4b:s3+s6], $0x3E8, s29, s6, $0xb8;
	[tilespmem:$0x18DA0] =	vst v63  }
0x36b: {  	s1 =	rddreg [dreg:$0x14]  }
0x36c: {  	[hbm4b:s1+s2] =	stream.linear.scatter [tilespmem:s5], [sflag:$0x3], $0xC350, $0x38;
	[tilespmem:$0x18DA0] =	vst v63  }
0x36d: {  	_ =	swait.ge [sflag:s9], $0xBF68  }
0x36e: {  	[sflag:s9] =	ssyncset.done $0x0  }
0x36f: {  	[sflag:s9] =	ssyncadd.s32 $0xFFFF4098  }
0x370: {  	_ =	swait.ge [sflag:s7], $0xC350  }
0x371: {  	[sflag:s7] =	ssyncset.done $0x0  }
0x372: {  	[sflag:s7] =	ssyncadd.s32 $0xFFFF3CB0  }
0x373: {  	[tilespmem:s12], [sflag:$0x1] =	stream.indirect.gather [hbm4b:s3+s6], $0x3E8, s28, s6, $0xb8;
	[tilespmem:$0x18DA0] =	vst v63  }
0x374: {  	s14 =	rddreg [dreg:$0x15]  }
0x375: {  	[hbm4b:s14+s2] =	stream.linear.scatter [tilespmem:s4], [sflag:$0x4], $0xC350, $0x38;
	[tilespmem:$0x18DA0] =	vst v63  }
0x376: {  	_ =	swait.ge [sflag:s11], $0xBF68  }
0x377: {  	[sflag:s11] =	ssyncset.done $0x0  }
0x378: {  	[sflag:s11] =	ssyncadd.s32 $0xFFFF4098  }
0x379: {  	_ =	swait.ge [sflag:s8], $0xC350  }
0x37a: {  	[sflag:s8] =	ssyncset.done $0x0  }
0x37b: {  	[sflag:s8] =	ssyncadd.s32 $0xFFFF3CB0  }
0x37c: {  	[tilespmem:s10], [sflag:$0x2] =	stream.indirect.gather [hbm4b:s3+s6], $0x3E8, s26, s6, $0xb8;
	[tilespmem:$0x18DA0] =	vst v63  }
0x37d: {  	s28 =	rddreg [dreg:$0x16]  }
0x37e: {  	[hbm4b:s28+s2] =	stream.linear.scatter [tilespmem:s5], [sflag:$0x3], $0xC350, $0x38;
	[tilespmem:$0x18DA0] =	vst v63  }
0x37f: {  	_ =	swait.ge [sflag:s9], $0xBF68  }
0x380: {  	[sflag:s9] =	ssyncset.done $0x0  }
0x381: {  	[sflag:s9] =	ssyncadd.s32 $0xFFFF4098  }
0x382: {  	_ =	swait.ge [sflag:s7], $0xC350  }
0x383: {  	[sflag:s7] =	ssyncset.done $0x0  }
0x384: {  	[sflag:s7] =	ssyncadd.s32 $0xFFFF3CB0  }
0x385: {  	[tilespmem:s12], [sflag:$0x1] =	stream.indirect.gather [hbm4b:s3+s6], $0x3E8, s25, s6, $0xb8;
	[tilespmem:$0x18DA0] =	vst v63  }
0x386: {  	s29 =	rddreg [dreg:$0x17]  }
0x387: {  	[hbm4b:s29+s2] =	stream.linear.scatter [tilespmem:s4], [sflag:$0x4], $0xC350, $0x38;
	[tilespmem:$0x18DA0] =	vst v63  }
0x388: {  	_ =	swait.ge [sflag:s11], $0xBF68  }
0x389: {  	[sflag:s11] =	ssyncset.done $0x0  }
0x38a: {  	[sflag:s11] =	ssyncadd.s32 $0xFFFF4098  }
0x38b: {  	_ =	swait.ge [sflag:s8], $0xC350  }
0x38c: {  	[sflag:s8] =	ssyncset.done $0x0  }
0x38d: {  	[sflag:s8] =	ssyncadd.s32 $0xFFFF3CB0  }
0x38e: {  	[tilespmem:s10], [sflag:$0x2] =	stream.indirect.gather [hbm4b:s3+s6], $0x3E8, s24, s6, $0xb8;
	[tilespmem:$0x18DA0] =	vst v63  }
0x38f: {  	s30 =	rddreg [dreg:$0x18]  }
0x390: {  	[hbm4b:s30+s2] =	stream.linear.scatter [tilespmem:s5], [sflag:$0x3], $0xC350, $0x38;
	[tilespmem:$0x18DA0] =	vst v63  }
0x391: {  	_ =	swait.ge [sflag:s9], $0xBF68  }
0x392: {  	[sflag:s9] =	ssyncset.done $0x0  }
0x393: {  	[sflag:s9] =	ssyncadd.s32 $0xFFFF4098  }
0x394: {  	_ =	swait.ge [sflag:s7], $0xC350  }
0x395: {  	[sflag:s7] =	ssyncset.done $0x0  }
0x396: {  	[sflag:s7] =	ssyncadd.s32 $0xFFFF3CB0  }
0x397: {  	[tilespmem:s12], [sflag:$0x1] =	stream.indirect.gather [hbm4b:s3+s6], $0x3E8, s23, s6, $0xb8;
	[tilespmem:$0x18DA0] =	vst v63  }
0x398: {  	s31 =	rddreg [dreg:$0x19]  }
0x399: {  	[hbm4b:s31+s2] =	stream.linear.scatter [tilespmem:s4], [sflag:$0x4], $0xC350, $0x38;
	[tilespmem:$0x18DA0] =	vst v63  }
0x39a: {  	_ =	swait.ge [sflag:s11], $0xBF68  }
0x39b: {  	[sflag:s11] =	ssyncset.done $0x0  }
0x39c: {  	[sflag:s11] =	ssyncadd.s32 $0xFFFF4098  }
0x39d: {  	_ =	swait.ge [sflag:s8], $0xC350  }
0x39e: {  	[sflag:s8] =	ssyncset.done $0x0  }
0x39f: {  	[sflag:s8] =	ssyncadd.s32 $0xFFFF3CB0  }
0x3a0: {  	[tilespmem:s10], [sflag:$0x2] =	stream.indirect.gather [hbm4b:s3+s6], $0x3E8, s22, s6, $0xb8;
	[tilespmem:$0x18DA0] =	vst v63  }
0x3a1: {  	s1 =	rddreg [dreg:$0x1a]  }
0x3a2: {  	[hbm4b:s1+s2] =	stream.linear.scatter [tilespmem:s5], [sflag:$0x3], $0xC350, $0x38;
	[tilespmem:$0x18DA0] =	vst v63  }
0x3a3: {  	_ =	swait.ge [sflag:s9], $0xBF68  }
0x3a4: {  	[sflag:s9] =	ssyncset.done $0x0  }
0x3a5: {  	[sflag:s9] =	ssyncadd.s32 $0xFFFF4098  }
0x3a6: {  	_ =	swait.ge [sflag:s7], $0xC350  }
0x3a7: {  	[sflag:s7] =	ssyncset.done $0x0  }
0x3a8: {  	[sflag:s7] =	ssyncadd.s32 $0xFFFF3CB0  }
0x3a9: {  	[tilespmem:s12], [sflag:$0x1] =	stream.indirect.gather [hbm4b:s3+s6], $0x3E8, s21, s6, $0xb8;
	[tilespmem:$0x18DA0] =	vst v63  }
0x3aa: {  	s14 =	rddreg [dreg:$0x1b]  }
0x3ab: {  	[hbm4b:s14+s2] =	stream.linear.scatter [tilespmem:s4], [sflag:$0x4], $0xC350, $0x38;
	[tilespmem:$0x18DA0] =	vst v63  }
0x3ac: {  	_ =	swait.ge [sflag:s11], $0xBF68  }
0x3ad: {  	[sflag:s11] =	ssyncset.done $0x0  }
0x3ae: {  	[sflag:s11] =	ssyncadd.s32 $0xFFFF4098  }
0x3af: {  	_ =	swait.ge [sflag:s8], $0xC350  }
0x3b0: {  	[sflag:s8] =	ssyncset.done $0x0  }
0x3b1: {  	[sflag:s8] =	ssyncadd.s32 $0xFFFF3CB0  }
0x3b2: {  	[tilespmem:s10], [sflag:$0x2] =	stream.indirect.gather [hbm4b:s3+s6], $0x3E8, s20, s6, $0xb8;
	[tilespmem:$0x18DA0] =	vst v63  }
0x3b3: {  	s22 =	rddreg [dreg:$0x1c]  }
0x3b4: {  	[hbm4b:s22+s2] =	stream.linear.scatter [tilespmem:s5], [sflag:$0x3], $0xC350, $0x38;
	[tilespmem:$0x18DA0] =	vst v63  }
0x3b5: {  	_ =	swait.ge [sflag:s9], $0xBF68  }
0x3b6: {  	[sflag:s9] =	ssyncset.done $0x0  }
0x3b7: {  	[sflag:s9] =	ssyncadd.s32 $0xFFFF4098  }
0x3b8: {  	_ =	swait.ge [sflag:s7], $0xC350  }
0x3b9: {  	[sflag:s7] =	ssyncset.done $0x0  }
0x3ba: {  	[sflag:s7] =	ssyncadd.s32 $0xFFFF3CB0  }
0x3bb: {  	[tilespmem:s12], [sflag:$0x1] =	stream.indirect.gather [hbm4b:s3+s6], $0x3E8, s19, s6, $0xb8;
	[tilespmem:$0x18DA0] =	vst v63  }
0x3bc: {  	s23 =	rddreg [dreg:$0x1d]  }
0x3bd: {  	[hbm4b:s23+s2] =	stream.linear.scatter [tilespmem:s4], [sflag:$0x4], $0xC350, $0x38;
	[tilespmem:$0x18DA0] =	vst v63  }
0x3be: {  	_ =	swait.ge [sflag:s11], $0xBF68  }
0x3bf: {  	[sflag:s11] =	ssyncset.done $0x0  }
0x3c0: {  	[sflag:s11] =	ssyncadd.s32 $0xFFFF4098  }
0x3c1: {  	_ =	swait.ge [sflag:s8], $0xC350  }
0x3c2: {  	[sflag:s8] =	ssyncset.done $0x0  }
0x3c3: {  	[sflag:s8] =	ssyncadd.s32 $0xFFFF3CB0  }
0x3c4: {  	[tilespmem:s10], [sflag:$0x2] =	stream.indirect.gather [hbm4b:s3+s6], $0x3E8, s18, s6, $0xb8;
	[tilespmem:$0x18DA0] =	vst v63  }
0x3c5: {  	s24 =	rddreg [dreg:$0x1e]  }
0x3c6: {  	[hbm4b:s24+s2] =	stream.linear.scatter [tilespmem:s5], [sflag:$0x3], $0xC350, $0x38;
	[tilespmem:$0x18DA0] =	vst v63  }
0x3c7: {  	_ =	swait.ge [sflag:s9], $0xBF68  }
0x3c8: {  	[sflag:s9] =	ssyncset.done $0x0  }
0x3c9: {  	[sflag:s9] =	ssyncadd.s32 $0xFFFF4098  }
0x3ca: {  	_ =	swait.ge [sflag:s7], $0xC350  }
0x3cb: {  	[sflag:s7] =	ssyncset.done $0x0  }
0x3cc: {  	[sflag:s7] =	ssyncadd.s32 $0xFFFF3CB0  }
0x3cd: {  	[tilespmem:s12], [sflag:$0x1] =	stream.indirect.gather [hbm4b:s3+s6], $0x3E8, s17, s6, $0xb8;
	[tilespmem:$0x18DA0] =	vst v63  }
0x3ce: {  	s25 =	rddreg [dreg:$0x1f]  }
0x3cf: {  	[hbm4b:s25+s2] =	stream.linear.scatter [tilespmem:s4], [sflag:$0x4], $0xC350, $0x38;
	[tilespmem:$0x18DA0] =	vst v63  }
0x3d0: {  	_ =	swait.ge [sflag:s11], $0xBF68  }
0x3d1: {  	[sflag:s11] =	ssyncset.done $0x0  }
0x3d2: {  	[sflag:s11] =	ssyncadd.s32 $0xFFFF4098  }
0x3d3: {  	_ =	swait.ge [sflag:s8], $0xC350  }
0x3d4: {  	[sflag:s8] =	ssyncset.done $0x0  }
0x3d5: {  	s26 =	sld [smem:$0x7EB];
	[sflag:s8] =	ssyncadd.s32 $0xFFFF3CB0  }
0x3d6: {  	[tilespmem:s10], [sflag:$0x2] =	stream.indirect.gather [hbm4b:s3+s6], $0x3E8, s16, s6, $0xb8;
	[tilespmem:$0x18DA0] =	vst v63  }
0x3d7: {  	_ = 	snop  }
0x3d8: {  	[hbm4b:s26+s2] =	stream.linear.scatter [tilespmem:s5], [sflag:$0x3], $0xC350, $0x38;
	[tilespmem:$0x18DA0] =	vst v63  }
0x3d9: {  	_ =	swait.ge [sflag:s9], $0xBF68  }
0x3da: {  	[sflag:s9] =	ssyncset.done $0x0  }
0x3db: {  	[sflag:s9] =	ssyncadd.s32 $0xFFFF4098  }
0x3dc: {  	_ =	swait.ge [sflag:s7], $0xC350  }
0x3dd: {  	[sflag:s7] =	ssyncset.done $0x0  }
0x3de: {  	s28 =	sld [smem:$0x7EC];
	[sflag:s7] =	ssyncadd.s32 $0xFFFF3CB0  }
0x3df: {  	[tilespmem:s12], [sflag:$0x1] =	stream.indirect.gather [hbm4b:s3+s6], $0x3E8, s15, s6, $0xb8;
	[tilespmem:$0x18DA0] =	vst v63  }
0x3e0: {  	_ = 	snop  }
0x3e1: {  	[hbm4b:s28+s2] =	stream.linear.scatter [tilespmem:s4], [sflag:$0x4], $0xC350, $0x38;
	[tilespmem:$0x18DA0] =	vst v63  }
0x3e2: {  	_ =	swait.ge [sflag:s11], $0xBF68  }
0x3e3: {  	[sflag:s11] =	ssyncset.done $0x0  }
0x3e4: {  	[sflag:s11] =	ssyncadd.s32 $0xFFFF4098  }
0x3e5: {  	_ =	swait.ge [sflag:s8], $0xC350  }
0x3e6: {  	[sflag:s8] =	ssyncset.done $0x0  }
0x3e7: {  	s30 =	simm.s32 $0x6C8;
	s29 =	sld [smem:$0x7ED];
	[sflag:s8] =	ssyncadd.s32 $0xFFFF3CB0  }
0x3e8: {  	[tilespmem:s10], [sflag:$0x2] =	stream.indirect.gather [hbm4b:s3+s6], $0x3E8, s30, s6, $0xb8;
	[tilespmem:$0x18DA0] =	vst v63  }
0x3e9: {  	_ = 	snop  }
0x3ea: {  	[hbm4b:s29+s2] =	stream.linear.scatter [tilespmem:s5], [sflag:$0x3], $0xC350, $0x38;
	[tilespmem:$0x18DA0] =	vst v63  }
0x3eb: {  	_ =	swait.ge [sflag:s9], $0xBF68  }
0x3ec: {  	s31 =	sld [smem:$0x7EE]  }
0x3ed: {  	[sflag:s9] =	ssyncset.done $0x0  }
0x3ee: {  	[sflag:s9] =	ssyncadd.s32 $0xFFFF4098  }
0x3ef: {  	[hbm4b:s31+s2] =	stream.linear.scatter [tilespmem:s4], [sflag:$0x4], $0xC350, $0x38;
	[tilespmem:$0x18DA0] =	vst v63  }
0x3f0: {  	_ =	swait.ge [sflag:s7], $0xC350  }
0x3f1: {  	[sflag:s7] =	ssyncset.done $0x0  }
0x3f2: {  	[sflag:s7] =	ssyncadd.s32 $0xFFFF3CB0  }
0x3f3: {  	_ =	swait.ge [sflag:s8], $0xC350  }
0x3f4: {  	[sflag:s8] =	ssyncset.done $0x0  }
0x3f5: {  	[sflag:s8] =	ssyncadd.s32 $0xFFFF3CB0  }
0x3f6: {  	_ =	sfence.sel $0x180000  }
0x3f7: {  	[bflag:$0x0] =	sbarrier.arrive $0xFFFF  }
0x3f8: {  	_ =	strace $0x90000047  }
0x3f9: {  	[bflag:$0x2] =	sbarrier.arrive $0xFFFF  }
0x3fa: {  	p0 =	sne.s32 s13, $0x0;
	s0 =	rddreg [dreg:$0x2]  }
0x3fb: {  	s0 =	sadd.s32 @!p0 $0x100000, s0  }
0x3fc: {  	[sflag:s0] =	ssyncadd.tile.s32 @!p0 $0x1;
	_ =	shalt  }
.LBB2_1:
0x3fd: {  	s14 =	simm.s32 $0x380  }
.Ltmp3:
0x3fe: {  	s29 =	simm.s32 $0x3B8;
	s28 =	simm.s32 $0x3F0;
	(pc) =	sbr.rel .LBB2_6-.Ltmp3, $4  }
0x3ff: {  	s26 =	simm.s32 $0x428;
	s25 =	simm.s32 $0x460;
	s24 =	simm.s32 $0x498  }
0x400: {  	s23 =	simm.s32 $0x4D0;
	s22 =	simm.s32 $0x508;
	s21 =	simm.s32 $0x540  }
0x401: {  	s20 =	simm.s32 $0x578;
	s19 =	simm.s32 $0x5B0;
	s18 =	simm.s32 $0x5E8  }
0x402: {  	s17 =	simm.s32 $0x620;
	s16 =	simm.s32 $0x658;
	s15 =	simm.s32 $0x690  }
.LBB2_3:
0x403: {  	s14 =	simm.s32 $0x380;
	s29 =	simm.s32 $0x3B8  }
.Ltmp4:
0x404: {  	s28 =	simm.s32 $0x3F0;
	s26 =	simm.s32 $0x428;
	(pc) =	sbr.rel .LBB2_6-.Ltmp4, $4  }
0x405: {  	s25 =	simm.s32 $0x460;
	s24 =	simm.s32 $0x498;
	s23 =	simm.s32 $0x4D0  }
0x406: {  	s22 =	simm.s32 $0x508;
	s21 =	simm.s32 $0x540;
	s20 =	simm.s32 $0x578  }
0x407: {  	s19 =	simm.s32 $0x5B0;
	s18 =	simm.s32 $0x5E8;
	s17 =	simm.s32 $0x620  }
0x408: {  	s16 =	simm.s32 $0x658;
	s15 =	simm.s32 $0x690;
	s13 =	stileid.u32  }
.Lfunc_end2:
_tile_overlayer_lowered:
.L_overlay_start_2:
0x409: {  	(tag) =	ssettag $0x2  }
0x40a: {  	s0 =	rddreg [dreg:$0x0];
	s2 =	stileid.u32  }
0x40b: {  	s1 =	rddreg [dreg:$0x1];
	p0 =	sne.s32 s2, $0x0  }
0x40c: {  	s3 =	rddreg [dreg:$0x2];
	[bflag:$0x3] =	sbarrier.arrive $0xFFFF;
	s2 =	simm.s32 @!p0 $0x1C05  }
0x40d: {  	[timem:s3], [sflag:s2] =	dma.local @!p0 [hbm:s0], s1  }
0x40e: {  	s0 =	simm.s32 @!p0 $0x5  }
0x40f: {  	_ =	swait.ge @!p0 [sflag:s0], s1  }
0x410: {  	s1 =	ssub.s32 @!p0 $0x0, s1;
	[sflag:s0] =	ssyncset.done @!p0 $0x0  }
0x411: {  	[sflag:s0] =	ssyncadd.s32 @!p0 s1  }
0x412: {  	[bflag:$0x3] =	sbarrier.arrive $0xFFFF  }
0x413: {  	_ =	shalt  }

// kernel: sparse-core-data-format-call.cloned.1.call-start
scs
called_computation_lowered:
.L_overlay_start_0:
0x0: {  	s2 =	sld [smem:$0x3FD9]  }
0x1: {  	s3 =	sld [smem:$0x3FFE];
	_ =	sdelay $0x1  }
0x2: {  	s1 =	srdreg.scid  }
0x3: {  	s0 =	sand.u32 $0x1, s1  }
0x4: {  	s18 =	sshll.u32 s0, $0xA;
	s2 =	sadd.s32 s3, s2  }
0x5: {  	s2 =	sadd.s32 s2, s18  }
0x6: {  	[smem:$0x3FC6] =	sst s2  }
0x7: {  	_ = 	snop  }
0x8: {  	s2 =	sld [smem:$0x3FD0];
	(tm) =	ssettm $0x1  }
0x9: {  	s19 =	sld [smem:$0x3FFB];
	_ =	sdelay $0x3  }
0xa: {  	_ =	strace s19  }
0xb: {  	s3 =	sld [smem:$0x3FFC];
	_ =	sdelay $0x3  }
0xc: {  	_ =	strace s3  }
0xd: {  	s3 =	sld [smem:$0x3FFD];
	_ =	sdelay $0x3  }
0xe: {  	_ =	strace s3  }
0xf: {  	_ =	strace $0x8FFFFFFF  }
0x10: {  	s20 =	sld [smem:$0x3FDB];
	_ =	sdelay $0x1  }
0x11: {  	s4 =	simm.s32 $_scs_section_size  }
0x12: {  	s5 =	simm.s32 $_size__tile_overlayer_lowered;
	s6 =	simm.s32 $_tile_overlayer_lowered  }
0x13: {  	s23 =	simm.s32 $0x1BFF;
	s22 =	sshll.u32 s6, $0x1;
	s3 =	sadd.s32 s4, s20  }
0x14: {  	s7 =	simm.s32 $0x0;
	s21 =	sshll.u32 s5, $0x1;
	s5 =	sadd.s32 s22, s3  }
0x15: {  	[timem:s7], [sflag:s23] =	dma.local [hbm:s5], s21  }
0x16: {  	_ =	swait.ge [sflag:s23], s21  }
0x17: {  	s4 =	ssub.s32 $0x0, s21;
	[sflag:s23] =	ssyncset.done $0x0  }
0x18: {  	[sflag:s23] =	ssyncadd.s32 s4;
	_ =	sdelay $0x1  }
0x19: {  	s24 =	simm.s32 $0x1B8B  }
0x1a: {  	_ =	swait.ge [sflag:s24], $0x1  }
0x1b: {  	[sflag:s24] =	ssyncset.done $0x0  }
0x1c: {  	s26 =	simm.s32 $0x1B8E;
	s25 =	sld [smem:$0x3FFE];
	[sflag:s24] =	ssyncadd.s32 $0xFFFFFFFF  }
0x1d: {  	s27 =	simm.s32 $execute0_lowered;
	[smem:$0x3FD2] =	sst s26  }
0x1e: {  	s5 =	sshll.u32 s27, $0x1;
	_ =	strace $0x80000049;
	[dreg:$0x1] =	wrdreg $0xFFFFFFFF  }
0x1f: {  	s28 =	simm.s32 $_size_execute0_lowered;
	s3 =	sadd.s32 s3, s5;
	[dreg:$0x0] =	wrdreg $0x0  }
0x20: {  	s5 =	sshll.u32 s28, $0x1;
	[dreg:$0x2] =	wrdreg s3  }
0x21: {  	[dreg:$0x3] =	wrdreg s5  }
0x22: {  	[dreg:$0x4] =	wrdreg $0xC0  }
0x23: {  	_ =	task [dreg:s7], $0x5FFFF  }
0x24: {  	[dreg:$0x1] =	wrdreg $0xFFFFFFFF  }
0x25: {  	[dreg:$0x0] =	wrdreg $0x60  }
0x26: {  	[dreg:$0x2] =	wrdreg s25  }
0x27: {  	[dreg:$0x3] =	wrdreg s2  }
0x28: {  	[dreg:$0x4] =	wrdreg $0x9  }
0x29: {  	_ =	task.clear_ibuf [dreg:s7], $0x5FFFF;
	_ =	strace $0x90000049  }
0x2a: {  	s29 =	simm.s32 $0x9;
	_ =	strace $0x8000004B  }
0x2b: {  	_ =	swait.ge [sflag:s29], $0x1  }
0x2c: {  	[sflag:s29] =	ssyncadd.s32 $0xFFFFFFFF  }
0x2d: {  	_ =	strace $0x9000004B  }
0x2e: {  	_ =	sfence  }
0x2f: {  	s30 =	sld [smem:$0x0];
	_ =	sdelay $0x2  }
0x30: {  	s31 =	sshll.u32 s1, $0xD;
	s1 =	sshrl.u32 s1, $0x2  }
0x31: {  	s3 =	sand.u32 $0x4000, s31;
	s1 =	sadd.s32 s1, s30  }
0x32: {  	s0 =	sor.u32 s3, s0;
	s1 =	sshll.u32 s1, $0x11  }
0x33: {  	s0 =	sor.u32 s1, s0  }
0x34: {  	s0 =	sadd.s32 $0x8F2B, s0  }
0x35: {  	[sflag:s0] =	ssyncadd.remote.s32 $0x1  }
0x36: {  	_ =	sfence.sel $0xFFFF  }
0x37: {  	[dreg:$0x0] =	wrdreg $0xFFFFFFFF;
	(pc) =	sbr.abs _section_cstart, $3  }
0x38: {  	[dreg:$0x1] =	wrdreg $0xFFFFFFFF  }
0x39: {  	_ =	task.clear_ibuf [dreg:s7], $0x2FFFF;
	_ =	strace $0x9FFFFFFF  }
0x3a: {  	(tm) =	ssettm $0x7FFFFFFF  }
0x3b: {  	_ =	shalt  }
tec
execute0_lowered:
.L_overlay_start_1:
0x0: {  	(tag) =	ssettag $0x1  }
0x1: {  	s4 =	rddreg [dreg:$0x0]  }
0x2: {  	s0 =	stileid.u32;
	s2 =	rddreg [dreg:$0x1]  }
0x3: {  	s7 =	srdreg.scid;
	s31 =	simm.s32 $0x2;
	s17 =	simm.s32 $0x0  }
0x4: {  	s9 =	simm.s32 $0x2000;
	s19 =	simm.s32 $0x0;
	s18 =	simm.s32 $0x0  }
0x5: {  	s10 =	simm.s32 $0x0;
	s11 =	simm.s32 $0x0;
	s1 =	sshll.u32 s0, $0x7  }
0x6: {  	s12 =	simm.s32 $0x0;
	s14 =	simm.s32 $0x0;
	s3 =	sand.u32 $0x380, s1  }
0x7: {  	s16 =	simm.s32 $0x0;
	s4 =	sadd.s32 $0x400, s4;
	s5 =	ssub.s32 $0x400, s3  }
0x8: {  	s8 =	sshll.u32 s0, $0x4;
	s7 =	sshll.u32 s7, $0x8;
	s6 =	sand.u32 $0x380, s5  }
0x9: {  	s1 =	rddreg [dreg:$0x2];
	p0 =	sne.s32 s6, $0x0;
	s6 =	simm.s32 $0x1  }
.Ltmp0:
0xa: {  	s5 =	sshrl.u32 s5, $0xA;
	s6 =	simm.s32 @!p0 $0x0;
	(pc) =	sbr.rel .LBB1_1-.Ltmp0, $4  }
0xb: {  	_ =	strace $0x8000004A;
	s7 =	sor.u32 s8, s7;
	s6 =	sadd.s32 s6, s5  }
0xc: {  	s7 =	sand.u32 $0x180, s7;
	s5 =	simm.s32 $0x1;
	s6 =	smul.u32 $0x64, s6  }
0xd: {  	s15 =	smov.u32 s3;
	s13 =	smov.u32 s7;
	[sflag:s5] =	ssyncpa.u1 $0x0  }
0xe: {  	p0 =	por $0x0, $0x0;
	[sflag:s31] =	ssyncpa.u1 $0x0;
	s8 =	sor.u32 $0x1, s6  }
.LBB1_4:
0xf: {  	s25 =	sshll.u32 s10, $0xA;
	s24 =	sshra.s32 s24, $0x2;
	s26 =	sshll.u32 s12, $0x3  }
0x10: {  	p1 =	sgt.s32 s11, $0x31;
	s27 =	smov.u32 s11;
	s28 =	sshra.s32 s11, $0x1F  }
0x11: {  	p2 =	sgt.s32 s12, $0x380;
	s31 =	sshra.s32 s12, $0x1F;
	s25 =	sand.u32 $0xFFFFE000, s25  }
0x12: {  	s26 =	sand.u32 $0xFFFFFC00, s26;
	s27 =	simm.s32 @!p1 $0x31;
	s28 =	sand.u32 s28, s11  }
0x13: {  	[tilespmem:s22+$0x2040 ss:$0x81] =	vst.msk $0xffff, v4;
	s23 =	sadd.s32 s24, s23;
	s29 =	sadd.s32 s26, s25;
	s25 =	ssub.s32 s27, s28  }
0x14: {  	[tilespmem:s22+$0x2850 ss:$0x81] =	vst.msk $0xffff, v3;
	s27 =	smov.u32 s12;
	s28 =	smov.u32 s10;
	s26 =	sand.u32 s31, s12  }
0x15: {  	[tilespmem:s22+$0x3060 ss:$0x81] =	vst.msk $0xffff, v2;
	s24 =	sshrl.u32 s29, $0xA;
	s30 =	sadd.s32 $0xFFFFFFCF, s25;
	s27 =	simm.s32 @!p2 $0x380  }
0x16: {  	v5 =	vld [tilespmem:s21+$0xFFFFFFD0];
	[tilespmem:s22+$0x0 ss:$0x81] =	vst.msk $0xffff, v1;
	p2 =	sgt.s32 s10, $0x368;
	s29 =	sshra.s32 s10, $0x1F;
	s22 =	ssub.s32 $0x32, s25  }
0x17: {  	v58 =	vld [tilespmem:s21+$0xFFFFFFE0];
	p1 =	sgt.s32 s30, $0x0;
	s28 =	simm.s32 @!p2 $0x368;
	s29 =	sand.u32 s29, s10  }
0x18: {  	v59 =	vld [tilespmem:s21+$0xFFFFFFF0];
	s26 =	ssub.s32 s27, s26;
	s27 =	smulhi.u32 $0x418938, s24;
	s28 =	ssub.s32 s28, s29  }
0x19: {  	v60 =	vld [tilespmem:s21+$0x0];
	s30 =	sadd.s32 $0xFFFFFC80, s26;
	s25 =	ssub.s32 $0x400, s26;
	s22 =	simm.s32 @p1 $0x0  }
0x1a: {  	v61 =	vld [tilespmem:s21+$0x10];
	[tilespmem:s23+$0x3870 ss:$0x81] =	vst.msk $0xffff, v0;
	s29 =	sand.u32 $0x78, s12;
	p2 =	sgt.s32 s30, $0x7F;
	s31 =	sadd.s32 $0xFFFFFC98, s28  }
0x1b: {  	v62 =	vld [tilespmem:s21+$0x20];
	[tilespmem:s23+$0x810 ss:$0x81] =	vst.msk $0xffff, v5;
	s27 =	smul.u32 $0x3E8, s27;
	s30 =	sshll.u32 s10, $0x7;
	s28 =	ssub.s32 $0x3E8, s28  }
0x1c: {  	v63 =	vld [tilespmem:s21+$0xFFFFFFC0];
	[tilespmem:s23+$0x1020 ss:$0x81] =	vst.msk $0xffff, v58;
	s25 =	simm.s32 @p2 $0x0;
	p1 =	sgt.s32 s31, $0x7F;
	s31 =	smul.u32 $0x1F400, s11  }
0x1d: {  	[tilespmem:s23+$0x1830 ss:$0x81] =	vst.msk $0xffff, v59;
	s21 =	sand.u32 $0x380, s30;
	s22 =	smul.u32 s25, s22;
	s28 =	simm.s32 @p1 $0x0  }
0x1e: {  	[tilespmem:s23+$0x2040 ss:$0x81] =	vst.msk $0xffff, v60;
	s21 =	sor.u32 s29, s21;
	s24 =	ssub.s32 s24, s27;
	s29 =	sand.u32 $0x7, s12  }
0x1f: {  	[tilespmem:s23+$0x2850 ss:$0x81] =	vst.msk $0xffff, v61;
	s21 =	sshrl.u32 s21, $0x3;
	s25 =	sadd.s32 s2, s31;
	s22 =	smul.u32 s28, s22  }
0x20: {  	[tilespmem:s23+$0x3060 ss:$0x81] =	vst.msk $0xffff, v62;
	s24 =	sshll.u32 s24, $0x7;
	s30 =	sshll.u32 s29, $0x12;
	s21 =	sadd.s32 s21, s25  }
0x21: {  	[tilespmem:s23+$0x0 ss:$0x81] =	vst.msk $0xffff, v63;
	s31 =	sor.u32 $0x400, s30;
	s21 =	sadd.s32 s24, s21;
	s22 =	sand.u32 $0x3FFFFFFF, s22  }
0x22: {  	[hbm4b:s21+s31] =	stream.strided.scatter [tilespmem:s20], [sflag:$0x2], s22, s9, s31, $0x20;
	[tilespmem:$0x10100] =	vst v63  }
.LBB1_5:
0x23: {  	p1 =	slt.u32 s16, $0x2  }
0x24: {  	p2 =	sgt.s32 @!p1 s19, $0x31  }
0x25: {  	s20 =	smov.u32 s19;
	s21 =	sshra.s32 @!p1 s19, $0x1F;
	p2 =	por !p2, p1  }
0x26: {  	s19 =	sand.u32 @!p1 s21, s19;
	s20 =	simm.s32 @p2 $0x31  }
0x27: {  	p3 =	sgt.s32 @!p1 s17, $0x368;
	s19 =	ssub.s32 @!p1 s20, s19  }
0x28: {  	p4 =	sgt.s32 @!p1 s18, $0x380;
	s22 =	sshra.s32 @!p1 s18, $0x1F;
	s20 =	sadd.s32 @!p1 $0xFFFFFFCF, s19  }
0x29: {  	s21 =	smov.u32 s17;
	p2 =	sgt.s32 @!p1 s20, $0x0;
	s20 =	sshra.s32 @!p1 s17, $0x1F  }
0x2a: {  	p4 =	por !p4, p1;
	s17 =	sand.u32 @!p1 s20, s17;
	s20 =	smov.u32 s18  }
0x2b: {  	p3 =	por !p3, p1;
	s18 =	sand.u32 @!p1 s22, s18;
	s20 =	simm.s32 @p4 $0x380  }
0x2c: {  	s21 =	simm.s32 @p3 $0x368;
	s19 =	ssub.s32 @!p1 $0x32, s19;
	s18 =	ssub.s32 @!p1 s20, s18  }
0x2d: {  	p2 =	por !p2, p1;
	s17 =	ssub.s32 @!p1 s21, s17;
	s21 =	sadd.s32 @!p1 $0xFFFFFC80, s18  }
0x2e: {  	s19 =	simm.s32 @!p2 $0x0;
	p3 =	sgt.s32 @!p1 s21, $0x7F  }
0x2f: {  	s20 =	sadd.s32 @!p1 $0xFFFFFC98, s17;
	s18 =	ssub.s32 @!p1 $0x400, s18;
	p3 =	por !p3, p1  }
0x30: {  	p2 =	sgt.s32 @!p1 s20, $0x7F;
	s20 =	sadd.s32 $0x200, s13;
	s18 =	simm.s32 @!p3 $0x0  }
0x31: {  	p3 =	sgt.s32 s20, $0x3E7;
	s18 =	smul.u32 @!p1 s18, s19;
	s19 =	simm.s32 $0x1  }
0x32: {  	s17 =	ssub.s32 @!p1 $0x3E8, s17;
	p2 =	por !p2, p1;
	s19 =	simm.s32 @!p3 $0x0  }
0x33: {  	s22 =	smov.u32 s15;
	s17 =	simm.s32 @!p2 $0x0;
	s21 =	sadd.s32 s19, s14  }
0x34: {  	s17 =	smul.u32 @!p1 s17, s18;
	s18 =	sadd.s32 $0x400, s15;
	p2 =	sgt.s32 s21, $0x31  }
0x35: {  	p0 =	por !p0, !p0;
	s23 =	simm.s32 @!p1 $0x2;
	s22 =	smov.u32 @p2 s18  }
0x36: {  	s20 =	smov.u32 @p3 s7;
	s21 =	simm.s32 @p2 $0x0;
	p2 =	sgt.s32 s22, $0x3FF  }
0x37: {  	s19 =	smov.u32 s11;
	s22 =	smov.u32 @p2 s3;
	p2 =	sne.s32 s16, s8  }
.Ltmp1:
0x38: {  	s11 =	smov.u32 s14;
	s17 =	sand.u32 @!p1 $0x3FFFFFFF, s17;
	(pc) =	sbr.rel @!p2 .LBB1_6-.Ltmp1, $4  }
0x39: {  	s18 =	smov.u32 s12;
	s12 =	smov.u32 s15;
	_ =	swait.ge @!p1 [sflag:s23], s17  }
0x3a: {  	s24 =	ssub.s32 @!p1 $0x0, s17;
	s17 =	smov.u32 s10;
	s10 =	smov.u32 s13  }
0x3b: {  	s13 =	smov.u32 s20;
	s14 =	smov.u32 s21;
	[sflag:s23] =	ssyncset.done @!p1 $0x0  }
0x3c: {  	s16 =	sadd.s32 $0x1, s16;
	[sflag:s23] =	ssyncadd.s32 @!p1 s24;
	s15 =	smov.u32 s22  }
.LBB1_1:
0x3d: {  	p1 =	sge.u32 s16, s6  }
0x3e: {  	s20 =	sshll.u32 @!p1 s14, $0xA  }
0x3f: {  	s21 =	sshll.u32 @!p1 s13, $0x3;
	s20 =	sand.u32 @!p1 $0xFFFFE000, s20  }
0x40: {  	s20 =	sadd.s32 @!p1 s20, s21  }
0x41: {  	s20 =	sshrl.u32 @!p1 s20, $0xA  }
0x42: {  	s21 =	smulhi.u32 @!p1 $0x4924925, s20  }
0x43: {  	s22 =	sshll.u32 @!p1 s14, $0x7;
	s24 =	smul.u32 @!p1 $0x1C00, s15  }
0x44: {  	s23 =	sand.u32 @!p1 $0x78, s13;
	s22 =	sand.u32 @!p1 $0x380, s22;
	s21 =	smul.u32 @!p1 $0x38, s21  }
0x45: {  	s31 =	sadd.s32 $0xFFFFFFFF, s16;
	s22 =	sor.u32 @!p1 s23, s22;
	s23 =	sadd.s32 @!p1 s4, s24  }
0x46: {  	s22 =	sshrl.u32 @!p1 s22, $0x3;
	s20 =	ssub.s32 @!p1 s20, s21;
	s21 =	sxor.u32 @!p1 $0xFFFFFFFF, s16  }
0x47: {  	s22 =	sadd.s32 @!p1 s22, s23;
	s23 =	sand.u32 @!p1 $0x7, s13;
	s21 =	sshll.u32 @!p1 s21, $0xE  }
0x48: {  	s23 =	sshll.u32 @!p1 s23, $0x12;
	s20 =	sshll.u32 @!p1 s20, $0x7;
	s21 =	sand.u32 @!p1 $0x4000, s21  }
0x49: {  	s20 =	sadd.s32 @!p1 s20, s22;
	s22 =	sor.u32 @!p1 $0x80, s23;
	s23 =	simm.s32 @!p1 $0xE000  }
0x4a: {  	[tilespmem:s21], [sflag:$0x1] =	stream.strided.gather @!p1 [hbm4b:s20+s22], $0x4000, s23, s22, $0x38;
	[tilespmem:$0x10100] =	vst v63  }
0x4b: {  	p1 =	sge.u32 s31, s6  }
.Ltmp2:
0x4c: {  	_ = 	snop;
	(pc) =	sbr.rel @p1 .LBB1_5-.Ltmp2, $1  }
0x4d: {  	_ =	sdelay $0x3  }
0x4e: {  	s20 =	simm.s32 $0x1  }
0x4f: {  	_ =	swait.ge [sflag:s5], $0x4000;
	s20 =	simm.s32 @!p0 $0x0  }
0x50: {  	[sflag:s5] =	ssyncset.done $0x0;
	s21 =	sshll.u32 s20, $0xE  }
0x51: {  	[sflag:s5] =	ssyncadd.s32 $0xFFFFC000;
	s21 =	sor.u32 $0x40, s21  }
0x52: {  	s20 =	smul.u32 $0x10200, s20;
	v0 =	vld [tilespmem:s21+$0x30]  }
0x53: {  	v1 =	vld [tilespmem:s21+$0xFFFFFFD0]  }
0x54: {  	s20 =	sshrl.u32 s20, $0x2;
	v5 =	vld [tilespmem:s21+$0xFFFFFFE0]  }
0x55: {  	v6 =	vld [tilespmem:s21+$0xFFFFFFF0];
	s23 =	sor.u32 $0x8000, s20  }
0x56: {  	s31 =	sand.u32 $0x1, s16;
	v4 =	vld [tilespmem:s21+$0x0];
	s22 =	sadd.s32 $0x0, s23  }
0x57: {  	v3 =	vld [tilespmem:s21+$0x10];
	s20 =	smul.u32 $0x10200, s31;
	[tilespmem:s22+$0x3870 ss:$0x81] =	vst.msk $0xffff, v0  }
0x58: {  	v2 =	vld [tilespmem:s21+$0x20];
	[tilespmem:s22+$0x810 ss:$0x81] =	vst.msk $0xffff, v1  }
0x59: {  	s20 =	sshrl.u32 s20, $0x2;
	v1 =	vld [tilespmem:s21+$0xFFFFFFC0];
	[tilespmem:s22+$0x1020 ss:$0x81] =	vst.msk $0xffff, v5;
	s21 =	sadd.s32 $0x80, s21  }
0x5a: {  	s24 =	simm.s32 $0x4;
	s25 =	simm.s32 $0x8;
	s20 =	sor.u32 $0x8000, s20;
	[tilespmem:s22+$0x1830 ss:$0x81] =	vst.msk $0xffff, v6;
	v0 =	vld [tilespmem:s21+$0x30]  }
.LBB1_3:
0x5b: {  	p1 =	sne.s32 s25, $0x1FC;
	v5 =	vld [tilespmem:s21+$0xFFFFFFD0];
	[tilespmem:s22+$0x2040 ss:$0x81] =	vst.msk $0xffff, v4  }
0x5c: {  	v6 =	vld [tilespmem:s21+$0xFFFFFFE0];
	[tilespmem:s22+$0x2850 ss:$0x81] =	vst.msk $0xffff, v3  }
0x5d: {  	s26 =	sshra.s32 s24, $0x2;
	s24 =	smov.u32 s25;
	v7 =	vld [tilespmem:s21+$0xFFFFFFF0];
	[tilespmem:s22+$0x3060 ss:$0x81] =	vst.msk $0xffff, v2  }
.Ltmp3:
0x5e: {  	v4 =	vld [tilespmem:s21+$0x0];
	[tilespmem:s22+$0x0 ss:$0x81] =	vst.msk $0xffff, v1;
	s22 =	sadd.s32 s26, s23;
	(pc) =	sbr.rel @p1 .LBB1_3-.Ltmp3, $4  }
0x5f: {  	v3 =	vld [tilespmem:s21+$0x10];
	[tilespmem:s22+$0x3870 ss:$0x81] =	vst.msk $0xffff, v0  }
0x60: {  	[tilespmem:s22+$0x810 ss:$0x81] =	vst.msk $0xffff, v5;
	v2 =	vld [tilespmem:s21+$0x20]  }
0x61: {  	v1 =	vld [tilespmem:s21+$0xFFFFFFC0];
	[tilespmem:s22+$0x1020 ss:$0x81] =	vst.msk $0xffff, v6;
	s21 =	sadd.s32 $0x80, s21  }
0x62: {  	s25 =	sadd.s32 $0x4, s25;
	v0 =	vld [tilespmem:s21+$0x30];
	[tilespmem:s22+$0x1830 ss:$0x81] =	vst.msk $0xffff, v7  }
.Ltmp4:
0x63: {  	_ = 	snop;
	(pc) =	sbr.rel .LBB1_4-.Ltmp4, $1  }
0x64: {  	_ =	sdelay $0x3  }
.LBB1_6:
0x65: {  	_ =	sfence.sel $0x180000  }
0x66: {  	s2 =	simm.s32 $0x1;
	[bflag:$0x0] =	sbarrier.arrive $0xFFFF  }
0x67: {  	s31 =	simm.s32 $0x2;
	[sflag:s2] =	ssyncpa.u1 $0x1  }
0x68: {  	[sflag:s31] =	ssyncpa.u1 $0x1  }
0x69: {  	p0 =	sne.s32 s0, $0x0;
	_ =	strace $0x9000004A  }
0x6a: {  	s0 =	sadd.s32 @!p0 $0x100000, s1;
	[bflag:$0x2] =	sbarrier.arrive $0xFFFF  }
0x6b: {  	[sflag:s0] =	ssyncadd.tile.s32 @!p0 $0x1;
	_ =	shalt  }
.Lfunc_end1:
_tile_overlayer_lowered:
.L_overlay_start_2:
0x6c: {  	(tag) =	ssettag $0x2  }
0x6d: {  	s0 =	rddreg [dreg:$0x0];
	s2 =	stileid.u32  }
0x6e: {  	s1 =	rddreg [dreg:$0x1];
	p0 =	sne.s32 s2, $0x0  }
0x6f: {  	s3 =	rddreg [dreg:$0x2];
	[bflag:$0x3] =	sbarrier.arrive $0xFFFF;
	s2 =	simm.s32 @!p0 $0x1C01  }
0x70: {  	[timem:s3], [sflag:s2] =	dma.local @!p0 [hbm:s0], s1  }
0x71: {  	s0 =	simm.s32 @!p0 $0x1  }
0x72: {  	_ =	swait.ge @!p0 [sflag:s0], s1  }
0x73: {  	s1 =	ssub.s32 @!p0 $0x0, s1;
	[sflag:s0] =	ssyncset.done @!p0 $0x0  }
0x74: {  	[sflag:s0] =	ssyncadd.s32 @!p0 s1  }
0x75: {  	[bflag:$0x3] =	sbarrier.arrive $0xFFFF  }
0x76: {  	_ =	shalt  }

</sc_bundles>
